<compile_context>
chip_gen: v7x
topology: tpu7x:2x2x1
jax: 0.10.2.dev20260603
libtpu: 0.0.44.dev20260713+nightly
codegen_flags: <defaults>
</compile_context>

<pallas_src>
import functools

import jax
import jax.numpy as jnp
from jax import lax
from jax.experimental import pallas as pl
from jax.experimental.pallas import tpu as pltpu
from jax.experimental.pallas import tpu_sc as plsc

B = 4096
C = 1000
D = 512
LAMBDA1 = 0.005
LAMBDA2 = 1.0

PTC = 2048
PTA = 2048
CP = 1024

NC = 2
NS = 16
NW = NC * NS
QSC = B - PTC
BPW = QSC // NW
R = 32
NCH = BPW // R
LN = 16
DV = D // LN

_mesh = plsc.VectorSubcoreMesh(core_axis_name="c", subcore_axis_name="s")


@functools.partial(
    pl.kernel,
    out_type=jax.ShapeDtypeStruct((NW * LN,), jnp.float32),
    mesh=_mesh,
    scratch_types=[
        pltpu.VMEM((BPW + LN,), jnp.int32),
        pltpu.VMEM((2, R, D), jnp.float32),
        pltpu.VMEM((2, R, D), jnp.float32),
        pltpu.VMEM((CP,), jnp.float32),
        pltpu.VMEM((LN,), jnp.float32),
        pltpu.SemaphoreType.DMA((2,)),
        pltpu.SemaphoreType.DMA((2,)),
    ],
)
def _sc_loss(x_hbm, y_hbm, w_hbm, g2_hbm, out_hbm,
             idx_v, xbuf, wbuf, gpv, stage, semx, semw):
    wid = lax.axis_index("s") * NC + lax.axis_index("c")
    base = PTC + wid * BPW

    xcopies = [
        pltpu.async_copy(x_hbm.at[pl.ds(base + c * R, R)], xbuf.at[c & 1],
                         semx.at[c & 1])
        for c in range(min(NCH, 2))
    ]
    pltpu.sync_copy(y_hbm.at[pl.ds(base, BPW)], idx_v.at[pl.ds(0, BPW)])

    def start_chunk(c, b, first=False):
        return (
            xcopies[c] if first else
            pltpu.async_copy(x_hbm.at[pl.ds(base + c * R, R)], xbuf.at[b],
                             semx.at[b]),
            pltpu.async_copy(w_hbm.at[idx_v.at[pl.ds(c * R, R)]], wbuf.at[b],
                             semw.at[b]),
        )

    inflight = [None, None]
    inflight[0] = start_chunk(0, 0, first=True)
    if NCH > 1:
        inflight[1] = start_chunk(1, 1, first=True)
    pltpu.sync_copy(g2_hbm, gpv.at[pl.ds(0, C)])
    zero = jnp.zeros((LN,), jnp.float32)
    accs = (zero, zero, zero, zero)
    for c in range(NCH):
        b = c & 1
        if c + 1 < NCH and c > 0:
            inflight[(c + 1) & 1] = start_chunk(c + 1, (c + 1) & 1)
        for cp in inflight[b]:
            cp.wait()
        xb, wb = xbuf.at[b], wbuf.at[b]

        @plsc.parallel_loop(0, R, step=1, carry=accs)
        def accs(r, carry):
            yr = idx_v[pl.ds(c * R + r, LN)][0]
            g16 = jnp.full((LN,), gpv[pl.ds(yr, LN)][0], jnp.float32)
            a0, a1, a2, a3 = carry
            for dd in range(0, DV, 4):
                t0 = xb[r, pl.ds(dd * LN, LN)] - g16 * wb[r, pl.ds(dd * LN, LN)]
                t1 = xb[r, pl.ds((dd + 1) * LN, LN)] - g16 * wb[r, pl.ds((dd + 1) * LN, LN)]
                t2 = xb[r, pl.ds((dd + 2) * LN, LN)] - g16 * wb[r, pl.ds((dd + 2) * LN, LN)]
                t3 = xb[r, pl.ds((dd + 3) * LN, LN)] - g16 * wb[r, pl.ds((dd + 3) * LN, LN)]
                a0 = a0 + t0 * t0
                a1 = a1 + t1 * t1
                a2 = a2 + t2 * t2
                a3 = a3 + t3 * t3
            return a0, a1, a2, a3

    stage[...] = (accs[0] + accs[1]) + (accs[2] + accs[3])
    pltpu.sync_copy(stage, out_hbm.at[pl.ds(wid * LN, LN)])


def _make_tc_part(row_off, rows, bbt):
    blk_off = row_off // bbt

    def body(y_ref, x_ref, w_ref, g_ref, out_ref, s_acc, ssq):
        pid = pl.program_id(0)
        nb = pl.num_programs(0)

        @pl.when(pid == 0)
        def _():
            s_acc[...] = jnp.zeros_like(s_acc)
            ssq[0] = 0.0

        xb = x_ref[...]
        yb = y_ref[...]
        ssq[0] += jnp.sum(xb * xb)
        iot = lax.broadcasted_iota(jnp.int32, (CP, bbt), 0)
        oh = (iot == yb[None, :]).astype(jnp.bfloat16)
        xaug = jnp.concatenate(
            [xb.astype(jnp.bfloat16), jnp.ones((bbt, 128), jnp.bfloat16)],
            axis=1)
        s_acc[...] += lax.dot_general(oh, xaug,
                                      (((1,), (0,)), ((), ())),
                                      preferred_element_type=jnp.float32)

        @pl.when(pid == nb - 1)
        def _():
            w = w_ref[...]
            g = g_ref[...]
            sl = s_acc[pl.ds(0, C), pl.ds(0, D)]
            nl = s_acc[pl.ds(0, C), pl.ds(D, 128)][:, 0:1]
            term2 = jnp.sum(sl * w * g)
            w2 = jnp.sum(w * w, axis=1, keepdims=True)
            term3 = jnp.sum(nl * g * g * w2)
            sg = jnp.sum(g)
            sg2 = jnp.sum(g * g)
            vals = [ssq[0] - 2.0 * term2 + term3, sg, sg2]
            out_ref[...] = jnp.concatenate(
                [jnp.full((1, 128), v, jnp.float32) for v in vals], axis=0)

    return pl.pallas_call(
        body,
        grid=(rows // bbt,),
        in_specs=[
            pl.BlockSpec((bbt,), lambda i: (i + blk_off,)),
            pl.BlockSpec((bbt, D), lambda i: (i + blk_off, 0)),
            pl.BlockSpec((C, D), lambda i: (0, 0)),
            pl.BlockSpec((C, 1), lambda i: (0, 0)),
        ],
        out_specs=pl.BlockSpec((3, 128), lambda i: (0, 0)),
        out_shape=jax.ShapeDtypeStruct((3, 128), jnp.float32),
        scratch_shapes=[
            pltpu.VMEM((CP, D + 128), jnp.float32),
            pltpu.SMEM((1,), jnp.float32),
        ],
    )


_tc_part = _make_tc_part(0, PTC, PTA)


def kernel(output_features, y_truth, fixed_weights, centers_gamma):
    gflat = centers_gamma.reshape(-1)
    out_sc = _sc_loss(output_features, y_truth, fixed_weights, gflat)
    out_tc = _tc_part(y_truth, output_features, fixed_weights, centers_gamma)

    loss1 = 0.5 * (jnp.sum(out_sc) + out_tc[0, 0]) / B
    sg = out_tc[1, 0]
    sg2 = out_tc[2, 0]
    L = 2.0 * (C - 1) * sg2 + 2.0 * (sg * sg - sg2) / (C - 1)
    loss2 = C * (C - 1) / L
    return LAMBDA1 * loss1 + LAMBDA2 * loss2

# --- scband reference (transcript-rebuilt; emitter-appended) ---
"""Pipeline reference for scband-fixed-center-loss-83794811945268 (READ-ONLY COPY).

The authoritative reference and input builder live on the scoring server;
editing this copy changes nothing except your own understanding.
"""

import jax, jax.numpy as jnp
import numpy as np

NUM_CLASS = 1000
FEAT_DIM = 512
BATCH = 4096
LAMBDA1 = 0.005
LAMBDA2 = 1.0


def setup_inputs(seed: int = 0) -> dict:
    key = jax.random.key(seed)
    k1, k2, k3 = jax.random.split(key, 3)
    output_features = jax.random.normal(k1, (BATCH, FEAT_DIM), dtype=jnp.float32)
    y_truth = jax.random.randint(k2, (BATCH,), 0, NUM_CLASS, dtype=jnp.int32)
    # fixed_weights is a constructor-supplied buffer of shape [num_class, feat_dim]
    fixed_weights = jax.random.normal(k3, (NUM_CLASS, FEAT_DIM), dtype=jnp.float32)
    # centers_gamma is the learned nn.Parameter, initialized to ones [num_class, 1]
    centers_gamma = jnp.ones((NUM_CLASS, 1), dtype=jnp.float32)
    return {
        'output_features': output_features,
        'y_truth': y_truth,
        'fixed_weights': fixed_weights,
        'centers_gamma': centers_gamma,
    }


def reference(output_features, y_truth, fixed_weights, centers_gamma):
    batch_size = output_features.shape[0]
    num_class = centers_gamma.shape[0]

    # CenterLossFunc.forward
    centers = fixed_weights * centers_gamma  # [C, D], broadcast over feature dim
    centers_batch = jnp.take(centers, y_truth, axis=0)  # gather rows by label
    loss1 = jnp.sum(jnp.square(output_features - centers_batch)) * 0.5 / batch_size

    # InterFunc.forward
    g = centers_gamma  # [C, 1]
    tmp = jnp.sum(jnp.square(g))
    L = 2.0 * (num_class - 1) * tmp + 2.0 * (jnp.sum(g @ g.T) - tmp) / (num_class - 1)
    loss2 = num_class * (num_class - 1) / L

    return LAMBDA1 * loss1 + LAMBDA2 * loss2

if __name__ == "__main__":
    import jax
    _d = setup_inputs()
    print(jax.jit(kernel)(*tuple(_d.values())))

</pallas_src>

<mosaic_0001>
#map = affine_map<(d0, d1) -> (0, 0)>
#map1 = affine_map<(d0, d1) -> (0)>
module attributes {stable_mosaic.version = 14 : i64} {
  func.func @_sc_loss(%arg0: i32, %arg1: i32, %arg2: memref<4096x512xf32, #tpu.memory_space<hbm>>, %arg3: memref<4096xi32, #tpu.memory_space<hbm>>, %arg4: memref<1000x512xf32, #tpu.memory_space<hbm>>, %arg5: memref<1000xf32, #tpu.memory_space<hbm>>, %arg6: memref<512xf32, #tpu.memory_space<hbm>>, %arg7: memref<80xi32, #tpu.memory_space<vmem>>, %arg8: memref<2x32x512xf32, #tpu.memory_space<vmem>>, %arg9: memref<2x32x512xf32, #tpu.memory_space<vmem>>, %arg10: memref<1024xf32, #tpu.memory_space<vmem>>, %arg11: memref<16xf32, #tpu.memory_space<vmem>>, %arg12: memref<2x!tpu.dma_semaphore, #tpu.memory_space<semaphore_mem>>, %arg13: memref<2x!tpu.dma_semaphore, #tpu.memory_space<semaphore_mem>>) attributes {dimension_semantics = [#tpu.dimension_semantics<core_parallel>, #tpu.dimension_semantics<subcore_parallel>], iteration_bounds = array<i64: 2, 16>, scalar_prefetch = 0 : i64, scratch_operands = 7 : i64, tpu.core_type = #tpu.core_type<sc_vector_subcore>, window_params = [{transform_indices = #map}, {transform_indices = #map1}, {transform_indices = #map}, {transform_indices = #map1}, {transform_indices = #map1}]} {
    %mul3A = arith.constant 2 : i32
    %mul3A_0 = arith.muli %arg1, %mul3A : i32
    %add3A = arith.addi %mul3A_0, %arg0 : i32
    %mul3A_1 = arith.constant 64 : i32
    %mul3A_2 = arith.muli %add3A, %mul3A_1 : i32
    %add3A_3 = arith.constant 2048 : i32
    %add3A_4 = arith.addi %add3A_3, %mul3A_2 : i32
    %add3A_5 = arith.constant 0 : i32
    %add3A_6 = arith.addi %add3A_4, %add3A_5 : i32
    %dma_start3A = arith.constant 0 : i32
    %dma_start3A_7 = arith.constant 0 : i32
    %dma_start3A_8 = arith.constant 0 : i32
    %dma_start3A_9 = arith.constant 0 : i32
    %dma_start3A_10 = tpu.memref_slice %arg8[%dma_start3A, %dma_start3A_8, %dma_start3A_9] : memref<2x32x512xf32, #tpu.memory_space<vmem>> -> memref<1x32x512xf32, #tpu.memory_space<vmem>>
    %dma_start3A_11 = tpu.memref_squeeze %dma_start3A_10 : memref<1x32x512xf32, #tpu.memory_space<vmem>> -> memref<32x512xf32, #tpu.memory_space<vmem>>
    %dma_start3A_12 = arith.constant 0 : i32
    %dma_start3A_13 = tpu.memref_slice %arg2[%add3A_6, %dma_start3A_12] : memref<4096x512xf32, #tpu.memory_space<hbm>> -> memref<32x512xf32, #tpu.memory_space<hbm>>
    %dma_start3A_14 = tpu.memref_slice %arg12[%dma_start3A_7] : memref<2x!tpu.dma_semaphore, #tpu.memory_space<semaphore_mem>> -> memref<1x!tpu.dma_semaphore, #tpu.memory_space<semaphore_mem>>
    %dma_start3A_15 = tpu.memref_squeeze %dma_start3A_14 : memref<1x!tpu.dma_semaphore, #tpu.memory_space<semaphore_mem>> -> memref<!tpu.dma_semaphore, #tpu.memory_space<semaphore_mem>>
    %dma_start3A_16 = arith.constant 0 : i32
    %dma_start3A_17 = arith.constant 0 : i32
    %dma_start3A_18 = tpu.memref_slice %arg8[%dma_start3A, %dma_start3A_16, %dma_start3A_17] : memref<2x32x512xf32, #tpu.memory_space<vmem>> -> memref<1x32x512xf32, #tpu.memory_space<vmem>>
    %dma_start3A_19 = tpu.memref_squeeze %dma_start3A_18 : memref<1x32x512xf32, #tpu.memory_space<vmem>> -> memref<32x512xf32, #tpu.memory_space<vmem>>
    %dma_start3A_20 = arith.constant 0 : i32
    %dma_start3A_21 = tpu.memref_slice %arg2[%add3A_6, %dma_start3A_20] : memref<4096x512xf32, #tpu.memory_space<hbm>> -> memref<32x512xf32, #tpu.memory_space<hbm>>
    tpu.enqueue_dma source(%dma_start3A_21 : memref<32x512xf32, #tpu.memory_space<hbm>>) target(%dma_start3A_19 : memref<32x512xf32, #tpu.memory_space<vmem>>) target_semaphore(%dma_start3A_15 : memref<!tpu.dma_semaphore, #tpu.memory_space<semaphore_mem>>)
    %add3A_22 = arith.constant 32 : i32
    %add3A_23 = arith.addi %add3A_4, %add3A_22 : i32
    %dma_start3A_24 = arith.constant 1 : i32
    %dma_start3A_25 = arith.constant 1 : i32
    %dma_start3A_26 = arith.constant 0 : i32
    %dma_start3A_27 = arith.constant 0 : i32
    %dma_start3A_28 = tpu.memref_slice %arg8[%dma_start3A_24, %dma_start3A_26, %dma_start3A_27] : memref<2x32x512xf32, #tpu.memory_space<vmem>> -> memref<1x32x512xf32, #tpu.memory_space<vmem>>
    %dma_start3A_29 = tpu.memref_squeeze %dma_start3A_28 : memref<1x32x512xf32, #tpu.memory_space<vmem>> -> memref<32x512xf32, #tpu.memory_space<vmem>>
    %dma_start3A_30 = arith.constant 0 : i32
    %dma_start3A_31 = tpu.memref_slice %arg2[%add3A_23, %dma_start3A_30] : memref<4096x512xf32, #tpu.memory_space<hbm>> -> memref<32x512xf32, #tpu.memory_space<hbm>>
    %dma_start3A_32 = tpu.memref_slice %arg12[%dma_start3A_25] : memref<2x!tpu.dma_semaphore, #tpu.memory_space<semaphore_mem>> -> memref<1x!tpu.dma_semaphore, #tpu.memory_space<semaphore_mem>>
    %dma_start3A_33 = tpu.memref_squeeze %dma_start3A_32 : memref<1x!tpu.dma_semaphore, #tpu.memory_space<semaphore_mem>> -> memref<!tpu.dma_semaphore, #tpu.memory_space<semaphore_mem>>
    %dma_start3A_34 = arith.constant 0 : i32
    %dma_start3A_35 = arith.constant 0 : i32
    %dma_start3A_36 = tpu.memref_slice %arg8[%dma_start3A_24, %dma_start3A_34, %dma_start3A_35] : memref<2x32x512xf32, #tpu.memory_space<vmem>> -> memref<1x32x512xf32, #tpu.memory_space<vmem>>
    %dma_start3A_37 = tpu.memref_squeeze %dma_start3A_36 : memref<1x32x512xf32, #tpu.memory_space<vmem>> -> memref<32x512xf32, #tpu.memory_space<vmem>>
    %dma_start3A_38 = arith.constant 0 : i32
    %dma_start3A_39 = tpu.memref_slice %arg2[%add3A_23, %dma_start3A_38] : memref<4096x512xf32, #tpu.memory_space<hbm>> -> memref<32x512xf32, #tpu.memory_space<hbm>>
    tpu.enqueue_dma source(%dma_start3A_39 : memref<32x512xf32, #tpu.memory_space<hbm>>) target(%dma_start3A_37 : memref<32x512xf32, #tpu.memory_space<vmem>>) target_semaphore(%dma_start3A_33 : memref<!tpu.dma_semaphore, #tpu.memory_space<semaphore_mem>>)
    "tpu.region"() ({
      %run_scoped3A = tpu.sem_alloc : memref<!tpu.dma_semaphore, #tpu.memory_space<semaphore_mem>>
      %dma_start3A_143 = arith.constant 0 : i32
      %dma_start3A_144 = tpu.memref_slice %arg7[%dma_start3A_143] : memref<80xi32, #tpu.memory_space<vmem>> -> memref<64xi32, #tpu.memory_space<vmem>>
      %dma_start3A_145 = tpu.memref_slice %arg3[%add3A_4] : memref<4096xi32, #tpu.memory_space<hbm>> -> memref<64xi32, #tpu.memory_space<hbm>>
      %dma_start3A_146 = arith.constant 0 : i32
      %dma_start3A_147 = tpu.memref_slice %arg7[%dma_start3A_146] : memref<80xi32, #tpu.memory_space<vmem>> -> memref<64xi32, #tpu.memory_space<vmem>>
      %dma_start3A_148 = tpu.memref_slice %arg3[%add3A_4] : memref<4096xi32, #tpu.memory_space<hbm>> -> memref<64xi32, #tpu.memory_space<hbm>>
      tpu.enqueue_dma source(%dma_start3A_148 : memref<64xi32, #tpu.memory_space<hbm>>) target(%dma_start3A_147 : memref<64xi32, #tpu.memory_space<vmem>>) target_semaphore(%run_scoped3A : memref<!tpu.dma_semaphore, #tpu.memory_space<semaphore_mem>>)
      %dma_wait3A_149 = arith.constant 0 : i32
      %dma_wait3A_150 = tpu.memref_slice %arg7[%dma_wait3A_149] : memref<80xi32, #tpu.memory_space<vmem>> -> memref<64xi32, #tpu.memory_space<vmem>>
      %dma_wait3A_151 = tpu.memref_slice %arg3[%add3A_4] : memref<4096xi32, #tpu.memory_space<hbm>> -> memref<64xi32, #tpu.memory_space<hbm>>
      %dma_wait3A_152 = arith.constant 0 : i32
      %dma_wait3A_153 = tpu.memref_slice %arg7[%dma_wait3A_152] : memref<80xi32, #tpu.memory_space<vmem>> -> memref<64xi32, #tpu.memory_space<vmem>>
      %dma_wait3A_154 = tpu.memref_slice %arg3[%add3A_4] : memref<4096xi32, #tpu.memory_space<hbm>> -> memref<64xi32, #tpu.memory_space<hbm>>
      tpu.wait_dma2 semaphore(%run_scoped3A : memref<!tpu.dma_semaphore, #tpu.memory_space<semaphore_mem>>) src(%dma_wait3A_154 : memref<64xi32, #tpu.memory_space<hbm>>) dst(%dma_wait3A_153 : memref<64xi32, #tpu.memory_space<vmem>>)
      tpu.yield
    }) : () -> ()
    %dma_start3A_40 = arith.constant 0 : i32
    %dma_start3A_41 = arith.constant 0 : i32
    %dma_start3A_42 = arith.constant 0 : i32
    %dma_start3A_43 = arith.constant 0 : i32
    %dma_start3A_44 = tpu.memref_slice %arg9[%dma_start3A_40, %dma_start3A_42, %dma_start3A_43] : memref<2x32x512xf32, #tpu.memory_space<vmem>> -> memref<1x32x512xf32, #tpu.memory_space<vmem>>
    %dma_start3A_45 = tpu.memref_squeeze %dma_start3A_44 : memref<1x32x512xf32, #tpu.memory_space<vmem>> -> memref<32x512xf32, #tpu.memory_space<vmem>>
    %dma_start3A_46 = arith.constant 0 : i32
    %dma_start3A_47 = tpu.memref_slice %arg7[%dma_start3A_46] : memref<80xi32, #tpu.memory_space<vmem>> -> memref<32xi32, #tpu.memory_space<vmem>>
    %dma_start3A_48 = arith.constant 0 : i32
    %dma_start3A_49 = arith.constant 0 : i32
    %dma_start3A_50 = tpu.memref_slice %arg4[%dma_start3A_48, %dma_start3A_49] : memref<1000x512xf32, #tpu.memory_space<hbm>> -> memref<1000x512xf32, #tpu.memory_space<hbm>>
    %dma_start3A_51 = tpu.memref_slice %arg13[%dma_start3A_41] : memref<2x!tpu.dma_semaphore, #tpu.memory_space<semaphore_mem>> -> memref<1x!tpu.dma_semaphore, #tpu.memory_space<semaphore_mem>>
    %dma_start3A_52 = tpu.memref_squeeze %dma_start3A_51 : memref<1x!tpu.dma_semaphore, #tpu.memory_space<semaphore_mem>> -> memref<!tpu.dma_semaphore, #tpu.memory_space<semaphore_mem>>
    tpu.enqueue_indirect_dma source(%dma_start3A_50 : memref<1000x512xf32, #tpu.memory_space<hbm>>) target(%dma_start3A_45 : memref<32x512xf32, #tpu.memory_space<vmem>>) offsets(%dma_start3A_47 : memref<32xi32, #tpu.memory_space<vmem>>) semaphore(%dma_start3A_52 : memref<!tpu.dma_semaphore, #tpu.memory_space<semaphore_mem>>)
    %dma_start3A_53 = arith.constant 1 : i32
    %dma_start3A_54 = arith.constant 1 : i32
    %dma_start3A_55 = arith.constant 0 : i32
    %dma_start3A_56 = arith.constant 0 : i32
    %dma_start3A_57 = tpu.memref_slice %arg9[%dma_start3A_53, %dma_start3A_55, %dma_start3A_56] : memref<2x32x512xf32, #tpu.memory_space<vmem>> -> memref<1x32x512xf32, #tpu.memory_space<vmem>>
    %dma_start3A_58 = tpu.memref_squeeze %dma_start3A_57 : memref<1x32x512xf32, #tpu.memory_space<vmem>> -> memref<32x512xf32, #tpu.memory_space<vmem>>
    %dma_start3A_59 = arith.constant 32 : i32
    %dma_start3A_60 = tpu.memref_slice %arg7[%dma_start3A_59] : memref<80xi32, #tpu.memory_space<vmem>> -> memref<32xi32, #tpu.memory_space<vmem>>
    %dma_start3A_61 = arith.constant 0 : i32
    %dma_start3A_62 = arith.constant 0 : i32
    %dma_start3A_63 = tpu.memref_slice %arg4[%dma_start3A_61, %dma_start3A_62] : memref<1000x512xf32, #tpu.memory_space<hbm>> -> memref<1000x512xf32, #tpu.memory_space<hbm>>
    %dma_start3A_64 = tpu.memref_slice %arg13[%dma_start3A_54] : memref<2x!tpu.dma_semaphore, #tpu.memory_space<semaphore_mem>> -> memref<1x!tpu.dma_semaphore, #tpu.memory_space<semaphore_mem>>
    %dma_start3A_65 = tpu.memref_squeeze %dma_start3A_64 : memref<1x!tpu.dma_semaphore, #tpu.memory_space<semaphore_mem>> -> memref<!tpu.dma_semaphore, #tpu.memory_space<semaphore_mem>>
    tpu.enqueue_indirect_dma source(%dma_start3A_63 : memref<1000x512xf32, #tpu.memory_space<hbm>>) target(%dma_start3A_58 : memref<32x512xf32, #tpu.memory_space<vmem>>) offsets(%dma_start3A_60 : memref<32xi32, #tpu.memory_space<vmem>>) semaphore(%dma_start3A_65 : memref<!tpu.dma_semaphore, #tpu.memory_space<semaphore_mem>>)
    "tpu.region"() ({
      %run_scoped3A = tpu.sem_alloc : memref<!tpu.dma_semaphore, #tpu.memory_space<semaphore_mem>>
      %dma_start3A_143 = arith.constant 0 : i32
      %dma_start3A_144 = tpu.memref_slice %arg10[%dma_start3A_143] : memref<1024xf32, #tpu.memory_space<vmem>> -> memref<1000xf32, #tpu.memory_space<vmem>>
      %dma_start3A_145 = arith.constant 0 : i32
      %dma_start3A_146 = tpu.memref_slice %arg10[%dma_start3A_145] : memref<1024xf32, #tpu.memory_space<vmem>> -> memref<1000xf32, #tpu.memory_space<vmem>>
      tpu.enqueue_dma source(%arg5 : memref<1000xf32, #tpu.memory_space<hbm>>) target(%dma_start3A_146 : memref<1000xf32, #tpu.memory_space<vmem>>) target_semaphore(%run_scoped3A : memref<!tpu.dma_semaphore, #tpu.memory_space<semaphore_mem>>)
      %dma_wait3A_147 = arith.constant 0 : i32
      %dma_wait3A_148 = tpu.memref_slice %arg10[%dma_wait3A_147] : memref<1024xf32, #tpu.memory_space<vmem>> -> memref<1000xf32, #tpu.memory_space<vmem>>
      %dma_wait3A_149 = arith.constant 0 : i32
      %dma_wait3A_150 = tpu.memref_slice %arg10[%dma_wait3A_149] : memref<1024xf32, #tpu.memory_space<vmem>> -> memref<1000xf32, #tpu.memory_space<vmem>>
      tpu.wait_dma2 semaphore(%run_scoped3A : memref<!tpu.dma_semaphore, #tpu.memory_space<semaphore_mem>>) src(%arg5 : memref<1000xf32, #tpu.memory_space<hbm>>) dst(%dma_wait3A_150 : memref<1000xf32, #tpu.memory_space<vmem>>)
      tpu.yield
    }) : () -> ()
    %broadcast_in_dim3A = arith.constant 0.000000e+00 : f32
    %broadcast_in_dim3A_66 = vector.broadcast %broadcast_in_dim3A : f32 to vector<16xf32>
    %dma_wait3A = arith.constant 0 : i32
    %dma_wait3A_67 = arith.constant 0 : i32
    %dma_wait3A_68 = arith.constant 0 : i32
    %dma_wait3A_69 = arith.constant 0 : i32
    %dma_wait3A_70 = tpu.memref_slice %arg8[%dma_wait3A, %dma_wait3A_68, %dma_wait3A_69] : memref<2x32x512xf32, #tpu.memory_space<vmem>> -> memref<1x32x512xf32, #tpu.memory_space<vmem>>
    %dma_wait3A_71 = tpu.memref_squeeze %dma_wait3A_70 : memref<1x32x512xf32, #tpu.memory_space<vmem>> -> memref<32x512xf32, #tpu.memory_space<vmem>>
    %dma_wait3A_72 = arith.constant 0 : i32
    %dma_wait3A_73 = tpu.memref_slice %arg2[%add3A_6, %dma_wait3A_72] : memref<4096x512xf32, #tpu.memory_space<hbm>> -> memref<32x512xf32, #tpu.memory_space<hbm>>
    %dma_wait3A_74 = tpu.memref_slice %arg12[%dma_wait3A_67] : memref<2x!tpu.dma_semaphore, #tpu.memory_space<semaphore_mem>> -> memref<1x!tpu.dma_semaphore, #tpu.memory_space<semaphore_mem>>
    %dma_wait3A_75 = tpu.memref_squeeze %dma_wait3A_74 : memref<1x!tpu.dma_semaphore, #tpu.memory_space<semaphore_mem>> -> memref<!tpu.dma_semaphore, #tpu.memory_space<semaphore_mem>>
    %dma_wait3A_76 = arith.constant 0 : i32
    %dma_wait3A_77 = arith.constant 0 : i32
    %dma_wait3A_78 = tpu.memref_slice %arg8[%dma_wait3A, %dma_wait3A_76, %dma_wait3A_77] : memref<2x32x512xf32, #tpu.memory_space<vmem>> -> memref<1x32x512xf32, #tpu.memory_space<vmem>>
    %dma_wait3A_79 = tpu.memref_squeeze %dma_wait3A_78 : memref<1x32x512xf32, #tpu.memory_space<vmem>> -> memref<32x512xf32, #tpu.memory_space<vmem>>
    %dma_wait3A_80 = arith.constant 0 : i32
    %dma_wait3A_81 = tpu.memref_slice %arg2[%add3A_6, %dma_wait3A_80] : memref<4096x512xf32, #tpu.memory_space<hbm>> -> memref<32x512xf32, #tpu.memory_space<hbm>>
    tpu.wait_dma2 semaphore(%dma_wait3A_75 : memref<!tpu.dma_semaphore, #tpu.memory_space<semaphore_mem>>) src(%dma_wait3A_81 : memref<32x512xf32, #tpu.memory_space<hbm>>) dst(%dma_wait3A_79 : memref<32x512xf32, #tpu.memory_space<vmem>>)
    %dma_wait3A_82 = arith.constant 0 : i32
    %dma_wait3A_83 = arith.constant 0 : i32
    %dma_wait3A_84 = arith.constant 0 : i32
    %dma_wait3A_85 = arith.constant 0 : i32
    %dma_wait3A_86 = tpu.memref_slice %arg9[%dma_wait3A_82, %dma_wait3A_84, %dma_wait3A_85] : memref<2x32x512xf32, #tpu.memory_space<vmem>> -> memref<1x32x512xf32, #tpu.memory_space<vmem>>
    %dma_wait3A_87 = tpu.memref_squeeze %dma_wait3A_86 : memref<1x32x512xf32, #tpu.memory_space<vmem>> -> memref<32x512xf32, #tpu.memory_space<vmem>>
    %dma_wait3A_88 = arith.constant 0 : i32
    %dma_wait3A_89 = tpu.memref_slice %arg7[%dma_wait3A_88] : memref<80xi32, #tpu.memory_space<vmem>> -> memref<32xi32, #tpu.memory_space<vmem>>
    %dma_wait3A_90 = arith.constant 0 : i32
    %dma_wait3A_91 = arith.constant 0 : i32
    %dma_wait3A_92 = tpu.memref_slice %arg4[%dma_wait3A_90, %dma_wait3A_91] : memref<1000x512xf32, #tpu.memory_space<hbm>> -> memref<1000x512xf32, #tpu.memory_space<hbm>>
    %dma_wait3A_93 = tpu.memref_slice %arg13[%dma_wait3A_83] : memref<2x!tpu.dma_semaphore, #tpu.memory_space<semaphore_mem>> -> memref<1x!tpu.dma_semaphore, #tpu.memory_space<semaphore_mem>>
    %dma_wait3A_94 = tpu.memref_squeeze %dma_wait3A_93 : memref<1x!tpu.dma_semaphore, #tpu.memory_space<semaphore_mem>> -> memref<!tpu.dma_semaphore, #tpu.memory_space<semaphore_mem>>
    tpu.wait_indirect_dma semaphore(%dma_wait3A_94 : memref<!tpu.dma_semaphore, #tpu.memory_space<semaphore_mem>>) src(%dma_wait3A_92 : memref<1000x512xf32, #tpu.memory_space<hbm>>) dst(%dma_wait3A_87 : memref<32x512xf32, #tpu.memory_space<vmem>>)
    %parallel_loop3A = arith.constant 0 : i32
    %parallel_loop3A_95 = arith.constant 32 : i32
    %parallel_loop3A_96 = arith.constant 1 : i32
    %parallel_loop3A_97 = arith.constant 0 : i32
    %parallel_loop3A_98 = arith.constant 0 : i32
    %parallel_loop3A_99:4 = scf.for %parallel_loop3A_143 = %parallel_loop3A to %parallel_loop3A_95 step %parallel_loop3A_96 iter_args(%parallel_loop3A_144 = %broadcast_in_dim3A_66, %parallel_loop3A_145 = %broadcast_in_dim3A_66, %parallel_loop3A_146 = %broadcast_in_dim3A_66, %parallel_loop3A_147 = %broadcast_in_dim3A_66) -> (vector<16xf32>, vector<16xf32>, vector<16xf32>, vector<16xf32>)  : i32 {
      %parallel_loop3A_148 = arith.constant 0 : i32
      %parallel_loop3A_149 = arith.addi %parallel_loop3A_148, %parallel_loop3A_143 : i32
      %parallel_loop3A_150 = arith.index_cast %parallel_loop3A_149 : i32 to index
      %parallel_loop3A_151 = tpu.vector_load %arg7[%parallel_loop3A_150] {strides = array<i32>} : memref<80xi32, #tpu.memory_space<vmem>>, vector<16xi32>,
      %parallel_loop3A_152 = vector.shape_cast %parallel_loop3A_151 : vector<16xi32> to vector<16xi32>
      %parallel_loop3A_153 = vector.extract_strided_slice %parallel_loop3A_152 {offsets = [0], sizes = [1], strides = [1]} : vector<16xi32> to vector<1xi32>
      %parallel_loop3A_154 = vector.extract %parallel_loop3A_153[0] : i32 from vector<1xi32>
      %parallel_loop3A_155 = arith.index_cast %parallel_loop3A_154 : i32 to index
      %parallel_loop3A_156 = tpu.vector_load %arg10[%parallel_loop3A_155] {strides = array<i32>} : memref<1024xf32, #tpu.memory_space<vmem>>, vector<16xf32>,
      %parallel_loop3A_157 = vector.shape_cast %parallel_loop3A_156 : vector<16xf32> to vector<16xf32>
      %parallel_loop3A_158 = vector.extract_strided_slice %parallel_loop3A_157 {offsets = [0], sizes = [1], strides = [1]} : vector<16xf32> to vector<1xf32>
      %parallel_loop3A_159 = vector.extract %parallel_loop3A_158[0] : f32 from vector<1xf32>
      %parallel_loop3A_160 = vector.broadcast %parallel_loop3A_159 : f32 to vector<16xf32>
      %parallel_loop3A_161 = arith.constant 0 : i32
      %parallel_loop3A_162 = arith.constant 0 : i32
      %parallel_loop3A_163 = tpu.memref_slice %arg8[%parallel_loop3A_97, %parallel_loop3A_161, %parallel_loop3A_162] : memref<2x32x512xf32, #tpu.memory_space<vmem>> -> memref<1x32x512xf32, #tpu.memory_space<vmem>>
      %parallel_loop3A_164 = tpu.memref_squeeze %parallel_loop3A_163 : memref<1x32x512xf32, #tpu.memory_space<vmem>> -> memref<32x512xf32, #tpu.memory_space<vmem>>
      %parallel_loop3A_165 = arith.index_cast %parallel_loop3A_143 : i32 to index
      %parallel_loop3A_166 = arith.constant 0 : index
      %parallel_loop3A_167 = tpu.vector_load %parallel_loop3A_164[%parallel_loop3A_165, %parallel_loop3A_166] {strides = array<i32>} : memref<32x512xf32, #tpu.memory_space<vmem>>, vector<1x16xf32>,
      %parallel_loop3A_168 = vector.shape_cast %parallel_loop3A_167 : vector<1x16xf32> to vector<16xf32>
      %parallel_loop3A_169 = arith.constant 0 : i32
      %parallel_loop3A_170 = arith.constant 0 : i32
      %parallel_loop3A_171 = tpu.memref_slice %arg9[%parallel_loop3A_98, %parallel_loop3A_169, %parallel_loop3A_170] : memref<2x32x512xf32, #tpu.memory_space<vmem>> -> memref<1x32x512xf32, #tpu.memory_space<vmem>>
      %parallel_loop3A_172 = tpu.memref_squeeze %parallel_loop3A_171 : memref<1x32x512xf32, #tpu.memory_space<vmem>> -> memref<32x512xf32, #tpu.memory_space<vmem>>
      %parallel_loop3A_173 = arith.index_cast %parallel_loop3A_143 : i32 to index
      %parallel_loop3A_174 = arith.constant 0 : index
      %parallel_loop3A_175 = tpu.vector_load %parallel_loop3A_172[%parallel_loop3A_173, %parallel_loop3A_174] {strides = array<i32>} : memref<32x512xf32, #tpu.memory_space<vmem>>, vector<1x16xf32>,
      %parallel_loop3A_176 = vector.shape_cast %parallel_loop3A_175 : vector<1x16xf32> to vector<16xf32>
      %parallel_loop3A_177 = arith.mulf %parallel_loop3A_160, %parallel_loop3A_176 : vector<16xf32>
      %parallel_loop3A_178 = arith.subf %parallel_loop3A_168, %parallel_loop3A_177 : vector<16xf32>
      %parallel_loop3A_179 = arith.constant 0 : i32
      %parallel_loop3A_180 = arith.constant 0 : i32
      %parallel_loop3A_181 = tpu.memref_slice %arg8[%parallel_loop3A_97, %parallel_loop3A_179, %parallel_loop3A_180] : memref<2x32x512xf32, #tpu.memory_space<vmem>> -> memref<1x32x512xf32, #tpu.memory_space<vmem>>
      %parallel_loop3A_182 = tpu.memref_squeeze %parallel_loop3A_181 : memref<1x32x512xf32, #tpu.memory_space<vmem>> -> memref<32x512xf32, #tpu.memory_space<vmem>>
      %parallel_loop3A_183 = arith.index_cast %parallel_loop3A_143 : i32 to index
      %parallel_loop3A_184 = arith.constant 16 : index
      %parallel_loop3A_185 = tpu.vector_load %parallel_loop3A_182[%parallel_loop3A_183, %parallel_loop3A_184] {strides = array<i32>} : memref<32x512xf32, #tpu.memory_space<vmem>>, vector<1x16xf32>,
      %parallel_loop3A_186 = vector.shape_cast %parallel_loop3A_185 : vector<1x16xf32> to vector<16xf32>
      %parallel_loop3A_187 = arith.constant 0 : i32
      %parallel_loop3A_188 = arith.constant 0 : i32
      %parallel_loop3A_189 = tpu.memref_slice %arg9[%parallel_loop3A_98, %parallel_loop3A_187, %parallel_loop3A_188] : memref<2x32x512xf32, #tpu.memory_space<vmem>> -> memref<1x32x512xf32, #tpu.memory_space<vmem>>
      %parallel_loop3A_190 = tpu.memref_squeeze %parallel_loop3A_189 : memref<1x32x512xf32, #tpu.memory_space<vmem>> -> memref<32x512xf32, #tpu.memory_space<vmem>>
      %parallel_loop3A_191 = arith.index_cast %parallel_loop3A_143 : i32 to index
      %parallel_loop3A_192 = arith.constant 16 : index
      %parallel_loop3A_193 = tpu.vector_load %parallel_loop3A_190[%parallel_loop3A_191, %parallel_loop3A_192] {strides = array<i32>} : memref<32x512xf32, #tpu.memory_space<vmem>>, vector<1x16xf32>,
      %parallel_loop3A_194 = vector.shape_cast %parallel_loop3A_193 : vector<1x16xf32> to vector<16xf32>
      %parallel_loop3A_195 = arith.mulf %parallel_loop3A_160, %parallel_loop3A_194 : vector<16xf32>
      %parallel_loop3A_196 = arith.subf %parallel_loop3A_186, %parallel_loop3A_195 : vector<16xf32>
      %parallel_loop3A_197 = arith.constant 0 : i32
      %parallel_loop3A_198 = arith.constant 0 : i32
      %parallel_loop3A_199 = tpu.memref_slice %arg8[%parallel_loop3A_97, %parallel_loop3A_197, %parallel_loop3A_198] : memref<2x32x512xf32, #tpu.memory_space<vmem>> -> memref<1x32x512xf32, #tpu.memory_space<vmem>>
      %parallel_loop3A_200 = tpu.memref_squeeze %parallel_loop3A_199 : memref<1x32x512xf32, #tpu.memory_space<vmem>> -> memref<32x512xf32, #tpu.memory_space<vmem>>
      %parallel_loop3A_201 = arith.index_cast %parallel_loop3A_143 : i32 to index
      %parallel_loop3A_202 = arith.constant 32 : index
      %parallel_loop3A_203 = tpu.vector_load %parallel_loop3A_200[%parallel_loop3A_201, %parallel_loop3A_202] {strides = array<i32>} : memref<32x512xf32, #tpu.memory_space<vmem>>, vector<1x16xf32>,
      %parallel_loop3A_204 = vector.shape_cast %parallel_loop3A_203 : vector<1x16xf32> to vector<16xf32>
      %parallel_loop3A_205 = arith.constant 0 : i32
      %parallel_loop3A_206 = arith.constant 0 : i32
      %parallel_loop3A_207 = tpu.memref_slice %arg9[%parallel_loop3A_98, %parallel_loop3A_205, %parallel_loop3A_206] : memref<2x32x512xf32, #tpu.memory_space<vmem>> -> memref<1x32x512xf32, #tpu.memory_space<vmem>>
      %parallel_loop3A_208 = tpu.memref_squeeze %parallel_loop3A_207 : memref<1x32x512xf32, #tpu.memory_space<vmem>> -> memref<32x512xf32, #tpu.memory_space<vmem>>
      %parallel_loop3A_209 = arith.index_cast %parallel_loop3A_143 : i32 to index
      %parallel_loop3A_210 = arith.constant 32 : index
      %parallel_loop3A_211 = tpu.vector_load %parallel_loop3A_208[%parallel_loop3A_209, %parallel_loop3A_210] {strides = array<i32>} : memref<32x512xf32, #tpu.memory_space<vmem>>, vector<1x16xf32>,
      %parallel_loop3A_212 = vector.shape_cast %parallel_loop3A_211 : vector<1x16xf32> to vector<16xf32>
      %parallel_loop3A_213 = arith.mulf %parallel_loop3A_160, %parallel_loop3A_212 : vector<16xf32>
      %parallel_loop3A_214 = arith.subf %parallel_loop3A_204, %parallel_loop3A_213 : vector<16xf32>
      %parallel_loop3A_215 = arith.constant 0 : i32
      %parallel_loop3A_216 = arith.constant 0 : i32
      %parallel_loop3A_217 = tpu.memref_slice %arg8[%parallel_loop3A_97, %parallel_loop3A_215, %parallel_loop3A_216] : memref<2x32x512xf32, #tpu.memory_space<vmem>> -> memref<1x32x512xf32, #tpu.memory_space<vmem>>
      %parallel_loop3A_218 = tpu.memref_squeeze %parallel_loop3A_217 : memref<1x32x512xf32, #tpu.memory_space<vmem>> -> memref<32x512xf32, #tpu.memory_space<vmem>>
      %parallel_loop3A_219 = arith.index_cast %parallel_loop3A_143 : i32 to index
      %parallel_loop3A_220 = arith.constant 48 : index
      %parallel_loop3A_221 = tpu.vector_load %parallel_loop3A_218[%parallel_loop3A_219, %parallel_loop3A_220] {strides = array<i32>} : memref<32x512xf32, #tpu.memory_space<vmem>>, vector<1x16xf32>,
      %parallel_loop3A_222 = vector.shape_cast %parallel_loop3A_221 : vector<1x16xf32> to vector<16xf32>
      %parallel_loop3A_223 = arith.constant 0 : i32
      %parallel_loop3A_224 = arith.constant 0 : i32
      %parallel_loop3A_225 = tpu.memref_slice %arg9[%parallel_loop3A_98, %parallel_loop3A_223, %parallel_loop3A_224] : memref<2x32x512xf32, #tpu.memory_space<vmem>> -> memref<1x32x512xf32, #tpu.memory_space<vmem>>
      %parallel_loop3A_226 = tpu.memref_squeeze %parallel_loop3A_225 : memref<1x32x512xf32, #tpu.memory_space<vmem>> -> memref<32x512xf32, #tpu.memory_space<vmem>>
      %parallel_loop3A_227 = arith.index_cast %parallel_loop3A_143 : i32 to index
      %parallel_loop3A_228 = arith.constant 48 : index
      %parallel_loop3A_229 = tpu.vector_load %parallel_loop3A_226[%parallel_loop3A_227, %parallel_loop3A_228] {strides = array<i32>} : memref<32x512xf32, #tpu.memory_space<vmem>>, vector<1x16xf32>,
      %parallel_loop3A_230 = vector.shape_cast %parallel_loop3A_229 : vector<1x16xf32> to vector<16xf32>
      %parallel_loop3A_231 = arith.mulf %parallel_loop3A_160, %parallel_loop3A_230 : vector<16xf32>
      %parallel_loop3A_232 = arith.subf %parallel_loop3A_222, %parallel_loop3A_231 : vector<16xf32>
      %parallel_loop3A_233 = arith.mulf %parallel_loop3A_178, %parallel_loop3A_178 : vector<16xf32>
      %parallel_loop3A_234 = arith.addf %parallel_loop3A_144, %parallel_loop3A_233 : vector<16xf32>
      %parallel_loop3A_235 = arith.mulf %parallel_loop3A_196, %parallel_loop3A_196 : vector<16xf32>
      %parallel_loop3A_236 = arith.addf %parallel_loop3A_145, %parallel_loop3A_235 : vector<16xf32>
      %parallel_loop3A_237 = arith.mulf %parallel_loop3A_214, %parallel_loop3A_214 : vector<16xf32>
      %parallel_loop3A_238 = arith.addf %parallel_loop3A_146, %parallel_loop3A_237 : vector<16xf32>
      %parallel_loop3A_239 = arith.mulf %parallel_loop3A_232, %parallel_loop3A_232 : vector<16xf32>
      %parallel_loop3A_240 = arith.addf %parallel_loop3A_147, %parallel_loop3A_239 : vector<16xf32>
      %parallel_loop3A_241 = arith.constant 0 : i32
      %parallel_loop3A_242 = arith.constant 0 : i32
      %parallel_loop3A_243 = tpu.memref_slice %arg8[%parallel_loop3A_97, %parallel_loop3A_241, %parallel_loop3A_242] : memref<2x32x512xf32, #tpu.memory_space<vmem>> -> memref<1x32x512xf32, #tpu.memory_space<vmem>>
      %parallel_loop3A_244 = tpu.memref_squeeze %parallel_loop3A_243 : memref<1x32x512xf32, #tpu.memory_space<vmem>> -> memref<32x512xf32, #tpu.memory_space<vmem>>
      %parallel_loop3A_245 = arith.index_cast %parallel_loop3A_143 : i32 to index
      %parallel_loop3A_246 = arith.constant 64 : index
      %parallel_loop3A_247 = tpu.vector_load %parallel_loop3A_244[%parallel_loop3A_245, %parallel_loop3A_246] {strides = array<i32>} : memref<32x512xf32, #tpu.memory_space<vmem>>, vector<1x16xf32>,
      %parallel_loop3A_248 = vector.shape_cast %parallel_loop3A_247 : vector<1x16xf32> to vector<16xf32>
      %parallel_loop3A_249 = arith.constant 0 : i32
      %parallel_loop3A_250 = arith.constant 0 : i32
      %parallel_loop3A_251 = tpu.memref_slice %arg9[%parallel_loop3A_98, %parallel_loop3A_249, %parallel_loop3A_250] : memref<2x32x512xf32, #tpu.memory_space<vmem>> -> memref<1x32x512xf32, #tpu.memory_space<vmem>>
      %parallel_loop3A_252 = tpu.memref_squeeze %parallel_loop3A_251 : memref<1x32x512xf32, #tpu.memory_space<vmem>> -> memref<32x512xf32, #tpu.memory_space<vmem>>
      %parallel_loop3A_253 = arith.index_cast %parallel_loop3A_143 : i32 to index
      %parallel_loop3A_254 = arith.constant 64 : index
      %parallel_loop3A_255 = tpu.vector_load %parallel_loop3A_252[%parallel_loop3A_253, %parallel_loop3A_254] {strides = array<i32>} : memref<32x512xf32, #tpu.memory_space<vmem>>, vector<1x16xf32>,
      %parallel_loop3A_256 = vector.shape_cast %parallel_loop3A_255 : vector<1x16xf32> to vector<16xf32>
      %parallel_loop3A_257 = arith.mulf %parallel_loop3A_160, %parallel_loop3A_256 : vector<16xf32>
      %parallel_loop3A_258 = arith.subf %parallel_loop3A_248, %parallel_loop3A_257 : vector<16xf32>
      %parallel_loop3A_259 = arith.constant 0 : i32
      %parallel_loop3A_260 = arith.constant 0 : i32
      %parallel_loop3A_261 = tpu.memref_slice %arg8[%parallel_loop3A_97, %parallel_loop3A_259, %parallel_loop3A_260] : memref<2x32x512xf32, #tpu.memory_space<vmem>> -> memref<1x32x512xf32, #tpu.memory_space<vmem>>
      %parallel_loop3A_262 = tpu.memref_squeeze %parallel_loop3A_261 : memref<1x32x512xf32, #tpu.memory_space<vmem>> -> memref<32x512xf32, #tpu.memory_space<vmem>>
      %parallel_loop3A_263 = arith.index_cast %parallel_loop3A_143 : i32 to index
      %parallel_loop3A_264 = arith.constant 80 : index
      %parallel_loop3A_265 = tpu.vector_load %parallel_loop3A_262[%parallel_loop3A_263, %parallel_loop3A_264] {strides = array<i32>} : memref<32x512xf32, #tpu.memory_space<vmem>>, vector<1x16xf32>,
      %parallel_loop3A_266 = vector.shape_cast %parallel_loop3A_265 : vector<1x16xf32> to vector<16xf32>
      %parallel_loop3A_267 = arith.constant 0 : i32
      %parallel_loop3A_268 = arith.constant 0 : i32
      %parallel_loop3A_269 = tpu.memref_slice %arg9[%parallel_loop3A_98, %parallel_loop3A_267, %parallel_loop3A_268] : memref<2x32x512xf32, #tpu.memory_space<vmem>> -> memref<1x32x512xf32, #tpu.memory_space<vmem>>
      %parallel_loop3A_270 = tpu.memref_squeeze %parallel_loop3A_269 : memref<1x32x512xf32, #tpu.memory_space<vmem>> -> memref<32x512xf32, #tpu.memory_space<vmem>>
      %parallel_loop3A_271 = arith.index_cast %parallel_loop3A_143 : i32 to index
      %parallel_loop3A_272 = arith.constant 80 : index
      %parallel_loop3A_273 = tpu.vector_load %parallel_loop3A_270[%parallel_loop3A_271, %parallel_loop3A_272] {strides = array<i32>} : memref<32x512xf32, #tpu.memory_space<vmem>>, vector<1x16xf32>,
      %parallel_loop3A_274 = vector.shape_cast %parallel_loop3A_273 : vector<1x16xf32> to vector<16xf32>
      %parallel_loop3A_275 = arith.mulf %parallel_loop3A_160, %parallel_loop3A_274 : vector<16xf32>
      %parallel_loop3A_276 = arith.subf %parallel_loop3A_266, %parallel_loop3A_275 : vector<16xf32>
      %parallel_loop3A_277 = arith.constant 0 : i32
      %parallel_loop3A_278 = arith.constant 0 : i32
      %parallel_loop3A_279 = tpu.memref_slice %arg8[%parallel_loop3A_97, %parallel_loop3A_277, %parallel_loop3A_278] : memref<2x32x512xf32, #tpu.memory_space<vmem>> -> memref<1x32x512xf32, #tpu.memory_space<vmem>>
      %parallel_loop3A_280 = tpu.memref_squeeze %parallel_loop3A_279 : memref<1x32x512xf32, #tpu.memory_space<vmem>> -> memref<32x512xf32, #tpu.memory_space<vmem>>
      %parallel_loop3A_281 = arith.index_cast %parallel_loop3A_143 : i32 to index
      %parallel_loop3A_282 = arith.constant 96 : index
      %parallel_loop3A_283 = tpu.vector_load %parallel_loop3A_280[%parallel_loop3A_281, %parallel_loop3A_282] {strides = array<i32>} : memref<32x512xf32, #tpu.memory_space<vmem>>, vector<1x16xf32>,
      %parallel_loop3A_284 = vector.shape_cast %parallel_loop3A_283 : vector<1x16xf32> to vector<16xf32>
      %parallel_loop3A_285 = arith.constant 0 : i32
      %parallel_loop3A_286 = arith.constant 0 : i32
      %parallel_loop3A_287 = tpu.memref_slice %arg9[%parallel_loop3A_98, %parallel_loop3A_285, %parallel_loop3A_286] : memref<2x32x512xf32, #tpu.memory_space<vmem>> -> memref<1x32x512xf32, #tpu.memory_space<vmem>>
      %parallel_loop3A_288 = tpu.memref_squeeze %parallel_loop3A_287 : memref<1x32x512xf32, #tpu.memory_space<vmem>> -> memref<32x512xf32, #tpu.memory_space<vmem>>
      %parallel_loop3A_289 = arith.index_cast %parallel_loop3A_143 : i32 to index
      %parallel_loop3A_290 = arith.constant 96 : index
      %parallel_loop3A_291 = tpu.vector_load %parallel_loop3A_288[%parallel_loop3A_289, %parallel_loop3A_290] {strides = array<i32>} : memref<32x512xf32, #tpu.memory_space<vmem>>, vector<1x16xf32>,
      %parallel_loop3A_292 = vector.shape_cast %parallel_loop3A_291 : vector<1x16xf32> to vector<16xf32>
      %parallel_loop3A_293 = arith.mulf %parallel_loop3A_160, %parallel_loop3A_292 : vector<16xf32>
      %parallel_loop3A_294 = arith.subf %parallel_loop3A_284, %parallel_loop3A_293 : vector<16xf32>
      %parallel_loop3A_295 = arith.constant 0 : i32
      %parallel_loop3A_296 = arith.constant 0 : i32
      %parallel_loop3A_297 = tpu.memref_slice %arg8[%parallel_loop3A_97, %parallel_loop3A_295, %parallel_loop3A_296] : memref<2x32x512xf32, #tpu.memory_space<vmem>> -> memref<1x32x512xf32, #tpu.memory_space<vmem>>
      %parallel_loop3A_298 = tpu.memref_squeeze %parallel_loop3A_297 : memref<1x32x512xf32, #tpu.memory_space<vmem>> -> memref<32x512xf32, #tpu.memory_space<vmem>>
      %parallel_loop3A_299 = arith.index_cast %parallel_loop3A_143 : i32 to index
      %parallel_loop3A_300 = arith.constant 112 : index
      %parallel_loop3A_301 = tpu.vector_load %parallel_loop3A_298[%parallel_loop3A_299, %parallel_loop3A_300] {strides = array<i32>} : memref<32x512xf32, #tpu.memory_space<vmem>>, vector<1x16xf32>,
      %parallel_loop3A_302 = vector.shape_cast %parallel_loop3A_301 : vector<1x16xf32> to vector<16xf32>
      %parallel_loop3A_303 = arith.constant 0 : i32
      %parallel_loop3A_304 = arith.constant 0 : i32
      %parallel_loop3A_305 = tpu.memref_slice %arg9[%parallel_loop3A_98, %parallel_loop3A_303, %parallel_loop3A_304] : memref<2x32x512xf32, #tpu.memory_space<vmem>> -> memref<1x32x512xf32, #tpu.memory_space<vmem>>
      %parallel_loop3A_306 = tpu.memref_squeeze %parallel_loop3A_305 : memref<1x32x512xf32, #tpu.memory_space<vmem>> -> memref<32x512xf32, #tpu.memory_space<vmem>>
      %parallel_loop3A_307 = arith.index_cast %parallel_loop3A_143 : i32 to index
      %parallel_loop3A_308 = arith.constant 112 : index
      %parallel_loop3A_309 = tpu.vector_load %parallel_loop3A_306[%parallel_loop3A_307, %parallel_loop3A_308] {strides = array<i32>} : memref<32x512xf32, #tpu.memory_space<vmem>>, vector<1x16xf32>,
      %parallel_loop3A_310 = vector.shape_cast %parallel_loop3A_309 : vector<1x16xf32> to vector<16xf32>
      %parallel_loop3A_311 = arith.mulf %parallel_loop3A_160, %parallel_loop3A_310 : vector<16xf32>
      %parallel_loop3A_312 = arith.subf %parallel_loop3A_302, %parallel_loop3A_311 : vector<16xf32>
      %parallel_loop3A_313 = arith.mulf %parallel_loop3A_258, %parallel_loop3A_258 : vector<16xf32>
      %parallel_loop3A_314 = arith.addf %parallel_loop3A_234, %parallel_loop3A_313 : vector<16xf32>
      %parallel_loop3A_315 = arith.mulf %parallel_loop3A_276, %parallel_loop3A_276 : vector<16xf32>
      %parallel_loop3A_316 = arith.addf %parallel_loop3A_236, %parallel_loop3A_315 : vector<16xf32>
      %parallel_loop3A_317 = arith.mulf %parallel_loop3A_294, %parallel_loop3A_294 : vector<16xf32>
      %parallel_loop3A_318 = arith.addf %parallel_loop3A_238, %parallel_loop3A_317 : vector<16xf32>
      %parallel_loop3A_319 = arith.mulf %parallel_loop3A_312, %parallel_loop3A_312 : vector<16xf32>
      %parallel_loop3A_320 = arith.addf %parallel_loop3A_240, %parallel_loop3A_319 : vector<16xf32>
      %parallel_loop3A_321 = arith.constant 0 : i32
      %parallel_loop3A_322 = arith.constant 0 : i32
      %parallel_loop3A_323 = tpu.memref_slice %arg8[%parallel_loop3A_97, %parallel_loop3A_321, %parallel_loop3A_322] : memref<2x32x512xf32, #tpu.memory_space<vmem>> -> memref<1x32x512xf32, #tpu.memory_space<vmem>>
      %parallel_loop3A_324 = tpu.memref_squeeze %parallel_loop3A_323 : memref<1x32x512xf32, #tpu.memory_space<vmem>> -> memref<32x512xf32, #tpu.memory_space<vmem>>
      %parallel_loop3A_325 = arith.index_cast %parallel_loop3A_143 : i32 to index
      %parallel_loop3A_326 = arith.constant 128 : index
      %parallel_loop3A_327 = tpu.vector_load %parallel_loop3A_324[%parallel_loop3A_325, %parallel_loop3A_326] {strides = array<i32>} : memref<32x512xf32, #tpu.memory_space<vmem>>, vector<1x16xf32>,
      %parallel_loop3A_328 = vector.shape_cast %parallel_loop3A_327 : vector<1x16xf32> to vector<16xf32>
      %parallel_loop3A_329 = arith.constant 0 : i32
      %parallel_loop3A_330 = arith.constant 0 : i32
      %parallel_loop3A_331 = tpu.memref_slice %arg9[%parallel_loop3A_98, %parallel_loop3A_329, %parallel_loop3A_330] : memref<2x32x512xf32, #tpu.memory_space<vmem>> -> memref<1x32x512xf32, #tpu.memory_space<vmem>>
      %parallel_loop3A_332 = tpu.memref_squeeze %parallel_loop3A_331 : memref<1x32x512xf32, #tpu.memory_space<vmem>> -> memref<32x512xf32, #tpu.memory_space<vmem>>
      %parallel_loop3A_333 = arith.index_cast %parallel_loop3A_143 : i32 to index
      %parallel_loop3A_334 = arith.constant 128 : index
      %parallel_loop3A_335 = tpu.vector_load %parallel_loop3A_332[%parallel_loop3A_333, %parallel_loop3A_334] {strides = array<i32>} : memref<32x512xf32, #tpu.memory_space<vmem>>, vector<1x16xf32>,
      %parallel_loop3A_336 = vector.shape_cast %parallel_loop3A_335 : vector<1x16xf32> to vector<16xf32>
      %parallel_loop3A_337 = arith.mulf %parallel_loop3A_160, %parallel_loop3A_336 : vector<16xf32>
      %parallel_loop3A_338 = arith.subf %parallel_loop3A_328, %parallel_loop3A_337 : vector<16xf32>
      %parallel_loop3A_339 = arith.constant 0 : i32
      %parallel_loop3A_340 = arith.constant 0 : i32
      %parallel_loop3A_341 = tpu.memref_slice %arg8[%parallel_loop3A_97, %parallel_loop3A_339, %parallel_loop3A_340] : memref<2x32x512xf32, #tpu.memory_space<vmem>> -> memref<1x32x512xf32, #tpu.memory_space<vmem>>
      %parallel_loop3A_342 = tpu.memref_squeeze %parallel_loop3A_341 : memref<1x32x512xf32, #tpu.memory_space<vmem>> -> memref<32x512xf32, #tpu.memory_space<vmem>>
      %parallel_loop3A_343 = arith.index_cast %parallel_loop3A_143 : i32 to index
      %parallel_loop3A_344 = arith.constant 144 : index
      %parallel_loop3A_345 = tpu.vector_load %parallel_loop3A_342[%parallel_loop3A_343, %parallel_loop3A_344] {strides = array<i32>} : memref<32x512xf32, #tpu.memory_space<vmem>>, vector<1x16xf32>,
      %parallel_loop3A_346 = vector.shape_cast %parallel_loop3A_345 : vector<1x16xf32> to vector<16xf32>
      %parallel_loop3A_347 = arith.constant 0 : i32
      %parallel_loop3A_348 = arith.constant 0 : i32
      %parallel_loop3A_349 = tpu.memref_slice %arg9[%parallel_loop3A_98, %parallel_loop3A_347, %parallel_loop3A_348] : memref<2x32x512xf32, #tpu.memory_space<vmem>> -> memref<1x32x512xf32, #tpu.memory_space<vmem>>
      %parallel_loop3A_350 = tpu.memref_squeeze %parallel_loop3A_349 : memref<1x32x512xf32, #tpu.memory_space<vmem>> -> memref<32x512xf32, #tpu.memory_space<vmem>>
      %parallel_loop3A_351 = arith.index_cast %parallel_loop3A_143 : i32 to index
      %parallel_loop3A_352 = arith.constant 144 : index
      %parallel_loop3A_353 = tpu.vector_load %parallel_loop3A_350[%parallel_loop3A_351, %parallel_loop3A_352] {strides = array<i32>} : memref<32x512xf32, #tpu.memory_space<vmem>>, vector<1x16xf32>,
      %parallel_loop3A_354 = vector.shape_cast %parallel_loop3A_353 : vector<1x16xf32> to vector<16xf32>
      %parallel_loop3A_355 = arith.mulf %parallel_loop3A_160, %parallel_loop3A_354 : vector<16xf32>
      %parallel_loop3A_356 = arith.subf %parallel_loop3A_346, %parallel_loop3A_355 : vector<16xf32>
      %parallel_loop3A_357 = arith.constant 0 : i32
      %parallel_loop3A_358 = arith.constant 0 : i32
      %parallel_loop3A_359 = tpu.memref_slice %arg8[%parallel_loop3A_97, %parallel_loop3A_357, %parallel_loop3A_358] : memref<2x32x512xf32, #tpu.memory_space<vmem>> -> memref<1x32x512xf32, #tpu.memory_space<vmem>>
      %parallel_loop3A_360 = tpu.memref_squeeze %parallel_loop3A_359 : memref<1x32x512xf32, #tpu.memory_space<vmem>> -> memref<32x512xf32, #tpu.memory_space<vmem>>
      %parallel_loop3A_361 = arith.index_cast %parallel_loop3A_143 : i32 to index
      %parallel_loop3A_362 = arith.constant 160 : index
      %parallel_loop3A_363 = tpu.vector_load %parallel_loop3A_360[%parallel_loop3A_361, %parallel_loop3A_362] {strides = array<i32>} : memref<32x512xf32, #tpu.memory_space<vmem>>, vector<1x16xf32>,
      %parallel_loop3A_364 = vector.shape_cast %parallel_loop3A_363 : vector<1x16xf32> to vector<16xf32>
      %parallel_loop3A_365 = arith.constant 0 : i32
      %parallel_loop3A_366 = arith.constant 0 : i32
      %parallel_loop3A_367 = tpu.memref_slice %arg9[%parallel_loop3A_98, %parallel_loop3A_365, %parallel_loop3A_366] : memref<2x32x512xf32, #tpu.memory_space<vmem>> -> memref<1x32x512xf32, #tpu.memory_space<vmem>>
      %parallel_loop3A_368 = tpu.memref_squeeze %parallel_loop3A_367 : memref<1x32x512xf32, #tpu.memory_space<vmem>> -> memref<32x512xf32, #tpu.memory_space<vmem>>
      %parallel_loop3A_369 = arith.index_cast %parallel_loop3A_143 : i32 to index
      %parallel_loop3A_370 = arith.constant 160 : index
      %parallel_loop3A_371 = tpu.vector_load %parallel_loop3A_368[%parallel_loop3A_369, %parallel_loop3A_370] {strides = array<i32>} : memref<32x512xf32, #tpu.memory_space<vmem>>, vector<1x16xf32>,
      %parallel_loop3A_372 = vector.shape_cast %parallel_loop3A_371 : vector<1x16xf32> to vector<16xf32>
      %parallel_loop3A_373 = arith.mulf %parallel_loop3A_160, %parallel_loop3A_372 : vector<16xf32>
      %parallel_loop3A_374 = arith.subf %parallel_loop3A_364, %parallel_loop3A_373 : vector<16xf32>
      %parallel_loop3A_375 = arith.constant 0 : i32
      %parallel_loop3A_376 = arith.constant 0 : i32
      %parallel_loop3A_377 = tpu.memref_slice %arg8[%parallel_loop3A_97, %parallel_loop3A_375, %parallel_loop3A_376] : memref<2x32x512xf32, #tpu.memory_space<vmem>> -> memref<1x32x512xf32, #tpu.memory_space<vmem>>
      %parallel_loop3A_378 = tpu.memref_squeeze %parallel_loop3A_377 : memref<1x32x512xf32, #tpu.memory_space<vmem>> -> memref<32x512xf32, #tpu.memory_space<vmem>>
      %parallel_loop3A_379 = arith.index_cast %parallel_loop3A_143 : i32 to index
      %parallel_loop3A_380 = arith.constant 176 : index
      %parallel_loop3A_381 = tpu.vector_load %parallel_loop3A_378[%parallel_loop3A_379, %parallel_loop3A_380] {strides = array<i32>} : memref<32x512xf32, #tpu.memory_space<vmem>>, vector<1x16xf32>,
      %parallel_loop3A_382 = vector.shape_cast %parallel_loop3A_381 : vector<1x16xf32> to vector<16xf32>
      %parallel_loop3A_383 = arith.constant 0 : i32
      %parallel_loop3A_384 = arith.constant 0 : i32
      %parallel_loop3A_385 = tpu.memref_slice %arg9[%parallel_loop3A_98, %parallel_loop3A_383, %parallel_loop3A_384] : memref<2x32x512xf32, #tpu.memory_space<vmem>> -> memref<1x32x512xf32, #tpu.memory_space<vmem>>
      %parallel_loop3A_386 = tpu.memref_squeeze %parallel_loop3A_385 : memref<1x32x512xf32, #tpu.memory_space<vmem>> -> memref<32x512xf32, #tpu.memory_space<vmem>>
      %parallel_loop3A_387 = arith.index_cast %parallel_loop3A_143 : i32 to index
      %parallel_loop3A_388 = arith.constant 176 : index
      %parallel_loop3A_389 = tpu.vector_load %parallel_loop3A_386[%parallel_loop3A_387, %parallel_loop3A_388] {strides = array<i32>} : memref<32x512xf32, #tpu.memory_space<vmem>>, vector<1x16xf32>,
      %parallel_loop3A_390 = vector.shape_cast %parallel_loop3A_389 : vector<1x16xf32> to vector<16xf32>
      %parallel_loop3A_391 = arith.mulf %parallel_loop3A_160, %parallel_loop3A_390 : vector<16xf32>
      %parallel_loop3A_392 = arith.subf %parallel_loop3A_382, %parallel_loop3A_391 : vector<16xf32>
      %parallel_loop3A_393 = arith.mulf %parallel_loop3A_338, %parallel_loop3A_338 : vector<16xf32>
      %parallel_loop3A_394 = arith.addf %parallel_loop3A_314, %parallel_loop3A_393 : vector<16xf32>
      %parallel_loop3A_395 = arith.mulf %parallel_loop3A_356, %parallel_loop3A_356 : vector<16xf32>
      %parallel_loop3A_396 = arith.addf %parallel_loop3A_316, %parallel_loop3A_395 : vector<16xf32>
      %parallel_loop3A_397 = arith.mulf %parallel_loop3A_374, %parallel_loop3A_374 : vector<16xf32>
      %parallel_loop3A_398 = arith.addf %parallel_loop3A_318, %parallel_loop3A_397 : vector<16xf32>
      %parallel_loop3A_399 = arith.mulf %parallel_loop3A_392, %parallel_loop3A_392 : vector<16xf32>
      %parallel_loop3A_400 = arith.addf %parallel_loop3A_320, %parallel_loop3A_399 : vector<16xf32>
      %parallel_loop3A_401 = arith.constant 0 : i32
      %parallel_loop3A_402 = arith.constant 0 : i32
      %parallel_loop3A_403 = tpu.memref_slice %arg8[%parallel_loop3A_97, %parallel_loop3A_401, %parallel_loop3A_402] : memref<2x32x512xf32, #tpu.memory_space<vmem>> -> memref<1x32x512xf32, #tpu.memory_space<vmem>>
      %parallel_loop3A_404 = tpu.memref_squeeze %parallel_loop3A_403 : memref<1x32x512xf32, #tpu.memory_space<vmem>> -> memref<32x512xf32, #tpu.memory_space<vmem>>
      %parallel_loop3A_405 = arith.index_cast %parallel_loop3A_143 : i32 to index
      %parallel_loop3A_406 = arith.constant 192 : index
      %parallel_loop3A_407 = tpu.vector_load %parallel_loop3A_404[%parallel_loop3A_405, %parallel_loop3A_406] {strides = array<i32>} : memref<32x512xf32, #tpu.memory_space<vmem>>, vector<1x16xf32>,
      %parallel_loop3A_408 = vector.shape_cast %parallel_loop3A_407 : vector<1x16xf32> to vector<16xf32>
      %parallel_loop3A_409 = arith.constant 0 : i32
      %parallel_loop3A_410 = arith.constant 0 : i32
      %parallel_loop3A_411 = tpu.memref_slice %arg9[%parallel_loop3A_98, %parallel_loop3A_409, %parallel_loop3A_410] : memref<2x32x512xf32, #tpu.memory_space<vmem>> -> memref<1x32x512xf32, #tpu.memory_space<vmem>>
      %parallel_loop3A_412 = tpu.memref_squeeze %parallel_loop3A_411 : memref<1x32x512xf32, #tpu.memory_space<vmem>> -> memref<32x512xf32, #tpu.memory_space<vmem>>
      %parallel_loop3A_413 = arith.index_cast %parallel_loop3A_143 : i32 to index
      %parallel_loop3A_414 = arith.constant 192 : index
      %parallel_loop3A_415 = tpu.vector_load %parallel_loop3A_412[%parallel_loop3A_413, %parallel_loop3A_414] {strides = array<i32>} : memref<32x512xf32, #tpu.memory_space<vmem>>, vector<1x16xf32>,
      %parallel_loop3A_416 = vector.shape_cast %parallel_loop3A_415 : vector<1x16xf32> to vector<16xf32>
      %parallel_loop3A_417 = arith.mulf %parallel_loop3A_160, %parallel_loop3A_416 : vector<16xf32>
      %parallel_loop3A_418 = arith.subf %parallel_loop3A_408, %parallel_loop3A_417 : vector<16xf32>
      %parallel_loop3A_419 = arith.constant 0 : i32
      %parallel_loop3A_420 = arith.constant 0 : i32
      %parallel_loop3A_421 = tpu.memref_slice %arg8[%parallel_loop3A_97, %parallel_loop3A_419, %parallel_loop3A_420] : memref<2x32x512xf32, #tpu.memory_space<vmem>> -> memref<1x32x512xf32, #tpu.memory_space<vmem>>
      %parallel_loop3A_422 = tpu.memref_squeeze %parallel_loop3A_421 : memref<1x32x512xf32, #tpu.memory_space<vmem>> -> memref<32x512xf32, #tpu.memory_space<vmem>>
      %parallel_loop3A_423 = arith.index_cast %parallel_loop3A_143 : i32 to index
      %parallel_loop3A_424 = arith.constant 208 : index
      %parallel_loop3A_425 = tpu.vector_load %parallel_loop3A_422[%parallel_loop3A_423, %parallel_loop3A_424] {strides = array<i32>} : memref<32x512xf32, #tpu.memory_space<vmem>>, vector<1x16xf32>,
      %parallel_loop3A_426 = vector.shape_cast %parallel_loop3A_425 : vector<1x16xf32> to vector<16xf32>
      %parallel_loop3A_427 = arith.constant 0 : i32
      %parallel_loop3A_428 = arith.constant 0 : i32
      %parallel_loop3A_429 = tpu.memref_slice %arg9[%parallel_loop3A_98, %parallel_loop3A_427, %parallel_loop3A_428] : memref<2x32x512xf32, #tpu.memory_space<vmem>> -> memref<1x32x512xf32, #tpu.memory_space<vmem>>
      %parallel_loop3A_430 = tpu.memref_squeeze %parallel_loop3A_429 : memref<1x32x512xf32, #tpu.memory_space<vmem>> -> memref<32x512xf32, #tpu.memory_space<vmem>>
      %parallel_loop3A_431 = arith.index_cast %parallel_loop3A_143 : i32 to index
      %parallel_loop3A_432 = arith.constant 208 : index
      %parallel_loop3A_433 = tpu.vector_load %parallel_loop3A_430[%parallel_loop3A_431, %parallel_loop3A_432] {strides = array<i32>} : memref<32x512xf32, #tpu.memory_space<vmem>>, vector<1x16xf32>,
      %parallel_loop3A_434 = vector.shape_cast %parallel_loop3A_433 : vector<1x16xf32> to vector<16xf32>
      %parallel_loop3A_435 = arith.mulf %parallel_loop3A_160, %parallel_loop3A_434 : vector<16xf32>
      %parallel_loop3A_436 = arith.subf %parallel_loop3A_426, %parallel_loop3A_435 : vector<16xf32>
      %parallel_loop3A_437 = arith.constant 0 : i32
      %parallel_loop3A_438 = arith.constant 0 : i32
      %parallel_loop3A_439 = tpu.memref_slice %arg8[%parallel_loop3A_97, %parallel_loop3A_437, %parallel_loop3A_438] : memref<2x32x512xf32, #tpu.memory_space<vmem>> -> memref<1x32x512xf32, #tpu.memory_space<vmem>>
      %parallel_loop3A_440 = tpu.memref_squeeze %parallel_loop3A_439 : memref<1x32x512xf32, #tpu.memory_space<vmem>> -> memref<32x512xf32, #tpu.memory_space<vmem>>
      %parallel_loop3A_441 = arith.index_cast %parallel_loop3A_143 : i32 to index
      %parallel_loop3A_442 = arith.constant 224 : index
      %parallel_loop3A_443 = tpu.vector_load %parallel_loop3A_440[%parallel_loop3A_441, %parallel_loop3A_442] {strides = array<i32>} : memref<32x512xf32, #tpu.memory_space<vmem>>, vector<1x16xf32>,
      %parallel_loop3A_444 = vector.shape_cast %parallel_loop3A_443 : vector<1x16xf32> to vector<16xf32>
      %parallel_loop3A_445 = arith.constant 0 : i32
      %parallel_loop3A_446 = arith.constant 0 : i32
      %parallel_loop3A_447 = tpu.memref_slice %arg9[%parallel_loop3A_98, %parallel_loop3A_445, %parallel_loop3A_446] : memref<2x32x512xf32, #tpu.memory_space<vmem>> -> memref<1x32x512xf32, #tpu.memory_space<vmem>>
      %parallel_loop3A_448 = tpu.memref_squeeze %parallel_loop3A_447 : memref<1x32x512xf32, #tpu.memory_space<vmem>> -> memref<32x512xf32, #tpu.memory_space<vmem>>
      %parallel_loop3A_449 = arith.index_cast %parallel_loop3A_143 : i32 to index
      %parallel_loop3A_450 = arith.constant 224 : index
      %parallel_loop3A_451 = tpu.vector_load %parallel_loop3A_448[%parallel_loop3A_449, %parallel_loop3A_450] {strides = array<i32>} : memref<32x512xf32, #tpu.memory_space<vmem>>, vector<1x16xf32>,
      %parallel_loop3A_452 = vector.shape_cast %parallel_loop3A_451 : vector<1x16xf32> to vector<16xf32>
      %parallel_loop3A_453 = arith.mulf %parallel_loop3A_160, %parallel_loop3A_452 : vector<16xf32>
      %parallel_loop3A_454 = arith.subf %parallel_loop3A_444, %parallel_loop3A_453 : vector<16xf32>
      %parallel_loop3A_455 = arith.constant 0 : i32
      %parallel_loop3A_456 = arith.constant 0 : i32
      %parallel_loop3A_457 = tpu.memref_slice %arg8[%parallel_loop3A_97, %parallel_loop3A_455, %parallel_loop3A_456] : memref<2x32x512xf32, #tpu.memory_space<vmem>> -> memref<1x32x512xf32, #tpu.memory_space<vmem>>
      %parallel_loop3A_458 = tpu.memref_squeeze %parallel_loop3A_457 : memref<1x32x512xf32, #tpu.memory_space<vmem>> -> memref<32x512xf32, #tpu.memory_space<vmem>>
      %parallel_loop3A_459 = arith.index_cast %parallel_loop3A_143 : i32 to index
      %parallel_loop3A_460 = arith.constant 240 : index
      %parallel_loop3A_461 = tpu.vector_load %parallel_loop3A_458[%parallel_loop3A_459, %parallel_loop3A_460] {strides = array<i32>} : memref<32x512xf32, #tpu.memory_space<vmem>>, vector<1x16xf32>,
      %parallel_loop3A_462 = vector.shape_cast %parallel_loop3A_461 : vector<1x16xf32> to vector<16xf32>
      %parallel_loop3A_463 = arith.constant 0 : i32
      %parallel_loop3A_464 = arith.constant 0 : i32
      %parallel_loop3A_465 = tpu.memref_slice %arg9[%parallel_loop3A_98, %parallel_loop3A_463, %parallel_loop3A_464] : memref<2x32x512xf32, #tpu.memory_space<vmem>> -> memref<1x32x512xf32, #tpu.memory_space<vmem>>
      %parallel_loop3A_466 = tpu.memref_squeeze %parallel_loop3A_465 : memref<1x32x512xf32, #tpu.memory_space<vmem>> -> memref<32x512xf32, #tpu.memory_space<vmem>>
      %parallel_loop3A_467 = arith.index_cast %parallel_loop3A_143 : i32 to index
      %parallel_loop3A_468 = arith.constant 240 : index
      %parallel_loop3A_469 = tpu.vector_load %parallel_loop3A_466[%parallel_loop3A_467, %parallel_loop3A_468] {strides = array<i32>} : memref<32x512xf32, #tpu.memory_space<vmem>>, vector<1x16xf32>,
      %parallel_loop3A_470 = vector.shape_cast %parallel_loop3A_469 : vector<1x16xf32> to vector<16xf32>
      %parallel_loop3A_471 = arith.mulf %parallel_loop3A_160, %parallel_loop3A_470 : vector<16xf32>
      %parallel_loop3A_472 = arith.subf %parallel_loop3A_462, %parallel_loop3A_471 : vector<16xf32>
      %parallel_loop3A_473 = arith.mulf %parallel_loop3A_418, %parallel_loop3A_418 : vector<16xf32>
      %parallel_loop3A_474 = arith.addf %parallel_loop3A_394, %parallel_loop3A_473 : vector<16xf32>
      %parallel_loop3A_475 = arith.mulf %parallel_loop3A_436, %parallel_loop3A_436 : vector<16xf32>
      %parallel_loop3A_476 = arith.addf %parallel_loop3A_396, %parallel_loop3A_475 : vector<16xf32>
      %parallel_loop3A_477 = arith.mulf %parallel_loop3A_454, %parallel_loop3A_454 : vector<16xf32>
      %parallel_loop3A_478 = arith.addf %parallel_loop3A_398, %parallel_loop3A_477 : vector<16xf32>
      %parallel_loop3A_479 = arith.mulf %parallel_loop3A_472, %parallel_loop3A_472 : vector<16xf32>
      %parallel_loop3A_480 = arith.addf %parallel_loop3A_400, %parallel_loop3A_479 : vector<16xf32>
      %parallel_loop3A_481 = arith.constant 0 : i32
      %parallel_loop3A_482 = arith.constant 0 : i32
      %parallel_loop3A_483 = tpu.memref_slice %arg8[%parallel_loop3A_97, %parallel_loop3A_481, %parallel_loop3A_482] : memref<2x32x512xf32, #tpu.memory_space<vmem>> -> memref<1x32x512xf32, #tpu.memory_space<vmem>>
      %parallel_loop3A_484 = tpu.memref_squeeze %parallel_loop3A_483 : memref<1x32x512xf32, #tpu.memory_space<vmem>> -> memref<32x512xf32, #tpu.memory_space<vmem>>
      %parallel_loop3A_485 = arith.index_cast %parallel_loop3A_143 : i32 to index
      %parallel_loop3A_486 = arith.constant 256 : index
      %parallel_loop3A_487 = tpu.vector_load %parallel_loop3A_484[%parallel_loop3A_485, %parallel_loop3A_486] {strides = array<i32>} : memref<32x512xf32, #tpu.memory_space<vmem>>, vector<1x16xf32>,
      %parallel_loop3A_488 = vector.shape_cast %parallel_loop3A_487 : vector<1x16xf32> to vector<16xf32>
      %parallel_loop3A_489 = arith.constant 0 : i32
      %parallel_loop3A_490 = arith.constant 0 : i32
      %parallel_loop3A_491 = tpu.memref_slice %arg9[%parallel_loop3A_98, %parallel_loop3A_489, %parallel_loop3A_490] : memref<2x32x512xf32, #tpu.memory_space<vmem>> -> memref<1x32x512xf32, #tpu.memory_space<vmem>>
      %parallel_loop3A_492 = tpu.memref_squeeze %parallel_loop3A_491 : memref<1x32x512xf32, #tpu.memory_space<vmem>> -> memref<32x512xf32, #tpu.memory_space<vmem>>
      %parallel_loop3A_493 = arith.index_cast %parallel_loop3A_143 : i32 to index
      %parallel_loop3A_494 = arith.constant 256 : index
      %parallel_loop3A_495 = tpu.vector_load %parallel_loop3A_492[%parallel_loop3A_493, %parallel_loop3A_494] {strides = array<i32>} : memref<32x512xf32, #tpu.memory_space<vmem>>, vector<1x16xf32>,
      %parallel_loop3A_496 = vector.shape_cast %parallel_loop3A_495 : vector<1x16xf32> to vector<16xf32>
      %parallel_loop3A_497 = arith.mulf %parallel_loop3A_160, %parallel_loop3A_496 : vector<16xf32>
      %parallel_loop3A_498 = arith.subf %parallel_loop3A_488, %parallel_loop3A_497 : vector<16xf32>
      %parallel_loop3A_499 = arith.constant 0 : i32
      %parallel_loop3A_500 = arith.constant 0 : i32
      %parallel_loop3A_501 = tpu.memref_slice %arg8[%parallel_loop3A_97, %parallel_loop3A_499, %parallel_loop3A_500] : memref<2x32x512xf32, #tpu.memory_space<vmem>> -> memref<1x32x512xf32, #tpu.memory_space<vmem>>
      %parallel_loop3A_502 = tpu.memref_squeeze %parallel_loop3A_501 : memref<1x32x512xf32, #tpu.memory_space<vmem>> -> memref<32x512xf32, #tpu.memory_space<vmem>>
      %parallel_loop3A_503 = arith.index_cast %parallel_loop3A_143 : i32 to index
      %parallel_loop3A_504 = arith.constant 272 : index
      %parallel_loop3A_505 = tpu.vector_load %parallel_loop3A_502[%parallel_loop3A_503, %parallel_loop3A_504] {strides = array<i32>} : memref<32x512xf32, #tpu.memory_space<vmem>>, vector<1x16xf32>,
      %parallel_loop3A_506 = vector.shape_cast %parallel_loop3A_505 : vector<1x16xf32> to vector<16xf32>
      %parallel_loop3A_507 = arith.constant 0 : i32
      %parallel_loop3A_508 = arith.constant 0 : i32
      %parallel_loop3A_509 = tpu.memref_slice %arg9[%parallel_loop3A_98, %parallel_loop3A_507, %parallel_loop3A_508] : memref<2x32x512xf32, #tpu.memory_space<vmem>> -> memref<1x32x512xf32, #tpu.memory_space<vmem>>
      %parallel_loop3A_510 = tpu.memref_squeeze %parallel_loop3A_509 : memref<1x32x512xf32, #tpu.memory_space<vmem>> -> memref<32x512xf32, #tpu.memory_space<vmem>>
      %parallel_loop3A_511 = arith.index_cast %parallel_loop3A_143 : i32 to index
      %parallel_loop3A_512 = arith.constant 272 : index
      %parallel_loop3A_513 = tpu.vector_load %parallel_loop3A_510[%parallel_loop3A_511, %parallel_loop3A_512] {strides = array<i32>} : memref<32x512xf32, #tpu.memory_space<vmem>>, vector<1x16xf32>,
      %parallel_loop3A_514 = vector.shape_cast %parallel_loop3A_513 : vector<1x16xf32> to vector<16xf32>
      %parallel_loop3A_515 = arith.mulf %parallel_loop3A_160, %parallel_loop3A_514 : vector<16xf32>
      %parallel_loop3A_516 = arith.subf %parallel_loop3A_506, %parallel_loop3A_515 : vector<16xf32>
      %parallel_loop3A_517 = arith.constant 0 : i32
      %parallel_loop3A_518 = arith.constant 0 : i32
      %parallel_loop3A_519 = tpu.memref_slice %arg8[%parallel_loop3A_97, %parallel_loop3A_517, %parallel_loop3A_518] : memref<2x32x512xf32, #tpu.memory_space<vmem>> -> memref<1x32x512xf32, #tpu.memory_space<vmem>>
      %parallel_loop3A_520 = tpu.memref_squeeze %parallel_loop3A_519 : memref<1x32x512xf32, #tpu.memory_space<vmem>> -> memref<32x512xf32, #tpu.memory_space<vmem>>
      %parallel_loop3A_521 = arith.index_cast %parallel_loop3A_143 : i32 to index
      %parallel_loop3A_522 = arith.constant 288 : index
      %parallel_loop3A_523 = tpu.vector_load %parallel_loop3A_520[%parallel_loop3A_521, %parallel_loop3A_522] {strides = array<i32>} : memref<32x512xf32, #tpu.memory_space<vmem>>, vector<1x16xf32>,
      %parallel_loop3A_524 = vector.shape_cast %parallel_loop3A_523 : vector<1x16xf32> to vector<16xf32>
      %parallel_loop3A_525 = arith.constant 0 : i32
      %parallel_loop3A_526 = arith.constant 0 : i32
      %parallel_loop3A_527 = tpu.memref_slice %arg9[%parallel_loop3A_98, %parallel_loop3A_525, %parallel_loop3A_526] : memref<2x32x512xf32, #tpu.memory_space<vmem>> -> memref<1x32x512xf32, #tpu.memory_space<vmem>>
      %parallel_loop3A_528 = tpu.memref_squeeze %parallel_loop3A_527 : memref<1x32x512xf32, #tpu.memory_space<vmem>> -> memref<32x512xf32, #tpu.memory_space<vmem>>
      %parallel_loop3A_529 = arith.index_cast %parallel_loop3A_143 : i32 to index
      %parallel_loop3A_530 = arith.constant 288 : index
      %parallel_loop3A_531 = tpu.vector_load %parallel_loop3A_528[%parallel_loop3A_529, %parallel_loop3A_530] {strides = array<i32>} : memref<32x512xf32, #tpu.memory_space<vmem>>, vector<1x16xf32>,
      %parallel_loop3A_532 = vector.shape_cast %parallel_loop3A_531 : vector<1x16xf32> to vector<16xf32>
      %parallel_loop3A_533 = arith.mulf %parallel_loop3A_160, %parallel_loop3A_532 : vector<16xf32>
      %parallel_loop3A_534 = arith.subf %parallel_loop3A_524, %parallel_loop3A_533 : vector<16xf32>
      %parallel_loop3A_535 = arith.constant 0 : i32
      %parallel_loop3A_536 = arith.constant 0 : i32
      %parallel_loop3A_537 = tpu.memref_slice %arg8[%parallel_loop3A_97, %parallel_loop3A_535, %parallel_loop3A_536] : memref<2x32x512xf32, #tpu.memory_space<vmem>> -> memref<1x32x512xf32, #tpu.memory_space<vmem>>
      %parallel_loop3A_538 = tpu.memref_squeeze %parallel_loop3A_537 : memref<1x32x512xf32, #tpu.memory_space<vmem>> -> memref<32x512xf32, #tpu.memory_space<vmem>>
      %parallel_loop3A_539 = arith.index_cast %parallel_loop3A_143 : i32 to index
      %parallel_loop3A_540 = arith.constant 304 : index
      %parallel_loop3A_541 = tpu.vector_load %parallel_loop3A_538[%parallel_loop3A_539, %parallel_loop3A_540] {strides = array<i32>} : memref<32x512xf32, #tpu.memory_space<vmem>>, vector<1x16xf32>,
      %parallel_loop3A_542 = vector.shape_cast %parallel_loop3A_541 : vector<1x16xf32> to vector<16xf32>
      %parallel_loop3A_543 = arith.constant 0 : i32
      %parallel_loop3A_544 = arith.constant 0 : i32
      %parallel_loop3A_545 = tpu.memref_slice %arg9[%parallel_loop3A_98, %parallel_loop3A_543, %parallel_loop3A_544] : memref<2x32x512xf32, #tpu.memory_space<vmem>> -> memref<1x32x512xf32, #tpu.memory_space<vmem>>
      %parallel_loop3A_546 = tpu.memref_squeeze %parallel_loop3A_545 : memref<1x32x512xf32, #tpu.memory_space<vmem>> -> memref<32x512xf32, #tpu.memory_space<vmem>>
      %parallel_loop3A_547 = arith.index_cast %parallel_loop3A_143 : i32 to index
      %parallel_loop3A_548 = arith.constant 304 : index
      %parallel_loop3A_549 = tpu.vector_load %parallel_loop3A_546[%parallel_loop3A_547, %parallel_loop3A_548] {strides = array<i32>} : memref<32x512xf32, #tpu.memory_space<vmem>>, vector<1x16xf32>,
      %parallel_loop3A_550 = vector.shape_cast %parallel_loop3A_549 : vector<1x16xf32> to vector<16xf32>
      %parallel_loop3A_551 = arith.mulf %parallel_loop3A_160, %parallel_loop3A_550 : vector<16xf32>
      %parallel_loop3A_552 = arith.subf %parallel_loop3A_542, %parallel_loop3A_551 : vector<16xf32>
      %parallel_loop3A_553 = arith.mulf %parallel_loop3A_498, %parallel_loop3A_498 : vector<16xf32>
      %parallel_loop3A_554 = arith.addf %parallel_loop3A_474, %parallel_loop3A_553 : vector<16xf32>
      %parallel_loop3A_555 = arith.mulf %parallel_loop3A_516, %parallel_loop3A_516 : vector<16xf32>
      %parallel_loop3A_556 = arith.addf %parallel_loop3A_476, %parallel_loop3A_555 : vector<16xf32>
      %parallel_loop3A_557 = arith.mulf %parallel_loop3A_534, %parallel_loop3A_534 : vector<16xf32>
      %parallel_loop3A_558 = arith.addf %parallel_loop3A_478, %parallel_loop3A_557 : vector<16xf32>
      %parallel_loop3A_559 = arith.mulf %parallel_loop3A_552, %parallel_loop3A_552 : vector<16xf32>
      %parallel_loop3A_560 = arith.addf %parallel_loop3A_480, %parallel_loop3A_559 : vector<16xf32>
      %parallel_loop3A_561 = arith.constant 0 : i32
      %parallel_loop3A_562 = arith.constant 0 : i32
      %parallel_loop3A_563 = tpu.memref_slice %arg8[%parallel_loop3A_97, %parallel_loop3A_561, %parallel_loop3A_562] : memref<2x32x512xf32, #tpu.memory_space<vmem>> -> memref<1x32x512xf32, #tpu.memory_space<vmem>>
      %parallel_loop3A_564 = tpu.memref_squeeze %parallel_loop3A_563 : memref<1x32x512xf32, #tpu.memory_space<vmem>> -> memref<32x512xf32, #tpu.memory_space<vmem>>
      %parallel_loop3A_565 = arith.index_cast %parallel_loop3A_143 : i32 to index
      %parallel_loop3A_566 = arith.constant 320 : index
      %parallel_loop3A_567 = tpu.vector_load %parallel_loop3A_564[%parallel_loop3A_565, %parallel_loop3A_566] {strides = array<i32>} : memref<32x512xf32, #tpu.memory_space<vmem>>, vector<1x16xf32>,
      %parallel_loop3A_568 = vector.shape_cast %parallel_loop3A_567 : vector<1x16xf32> to vector<16xf32>
      %parallel_loop3A_569 = arith.constant 0 : i32
      %parallel_loop3A_570 = arith.constant 0 : i32
      %parallel_loop3A_571 = tpu.memref_slice %arg9[%parallel_loop3A_98, %parallel_loop3A_569, %parallel_loop3A_570] : memref<2x32x512xf32, #tpu.memory_space<vmem>> -> memref<1x32x512xf32, #tpu.memory_space<vmem>>
      %parallel_loop3A_572 = tpu.memref_squeeze %parallel_loop3A_571 : memref<1x32x512xf32, #tpu.memory_space<vmem>> -> memref<32x512xf32, #tpu.memory_space<vmem>>
      %parallel_loop3A_573 = arith.index_cast %parallel_loop3A_143 : i32 to index
      %parallel_loop3A_574 = arith.constant 320 : index
      %parallel_loop3A_575 = tpu.vector_load %parallel_loop3A_572[%parallel_loop3A_573, %parallel_loop3A_574] {strides = array<i32>} : memref<32x512xf32, #tpu.memory_space<vmem>>, vector<1x16xf32>,
      %parallel_loop3A_576 = vector.shape_cast %parallel_loop3A_575 : vector<1x16xf32> to vector<16xf32>
      %parallel_loop3A_577 = arith.mulf %parallel_loop3A_160, %parallel_loop3A_576 : vector<16xf32>
      %parallel_loop3A_578 = arith.subf %parallel_loop3A_568, %parallel_loop3A_577 : vector<16xf32>
      %parallel_loop3A_579 = arith.constant 0 : i32
      %parallel_loop3A_580 = arith.constant 0 : i32
      %parallel_loop3A_581 = tpu.memref_slice %arg8[%parallel_loop3A_97, %parallel_loop3A_579, %parallel_loop3A_580] : memref<2x32x512xf32, #tpu.memory_space<vmem>> -> memref<1x32x512xf32, #tpu.memory_space<vmem>>
      %parallel_loop3A_582 = tpu.memref_squeeze %parallel_loop3A_581 : memref<1x32x512xf32, #tpu.memory_space<vmem>> -> memref<32x512xf32, #tpu.memory_space<vmem>>
      %parallel_loop3A_583 = arith.index_cast %parallel_loop3A_143 : i32 to index
      %parallel_loop3A_584 = arith.constant 336 : index
      %parallel_loop3A_585 = tpu.vector_load %parallel_loop3A_582[%parallel_loop3A_583, %parallel_loop3A_584] {strides = array<i32>} : memref<32x512xf32, #tpu.memory_space<vmem>>, vector<1x16xf32>,
      %parallel_loop3A_586 = vector.shape_cast %parallel_loop3A_585 : vector<1x16xf32> to vector<16xf32>
      %parallel_loop3A_587 = arith.constant 0 : i32
      %parallel_loop3A_588 = arith.constant 0 : i32
      %parallel_loop3A_589 = tpu.memref_slice %arg9[%parallel_loop3A_98, %parallel_loop3A_587, %parallel_loop3A_588] : memref<2x32x512xf32, #tpu.memory_space<vmem>> -> memref<1x32x512xf32, #tpu.memory_space<vmem>>
      %parallel_loop3A_590 = tpu.memref_squeeze %parallel_loop3A_589 : memref<1x32x512xf32, #tpu.memory_space<vmem>> -> memref<32x512xf32, #tpu.memory_space<vmem>>
      %parallel_loop3A_591 = arith.index_cast %parallel_loop3A_143 : i32 to index
      %parallel_loop3A_592 = arith.constant 336 : index
      %parallel_loop3A_593 = tpu.vector_load %parallel_loop3A_590[%parallel_loop3A_591, %parallel_loop3A_592] {strides = array<i32>} : memref<32x512xf32, #tpu.memory_space<vmem>>, vector<1x16xf32>,
      %parallel_loop3A_594 = vector.shape_cast %parallel_loop3A_593 : vector<1x16xf32> to vector<16xf32>
      %parallel_loop3A_595 = arith.mulf %parallel_loop3A_160, %parallel_loop3A_594 : vector<16xf32>
      %parallel_loop3A_596 = arith.subf %parallel_loop3A_586, %parallel_loop3A_595 : vector<16xf32>
      %parallel_loop3A_597 = arith.constant 0 : i32
      %parallel_loop3A_598 = arith.constant 0 : i32
      %parallel_loop3A_599 = tpu.memref_slice %arg8[%parallel_loop3A_97, %parallel_loop3A_597, %parallel_loop3A_598] : memref<2x32x512xf32, #tpu.memory_space<vmem>> -> memref<1x32x512xf32, #tpu.memory_space<vmem>>
      %parallel_loop3A_600 = tpu.memref_squeeze %parallel_loop3A_599 : memref<1x32x512xf32, #tpu.memory_space<vmem>> -> memref<32x512xf32, #tpu.memory_space<vmem>>
      %parallel_loop3A_601 = arith.index_cast %parallel_loop3A_143 : i32 to index
      %parallel_loop3A_602 = arith.constant 352 : index
      %parallel_loop3A_603 = tpu.vector_load %parallel_loop3A_600[%parallel_loop3A_601, %parallel_loop3A_602] {strides = array<i32>} : memref<32x512xf32, #tpu.memory_space<vmem>>, vector<1x16xf32>,
      %parallel_loop3A_604 = vector.shape_cast %parallel_loop3A_603 : vector<1x16xf32> to vector<16xf32>
      %parallel_loop3A_605 = arith.constant 0 : i32
      %parallel_loop3A_606 = arith.constant 0 : i32
      %parallel_loop3A_607 = tpu.memref_slice %arg9[%parallel_loop3A_98, %parallel_loop3A_605, %parallel_loop3A_606] : memref<2x32x512xf32, #tpu.memory_space<vmem>> -> memref<1x32x512xf32, #tpu.memory_space<vmem>>
      %parallel_loop3A_608 = tpu.memref_squeeze %parallel_loop3A_607 : memref<1x32x512xf32, #tpu.memory_space<vmem>> -> memref<32x512xf32, #tpu.memory_space<vmem>>
      %parallel_loop3A_609 = arith.index_cast %parallel_loop3A_143 : i32 to index
      %parallel_loop3A_610 = arith.constant 352 : index
      %parallel_loop3A_611 = tpu.vector_load %parallel_loop3A_608[%parallel_loop3A_609, %parallel_loop3A_610] {strides = array<i32>} : memref<32x512xf32, #tpu.memory_space<vmem>>, vector<1x16xf32>,
      %parallel_loop3A_612 = vector.shape_cast %parallel_loop3A_611 : vector<1x16xf32> to vector<16xf32>
      %parallel_loop3A_613 = arith.mulf %parallel_loop3A_160, %parallel_loop3A_612 : vector<16xf32>
      %parallel_loop3A_614 = arith.subf %parallel_loop3A_604, %parallel_loop3A_613 : vector<16xf32>
      %parallel_loop3A_615 = arith.constant 0 : i32
      %parallel_loop3A_616 = arith.constant 0 : i32
      %parallel_loop3A_617 = tpu.memref_slice %arg8[%parallel_loop3A_97, %parallel_loop3A_615, %parallel_loop3A_616] : memref<2x32x512xf32, #tpu.memory_space<vmem>> -> memref<1x32x512xf32, #tpu.memory_space<vmem>>
      %parallel_loop3A_618 = tpu.memref_squeeze %parallel_loop3A_617 : memref<1x32x512xf32, #tpu.memory_space<vmem>> -> memref<32x512xf32, #tpu.memory_space<vmem>>
      %parallel_loop3A_619 = arith.index_cast %parallel_loop3A_143 : i32 to index
      %parallel_loop3A_620 = arith.constant 368 : index
      %parallel_loop3A_621 = tpu.vector_load %parallel_loop3A_618[%parallel_loop3A_619, %parallel_loop3A_620] {strides = array<i32>} : memref<32x512xf32, #tpu.memory_space<vmem>>, vector<1x16xf32>,
      %parallel_loop3A_622 = vector.shape_cast %parallel_loop3A_621 : vector<1x16xf32> to vector<16xf32>
      %parallel_loop3A_623 = arith.constant 0 : i32
      %parallel_loop3A_624 = arith.constant 0 : i32
      %parallel_loop3A_625 = tpu.memref_slice %arg9[%parallel_loop3A_98, %parallel_loop3A_623, %parallel_loop3A_624] : memref<2x32x512xf32, #tpu.memory_space<vmem>> -> memref<1x32x512xf32, #tpu.memory_space<vmem>>
      %parallel_loop3A_626 = tpu.memref_squeeze %parallel_loop3A_625 : memref<1x32x512xf32, #tpu.memory_space<vmem>> -> memref<32x512xf32, #tpu.memory_space<vmem>>
      %parallel_loop3A_627 = arith.index_cast %parallel_loop3A_143 : i32 to index
      %parallel_loop3A_628 = arith.constant 368 : index
      %parallel_loop3A_629 = tpu.vector_load %parallel_loop3A_626[%parallel_loop3A_627, %parallel_loop3A_628] {strides = array<i32>} : memref<32x512xf32, #tpu.memory_space<vmem>>, vector<1x16xf32>,
      %parallel_loop3A_630 = vector.shape_cast %parallel_loop3A_629 : vector<1x16xf32> to vector<16xf32>
      %parallel_loop3A_631 = arith.mulf %parallel_loop3A_160, %parallel_loop3A_630 : vector<16xf32>
      %parallel_loop3A_632 = arith.subf %parallel_loop3A_622, %parallel_loop3A_631 : vector<16xf32>
      %parallel_loop3A_633 = arith.mulf %parallel_loop3A_578, %parallel_loop3A_578 : vector<16xf32>
      %parallel_loop3A_634 = arith.addf %parallel_loop3A_554, %parallel_loop3A_633 : vector<16xf32>
      %parallel_loop3A_635 = arith.mulf %parallel_loop3A_596, %parallel_loop3A_596 : vector<16xf32>
      %parallel_loop3A_636 = arith.addf %parallel_loop3A_556, %parallel_loop3A_635 : vector<16xf32>
      %parallel_loop3A_637 = arith.mulf %parallel_loop3A_614, %parallel_loop3A_614 : vector<16xf32>
      %parallel_loop3A_638 = arith.addf %parallel_loop3A_558, %parallel_loop3A_637 : vector<16xf32>
      %parallel_loop3A_639 = arith.mulf %parallel_loop3A_632, %parallel_loop3A_632 : vector<16xf32>
      %parallel_loop3A_640 = arith.addf %parallel_loop3A_560, %parallel_loop3A_639 : vector<16xf32>
      %parallel_loop3A_641 = arith.constant 0 : i32
      %parallel_loop3A_642 = arith.constant 0 : i32
      %parallel_loop3A_643 = tpu.memref_slice %arg8[%parallel_loop3A_97, %parallel_loop3A_641, %parallel_loop3A_642] : memref<2x32x512xf32, #tpu.memory_space<vmem>> -> memref<1x32x512xf32, #tpu.memory_space<vmem>>
      %parallel_loop3A_644 = tpu.memref_squeeze %parallel_loop3A_643 : memref<1x32x512xf32, #tpu.memory_space<vmem>> -> memref<32x512xf32, #tpu.memory_space<vmem>>
      %parallel_loop3A_645 = arith.index_cast %parallel_loop3A_143 : i32 to index
      %parallel_loop3A_646 = arith.constant 384 : index
      %parallel_loop3A_647 = tpu.vector_load %parallel_loop3A_644[%parallel_loop3A_645, %parallel_loop3A_646] {strides = array<i32>} : memref<32x512xf32, #tpu.memory_space<vmem>>, vector<1x16xf32>,
      %parallel_loop3A_648 = vector.shape_cast %parallel_loop3A_647 : vector<1x16xf32> to vector<16xf32>
      %parallel_loop3A_649 = arith.constant 0 : i32
      %parallel_loop3A_650 = arith.constant 0 : i32
      %parallel_loop3A_651 = tpu.memref_slice %arg9[%parallel_loop3A_98, %parallel_loop3A_649, %parallel_loop3A_650] : memref<2x32x512xf32, #tpu.memory_space<vmem>> -> memref<1x32x512xf32, #tpu.memory_space<vmem>>
      %parallel_loop3A_652 = tpu.memref_squeeze %parallel_loop3A_651 : memref<1x32x512xf32, #tpu.memory_space<vmem>> -> memref<32x512xf32, #tpu.memory_space<vmem>>
      %parallel_loop3A_653 = arith.index_cast %parallel_loop3A_143 : i32 to index
      %parallel_loop3A_654 = arith.constant 384 : index
      %parallel_loop3A_655 = tpu.vector_load %parallel_loop3A_652[%parallel_loop3A_653, %parallel_loop3A_654] {strides = array<i32>} : memref<32x512xf32, #tpu.memory_space<vmem>>, vector<1x16xf32>,
      %parallel_loop3A_656 = vector.shape_cast %parallel_loop3A_655 : vector<1x16xf32> to vector<16xf32>
      %parallel_loop3A_657 = arith.mulf %parallel_loop3A_160, %parallel_loop3A_656 : vector<16xf32>
      %parallel_loop3A_658 = arith.subf %parallel_loop3A_648, %parallel_loop3A_657 : vector<16xf32>
      %parallel_loop3A_659 = arith.constant 0 : i32
      %parallel_loop3A_660 = arith.constant 0 : i32
      %parallel_loop3A_661 = tpu.memref_slice %arg8[%parallel_loop3A_97, %parallel_loop3A_659, %parallel_loop3A_660] : memref<2x32x512xf32, #tpu.memory_space<vmem>> -> memref<1x32x512xf32, #tpu.memory_space<vmem>>
      %parallel_loop3A_662 = tpu.memref_squeeze %parallel_loop3A_661 : memref<1x32x512xf32, #tpu.memory_space<vmem>> -> memref<32x512xf32, #tpu.memory_space<vmem>>
      %parallel_loop3A_663 = arith.index_cast %parallel_loop3A_143 : i32 to index
      %parallel_loop3A_664 = arith.constant 400 : index
      %parallel_loop3A_665 = tpu.vector_load %parallel_loop3A_662[%parallel_loop3A_663, %parallel_loop3A_664] {strides = array<i32>} : memref<32x512xf32, #tpu.memory_space<vmem>>, vector<1x16xf32>,
      %parallel_loop3A_666 = vector.shape_cast %parallel_loop3A_665 : vector<1x16xf32> to vector<16xf32>
      %parallel_loop3A_667 = arith.constant 0 : i32
      %parallel_loop3A_668 = arith.constant 0 : i32
      %parallel_loop3A_669 = tpu.memref_slice %arg9[%parallel_loop3A_98, %parallel_loop3A_667, %parallel_loop3A_668] : memref<2x32x512xf32, #tpu.memory_space<vmem>> -> memref<1x32x512xf32, #tpu.memory_space<vmem>>
      %parallel_loop3A_670 = tpu.memref_squeeze %parallel_loop3A_669 : memref<1x32x512xf32, #tpu.memory_space<vmem>> -> memref<32x512xf32, #tpu.memory_space<vmem>>
      %parallel_loop3A_671 = arith.index_cast %parallel_loop3A_143 : i32 to index
      %parallel_loop3A_672 = arith.constant 400 : index
      %parallel_loop3A_673 = tpu.vector_load %parallel_loop3A_670[%parallel_loop3A_671, %parallel_loop3A_672] {strides = array<i32>} : memref<32x512xf32, #tpu.memory_space<vmem>>, vector<1x16xf32>,
      %parallel_loop3A_674 = vector.shape_cast %parallel_loop3A_673 : vector<1x16xf32> to vector<16xf32>
      %parallel_loop3A_675 = arith.mulf %parallel_loop3A_160, %parallel_loop3A_674 : vector<16xf32>
      %parallel_loop3A_676 = arith.subf %parallel_loop3A_666, %parallel_loop3A_675 : vector<16xf32>
      %parallel_loop3A_677 = arith.constant 0 : i32
      %parallel_loop3A_678 = arith.constant 0 : i32
      %parallel_loop3A_679 = tpu.memref_slice %arg8[%parallel_loop3A_97, %parallel_loop3A_677, %parallel_loop3A_678] : memref<2x32x512xf32, #tpu.memory_space<vmem>> -> memref<1x32x512xf32, #tpu.memory_space<vmem>>
      %parallel_loop3A_680 = tpu.memref_squeeze %parallel_loop3A_679 : memref<1x32x512xf32, #tpu.memory_space<vmem>> -> memref<32x512xf32, #tpu.memory_space<vmem>>
      %parallel_loop3A_681 = arith.index_cast %parallel_loop3A_143 : i32 to index
      %parallel_loop3A_682 = arith.constant 416 : index
      %parallel_loop3A_683 = tpu.vector_load %parallel_loop3A_680[%parallel_loop3A_681, %parallel_loop3A_682] {strides = array<i32>} : memref<32x512xf32, #tpu.memory_space<vmem>>, vector<1x16xf32>,
      %parallel_loop3A_684 = vector.shape_cast %parallel_loop3A_683 : vector<1x16xf32> to vector<16xf32>
      %parallel_loop3A_685 = arith.constant 0 : i32
      %parallel_loop3A_686 = arith.constant 0 : i32
      %parallel_loop3A_687 = tpu.memref_slice %arg9[%parallel_loop3A_98, %parallel_loop3A_685, %parallel_loop3A_686] : memref<2x32x512xf32, #tpu.memory_space<vmem>> -> memref<1x32x512xf32, #tpu.memory_space<vmem>>
      %parallel_loop3A_688 = tpu.memref_squeeze %parallel_loop3A_687 : memref<1x32x512xf32, #tpu.memory_space<vmem>> -> memref<32x512xf32, #tpu.memory_space<vmem>>
      %parallel_loop3A_689 = arith.index_cast %parallel_loop3A_143 : i32 to index
      %parallel_loop3A_690 = arith.constant 416 : index
      %parallel_loop3A_691 = tpu.vector_load %parallel_loop3A_688[%parallel_loop3A_689, %parallel_loop3A_690] {strides = array<i32>} : memref<32x512xf32, #tpu.memory_space<vmem>>, vector<1x16xf32>,
      %parallel_loop3A_692 = vector.shape_cast %parallel_loop3A_691 : vector<1x16xf32> to vector<16xf32>
      %parallel_loop3A_693 = arith.mulf %parallel_loop3A_160, %parallel_loop3A_692 : vector<16xf32>
      %parallel_loop3A_694 = arith.subf %parallel_loop3A_684, %parallel_loop3A_693 : vector<16xf32>
      %parallel_loop3A_695 = arith.constant 0 : i32
      %parallel_loop3A_696 = arith.constant 0 : i32
      %parallel_loop3A_697 = tpu.memref_slice %arg8[%parallel_loop3A_97, %parallel_loop3A_695, %parallel_loop3A_696] : memref<2x32x512xf32, #tpu.memory_space<vmem>> -> memref<1x32x512xf32, #tpu.memory_space<vmem>>
      %parallel_loop3A_698 = tpu.memref_squeeze %parallel_loop3A_697 : memref<1x32x512xf32, #tpu.memory_space<vmem>> -> memref<32x512xf32, #tpu.memory_space<vmem>>
      %parallel_loop3A_699 = arith.index_cast %parallel_loop3A_143 : i32 to index
      %parallel_loop3A_700 = arith.constant 432 : index
      %parallel_loop3A_701 = tpu.vector_load %parallel_loop3A_698[%parallel_loop3A_699, %parallel_loop3A_700] {strides = array<i32>} : memref<32x512xf32, #tpu.memory_space<vmem>>, vector<1x16xf32>,
      %parallel_loop3A_702 = vector.shape_cast %parallel_loop3A_701 : vector<1x16xf32> to vector<16xf32>
      %parallel_loop3A_703 = arith.constant 0 : i32
      %parallel_loop3A_704 = arith.constant 0 : i32
      %parallel_loop3A_705 = tpu.memref_slice %arg9[%parallel_loop3A_98, %parallel_loop3A_703, %parallel_loop3A_704] : memref<2x32x512xf32, #tpu.memory_space<vmem>> -> memref<1x32x512xf32, #tpu.memory_space<vmem>>
      %parallel_loop3A_706 = tpu.memref_squeeze %parallel_loop3A_705 : memref<1x32x512xf32, #tpu.memory_space<vmem>> -> memref<32x512xf32, #tpu.memory_space<vmem>>
      %parallel_loop3A_707 = arith.index_cast %parallel_loop3A_143 : i32 to index
      %parallel_loop3A_708 = arith.constant 432 : index
      %parallel_loop3A_709 = tpu.vector_load %parallel_loop3A_706[%parallel_loop3A_707, %parallel_loop3A_708] {strides = array<i32>} : memref<32x512xf32, #tpu.memory_space<vmem>>, vector<1x16xf32>,
      %parallel_loop3A_710 = vector.shape_cast %parallel_loop3A_709 : vector<1x16xf32> to vector<16xf32>
      %parallel_loop3A_711 = arith.mulf %parallel_loop3A_160, %parallel_loop3A_710 : vector<16xf32>
      %parallel_loop3A_712 = arith.subf %parallel_loop3A_702, %parallel_loop3A_711 : vector<16xf32>
      %parallel_loop3A_713 = arith.mulf %parallel_loop3A_658, %parallel_loop3A_658 : vector<16xf32>
      %parallel_loop3A_714 = arith.addf %parallel_loop3A_634, %parallel_loop3A_713 : vector<16xf32>
      %parallel_loop3A_715 = arith.mulf %parallel_loop3A_676, %parallel_loop3A_676 : vector<16xf32>
      %parallel_loop3A_716 = arith.addf %parallel_loop3A_636, %parallel_loop3A_715 : vector<16xf32>
      %parallel_loop3A_717 = arith.mulf %parallel_loop3A_694, %parallel_loop3A_694 : vector<16xf32>
      %parallel_loop3A_718 = arith.addf %parallel_loop3A_638, %parallel_loop3A_717 : vector<16xf32>
      %parallel_loop3A_719 = arith.mulf %parallel_loop3A_712, %parallel_loop3A_712 : vector<16xf32>
      %parallel_loop3A_720 = arith.addf %parallel_loop3A_640, %parallel_loop3A_719 : vector<16xf32>
      %parallel_loop3A_721 = arith.constant 0 : i32
      %parallel_loop3A_722 = arith.constant 0 : i32
      %parallel_loop3A_723 = tpu.memref_slice %arg8[%parallel_loop3A_97, %parallel_loop3A_721, %parallel_loop3A_722] : memref<2x32x512xf32, #tpu.memory_space<vmem>> -> memref<1x32x512xf32, #tpu.memory_space<vmem>>
      %parallel_loop3A_724 = tpu.memref_squeeze %parallel_loop3A_723 : memref<1x32x512xf32, #tpu.memory_space<vmem>> -> memref<32x512xf32, #tpu.memory_space<vmem>>
      %parallel_loop3A_725 = arith.index_cast %parallel_loop3A_143 : i32 to index
      %parallel_loop3A_726 = arith.constant 448 : index
      %parallel_loop3A_727 = tpu.vector_load %parallel_loop3A_724[%parallel_loop3A_725, %parallel_loop3A_726] {strides = array<i32>} : memref<32x512xf32, #tpu.memory_space<vmem>>, vector<1x16xf32>,
      %parallel_loop3A_728 = vector.shape_cast %parallel_loop3A_727 : vector<1x16xf32> to vector<16xf32>
      %parallel_loop3A_729 = arith.constant 0 : i32
      %parallel_loop3A_730 = arith.constant 0 : i32
      %parallel_loop3A_731 = tpu.memref_slice %arg9[%parallel_loop3A_98, %parallel_loop3A_729, %parallel_loop3A_730] : memref<2x32x512xf32, #tpu.memory_space<vmem>> -> memref<1x32x512xf32, #tpu.memory_space<vmem>>
      %parallel_loop3A_732 = tpu.memref_squeeze %parallel_loop3A_731 : memref<1x32x512xf32, #tpu.memory_space<vmem>> -> memref<32x512xf32, #tpu.memory_space<vmem>>
      %parallel_loop3A_733 = arith.index_cast %parallel_loop3A_143 : i32 to index
      %parallel_loop3A_734 = arith.constant 448 : index
      %parallel_loop3A_735 = tpu.vector_load %parallel_loop3A_732[%parallel_loop3A_733, %parallel_loop3A_734] {strides = array<i32>} : memref<32x512xf32, #tpu.memory_space<vmem>>, vector<1x16xf32>,
      %parallel_loop3A_736 = vector.shape_cast %parallel_loop3A_735 : vector<1x16xf32> to vector<16xf32>
      %parallel_loop3A_737 = arith.mulf %parallel_loop3A_160, %parallel_loop3A_736 : vector<16xf32>
      %parallel_loop3A_738 = arith.subf %parallel_loop3A_728, %parallel_loop3A_737 : vector<16xf32>
      %parallel_loop3A_739 = arith.constant 0 : i32
      %parallel_loop3A_740 = arith.constant 0 : i32
      %parallel_loop3A_741 = tpu.memref_slice %arg8[%parallel_loop3A_97, %parallel_loop3A_739, %parallel_loop3A_740] : memref<2x32x512xf32, #tpu.memory_space<vmem>> -> memref<1x32x512xf32, #tpu.memory_space<vmem>>
      %parallel_loop3A_742 = tpu.memref_squeeze %parallel_loop3A_741 : memref<1x32x512xf32, #tpu.memory_space<vmem>> -> memref<32x512xf32, #tpu.memory_space<vmem>>
      %parallel_loop3A_743 = arith.index_cast %parallel_loop3A_143 : i32 to index
      %parallel_loop3A_744 = arith.constant 464 : index
      %parallel_loop3A_745 = tpu.vector_load %parallel_loop3A_742[%parallel_loop3A_743, %parallel_loop3A_744] {strides = array<i32>} : memref<32x512xf32, #tpu.memory_space<vmem>>, vector<1x16xf32>,
      %parallel_loop3A_746 = vector.shape_cast %parallel_loop3A_745 : vector<1x16xf32> to vector<16xf32>
      %parallel_loop3A_747 = arith.constant 0 : i32
      %parallel_loop3A_748 = arith.constant 0 : i32
      %parallel_loop3A_749 = tpu.memref_slice %arg9[%parallel_loop3A_98, %parallel_loop3A_747, %parallel_loop3A_748] : memref<2x32x512xf32, #tpu.memory_space<vmem>> -> memref<1x32x512xf32, #tpu.memory_space<vmem>>
      %parallel_loop3A_750 = tpu.memref_squeeze %parallel_loop3A_749 : memref<1x32x512xf32, #tpu.memory_space<vmem>> -> memref<32x512xf32, #tpu.memory_space<vmem>>
      %parallel_loop3A_751 = arith.index_cast %parallel_loop3A_143 : i32 to index
      %parallel_loop3A_752 = arith.constant 464 : index
      %parallel_loop3A_753 = tpu.vector_load %parallel_loop3A_750[%parallel_loop3A_751, %parallel_loop3A_752] {strides = array<i32>} : memref<32x512xf32, #tpu.memory_space<vmem>>, vector<1x16xf32>,
      %parallel_loop3A_754 = vector.shape_cast %parallel_loop3A_753 : vector<1x16xf32> to vector<16xf32>
      %parallel_loop3A_755 = arith.mulf %parallel_loop3A_160, %parallel_loop3A_754 : vector<16xf32>
      %parallel_loop3A_756 = arith.subf %parallel_loop3A_746, %parallel_loop3A_755 : vector<16xf32>
      %parallel_loop3A_757 = arith.constant 0 : i32
      %parallel_loop3A_758 = arith.constant 0 : i32
      %parallel_loop3A_759 = tpu.memref_slice %arg8[%parallel_loop3A_97, %parallel_loop3A_757, %parallel_loop3A_758] : memref<2x32x512xf32, #tpu.memory_space<vmem>> -> memref<1x32x512xf32, #tpu.memory_space<vmem>>
      %parallel_loop3A_760 = tpu.memref_squeeze %parallel_loop3A_759 : memref<1x32x512xf32, #tpu.memory_space<vmem>> -> memref<32x512xf32, #tpu.memory_space<vmem>>
      %parallel_loop3A_761 = arith.index_cast %parallel_loop3A_143 : i32 to index
      %parallel_loop3A_762 = arith.constant 480 : index
      %parallel_loop3A_763 = tpu.vector_load %parallel_loop3A_760[%parallel_loop3A_761, %parallel_loop3A_762] {strides = array<i32>} : memref<32x512xf32, #tpu.memory_space<vmem>>, vector<1x16xf32>,
      %parallel_loop3A_764 = vector.shape_cast %parallel_loop3A_763 : vector<1x16xf32> to vector<16xf32>
      %parallel_loop3A_765 = arith.constant 0 : i32
      %parallel_loop3A_766 = arith.constant 0 : i32
      %parallel_loop3A_767 = tpu.memref_slice %arg9[%parallel_loop3A_98, %parallel_loop3A_765, %parallel_loop3A_766] : memref<2x32x512xf32, #tpu.memory_space<vmem>> -> memref<1x32x512xf32, #tpu.memory_space<vmem>>
      %parallel_loop3A_768 = tpu.memref_squeeze %parallel_loop3A_767 : memref<1x32x512xf32, #tpu.memory_space<vmem>> -> memref<32x512xf32, #tpu.memory_space<vmem>>
      %parallel_loop3A_769 = arith.index_cast %parallel_loop3A_143 : i32 to index
      %parallel_loop3A_770 = arith.constant 480 : index
      %parallel_loop3A_771 = tpu.vector_load %parallel_loop3A_768[%parallel_loop3A_769, %parallel_loop3A_770] {strides = array<i32>} : memref<32x512xf32, #tpu.memory_space<vmem>>, vector<1x16xf32>,
      %parallel_loop3A_772 = vector.shape_cast %parallel_loop3A_771 : vector<1x16xf32> to vector<16xf32>
      %parallel_loop3A_773 = arith.mulf %parallel_loop3A_160, %parallel_loop3A_772 : vector<16xf32>
      %parallel_loop3A_774 = arith.subf %parallel_loop3A_764, %parallel_loop3A_773 : vector<16xf32>
      %parallel_loop3A_775 = arith.constant 0 : i32
      %parallel_loop3A_776 = arith.constant 0 : i32
      %parallel_loop3A_777 = tpu.memref_slice %arg8[%parallel_loop3A_97, %parallel_loop3A_775, %parallel_loop3A_776] : memref<2x32x512xf32, #tpu.memory_space<vmem>> -> memref<1x32x512xf32, #tpu.memory_space<vmem>>
      %parallel_loop3A_778 = tpu.memref_squeeze %parallel_loop3A_777 : memref<1x32x512xf32, #tpu.memory_space<vmem>> -> memref<32x512xf32, #tpu.memory_space<vmem>>
      %parallel_loop3A_779 = arith.index_cast %parallel_loop3A_143 : i32 to index
      %parallel_loop3A_780 = arith.constant 496 : index
      %parallel_loop3A_781 = tpu.vector_load %parallel_loop3A_778[%parallel_loop3A_779, %parallel_loop3A_780] {strides = array<i32>} : memref<32x512xf32, #tpu.memory_space<vmem>>, vector<1x16xf32>,
      %parallel_loop3A_782 = vector.shape_cast %parallel_loop3A_781 : vector<1x16xf32> to vector<16xf32>
      %parallel_loop3A_783 = arith.constant 0 : i32
      %parallel_loop3A_784 = arith.constant 0 : i32
      %parallel_loop3A_785 = tpu.memref_slice %arg9[%parallel_loop3A_98, %parallel_loop3A_783, %parallel_loop3A_784] : memref<2x32x512xf32, #tpu.memory_space<vmem>> -> memref<1x32x512xf32, #tpu.memory_space<vmem>>
      %parallel_loop3A_786 = tpu.memref_squeeze %parallel_loop3A_785 : memref<1x32x512xf32, #tpu.memory_space<vmem>> -> memref<32x512xf32, #tpu.memory_space<vmem>>
      %parallel_loop3A_787 = arith.index_cast %parallel_loop3A_143 : i32 to index
      %parallel_loop3A_788 = arith.constant 496 : index
      %parallel_loop3A_789 = tpu.vector_load %parallel_loop3A_786[%parallel_loop3A_787, %parallel_loop3A_788] {strides = array<i32>} : memref<32x512xf32, #tpu.memory_space<vmem>>, vector<1x16xf32>,
      %parallel_loop3A_790 = vector.shape_cast %parallel_loop3A_789 : vector<1x16xf32> to vector<16xf32>
      %parallel_loop3A_791 = arith.mulf %parallel_loop3A_160, %parallel_loop3A_790 : vector<16xf32>
      %parallel_loop3A_792 = arith.subf %parallel_loop3A_782, %parallel_loop3A_791 : vector<16xf32>
      %parallel_loop3A_793 = arith.mulf %parallel_loop3A_738, %parallel_loop3A_738 : vector<16xf32>
      %parallel_loop3A_794 = arith.addf %parallel_loop3A_714, %parallel_loop3A_793 : vector<16xf32>
      %parallel_loop3A_795 = arith.mulf %parallel_loop3A_756, %parallel_loop3A_756 : vector<16xf32>
      %parallel_loop3A_796 = arith.addf %parallel_loop3A_716, %parallel_loop3A_795 : vector<16xf32>
      %parallel_loop3A_797 = arith.mulf %parallel_loop3A_774, %parallel_loop3A_774 : vector<16xf32>
      %parallel_loop3A_798 = arith.addf %parallel_loop3A_718, %parallel_loop3A_797 : vector<16xf32>
      %parallel_loop3A_799 = arith.mulf %parallel_loop3A_792, %parallel_loop3A_792 : vector<16xf32>
      %parallel_loop3A_800 = arith.addf %parallel_loop3A_720, %parallel_loop3A_799 : vector<16xf32>
      scf.yield %parallel_loop3A_794, %parallel_loop3A_796, %parallel_loop3A_798, %parallel_loop3A_800 : vector<16xf32>, vector<16xf32>, vector<16xf32>, vector<16xf32>
    } {sc.loop_unroll_factor = 1 : i64, sc.parallel_access}
    %dma_wait3A_100 = arith.constant 1 : i32
    %dma_wait3A_101 = arith.constant 1 : i32
    %dma_wait3A_102 = arith.constant 0 : i32
    %dma_wait3A_103 = arith.constant 0 : i32
    %dma_wait3A_104 = tpu.memref_slice %arg8[%dma_wait3A_100, %dma_wait3A_102, %dma_wait3A_103] : memref<2x32x512xf32, #tpu.memory_space<vmem>> -> memref<1x32x512xf32, #tpu.memory_space<vmem>>
    %dma_wait3A_105 = tpu.memref_squeeze %dma_wait3A_104 : memref<1x32x512xf32, #tpu.memory_space<vmem>> -> memref<32x512xf32, #tpu.memory_space<vmem>>
    %dma_wait3A_106 = arith.constant 0 : i32
    %dma_wait3A_107 = tpu.memref_slice %arg2[%add3A_23, %dma_wait3A_106] : memref<4096x512xf32, #tpu.memory_space<hbm>> -> memref<32x512xf32, #tpu.memory_space<hbm>>
    %dma_wait3A_108 = tpu.memref_slice %arg12[%dma_wait3A_101] : memref<2x!tpu.dma_semaphore, #tpu.memory_space<semaphore_mem>> -> memref<1x!tpu.dma_semaphore, #tpu.memory_space<semaphore_mem>>
    %dma_wait3A_109 = tpu.memref_squeeze %dma_wait3A_108 : memref<1x!tpu.dma_semaphore, #tpu.memory_space<semaphore_mem>> -> memref<!tpu.dma_semaphore, #tpu.memory_space<semaphore_mem>>
    %dma_wait3A_110 = arith.constant 0 : i32
    %dma_wait3A_111 = arith.constant 0 : i32
    %dma_wait3A_112 = tpu.memref_slice %arg8[%dma_wait3A_100, %dma_wait3A_110, %dma_wait3A_111] : memref<2x32x512xf32, #tpu.memory_space<vmem>> -> memref<1x32x512xf32, #tpu.memory_space<vmem>>
    %dma_wait3A_113 = tpu.memref_squeeze %dma_wait3A_112 : memref<1x32x512xf32, #tpu.memory_space<vmem>> -> memref<32x512xf32, #tpu.memory_space<vmem>>
    %dma_wait3A_114 = arith.constant 0 : i32
    %dma_wait3A_115 = tpu.memref_slice %arg2[%add3A_23, %dma_wait3A_114] : memref<4096x512xf32, #tpu.memory_space<hbm>> -> memref<32x512xf32, #tpu.memory_space<hbm>>
    tpu.wait_dma2 semaphore(%dma_wait3A_109 : memref<!tpu.dma_semaphore, #tpu.memory_space<semaphore_mem>>) src(%dma_wait3A_115 : memref<32x512xf32, #tpu.memory_space<hbm>>) dst(%dma_wait3A_113 : memref<32x512xf32, #tpu.memory_space<vmem>>)
    %dma_wait3A_116 = arith.constant 1 : i32
    %dma_wait3A_117 = arith.constant 1 : i32
    %dma_wait3A_118 = arith.constant 0 : i32
    %dma_wait3A_119 = arith.constant 0 : i32
    %dma_wait3A_120 = tpu.memref_slice %arg9[%dma_wait3A_116, %dma_wait3A_118, %dma_wait3A_119] : memref<2x32x512xf32, #tpu.memory_space<vmem>> -> memref<1x32x512xf32, #tpu.memory_space<vmem>>
    %dma_wait3A_121 = tpu.memref_squeeze %dma_wait3A_120 : memref<1x32x512xf32, #tpu.memory_space<vmem>> -> memref<32x512xf32, #tpu.memory_space<vmem>>
    %dma_wait3A_122 = arith.constant 32 : i32
    %dma_wait3A_123 = tpu.memref_slice %arg7[%dma_wait3A_122] : memref<80xi32, #tpu.memory_space<vmem>> -> memref<32xi32, #tpu.memory_space<vmem>>
    %dma_wait3A_124 = arith.constant 0 : i32
    %dma_wait3A_125 = arith.constant 0 : i32
    %dma_wait3A_126 = tpu.memref_slice %arg4[%dma_wait3A_124, %dma_wait3A_125] : memref<1000x512xf32, #tpu.memory_space<hbm>> -> memref<1000x512xf32, #tpu.memory_space<hbm>>
    %dma_wait3A_127 = tpu.memref_slice %arg13[%dma_wait3A_117] : memref<2x!tpu.dma_semaphore, #tpu.memory_space<semaphore_mem>> -> memref<1x!tpu.dma_semaphore, #tpu.memory_space<semaphore_mem>>
    %dma_wait3A_128 = tpu.memref_squeeze %dma_wait3A_127 : memref<1x!tpu.dma_semaphore, #tpu.memory_space<semaphore_mem>> -> memref<!tpu.dma_semaphore, #tpu.memory_space<semaphore_mem>>
    tpu.wait_indirect_dma semaphore(%dma_wait3A_128 : memref<!tpu.dma_semaphore, #tpu.memory_space<semaphore_mem>>) src(%dma_wait3A_126 : memref<1000x512xf32, #tpu.memory_space<hbm>>) dst(%dma_wait3A_121 : memref<32x512xf32, #tpu.memory_space<vmem>>)
    %parallel_loop3A_129 = arith.constant 0 : i32
    %parallel_loop3A_130 = arith.constant 32 : i32
    %parallel_loop3A_131 = arith.constant 1 : i32
    %parallel_loop3A_132 = arith.constant 1 : i32
    %parallel_loop3A_133 = arith.constant 1 : i32
    %parallel_loop3A_134:4 = scf.for %parallel_loop3A_143 = %parallel_loop3A_129 to %parallel_loop3A_130 step %parallel_loop3A_131 iter_args(%parallel_loop3A_144 = %parallel_loop3A_99#0, %parallel_loop3A_145 = %parallel_loop3A_99#1, %parallel_loop3A_146 = %parallel_loop3A_99#2, %parallel_loop3A_147 = %parallel_loop3A_99#3) -> (vector<16xf32>, vector<16xf32>, vector<16xf32>, vector<16xf32>)  : i32 {
      %parallel_loop3A_148 = arith.constant 32 : i32
      %parallel_loop3A_149 = arith.addi %parallel_loop3A_148, %parallel_loop3A_143 : i32
      %parallel_loop3A_150 = arith.index_cast %parallel_loop3A_149 : i32 to index
      %parallel_loop3A_151 = tpu.vector_load %arg7[%parallel_loop3A_150] {strides = array<i32>} : memref<80xi32, #tpu.memory_space<vmem>>, vector<16xi32>,
      %parallel_loop3A_152 = vector.shape_cast %parallel_loop3A_151 : vector<16xi32> to vector<16xi32>
      %parallel_loop3A_153 = vector.extract_strided_slice %parallel_loop3A_152 {offsets = [0], sizes = [1], strides = [1]} : vector<16xi32> to vector<1xi32>
      %parallel_loop3A_154 = vector.extract %parallel_loop3A_153[0] : i32 from vector<1xi32>
      %parallel_loop3A_155 = arith.index_cast %parallel_loop3A_154 : i32 to index
      %parallel_loop3A_156 = tpu.vector_load %arg10[%parallel_loop3A_155] {strides = array<i32>} : memref<1024xf32, #tpu.memory_space<vmem>>, vector<16xf32>,
      %parallel_loop3A_157 = vector.shape_cast %parallel_loop3A_156 : vector<16xf32> to vector<16xf32>
      %parallel_loop3A_158 = vector.extract_strided_slice %parallel_loop3A_157 {offsets = [0], sizes = [1], strides = [1]} : vector<16xf32> to vector<1xf32>
      %parallel_loop3A_159 = vector.extract %parallel_loop3A_158[0] : f32 from vector<1xf32>
      %parallel_loop3A_160 = vector.broadcast %parallel_loop3A_159 : f32 to vector<16xf32>
      %parallel_loop3A_161 = arith.constant 0 : i32
      %parallel_loop3A_162 = arith.constant 0 : i32
      %parallel_loop3A_163 = tpu.memref_slice %arg8[%parallel_loop3A_132, %parallel_loop3A_161, %parallel_loop3A_162] : memref<2x32x512xf32, #tpu.memory_space<vmem>> -> memref<1x32x512xf32, #tpu.memory_space<vmem>>
      %parallel_loop3A_164 = tpu.memref_squeeze %parallel_loop3A_163 : memref<1x32x512xf32, #tpu.memory_space<vmem>> -> memref<32x512xf32, #tpu.memory_space<vmem>>
      %parallel_loop3A_165 = arith.index_cast %parallel_loop3A_143 : i32 to index
      %parallel_loop3A_166 = arith.constant 0 : index
      %parallel_loop3A_167 = tpu.vector_load %parallel_loop3A_164[%parallel_loop3A_165, %parallel_loop3A_166] {strides = array<i32>} : memref<32x512xf32, #tpu.memory_space<vmem>>, vector<1x16xf32>,
      %parallel_loop3A_168 = vector.shape_cast %parallel_loop3A_167 : vector<1x16xf32> to vector<16xf32>
      %parallel_loop3A_169 = arith.constant 0 : i32
      %parallel_loop3A_170 = arith.constant 0 : i32
      %parallel_loop3A_171 = tpu.memref_slice %arg9[%parallel_loop3A_133, %parallel_loop3A_169, %parallel_loop3A_170] : memref<2x32x512xf32, #tpu.memory_space<vmem>> -> memref<1x32x512xf32, #tpu.memory_space<vmem>>
      %parallel_loop3A_172 = tpu.memref_squeeze %parallel_loop3A_171 : memref<1x32x512xf32, #tpu.memory_space<vmem>> -> memref<32x512xf32, #tpu.memory_space<vmem>>
      %parallel_loop3A_173 = arith.index_cast %parallel_loop3A_143 : i32 to index
      %parallel_loop3A_174 = arith.constant 0 : index
      %parallel_loop3A_175 = tpu.vector_load %parallel_loop3A_172[%parallel_loop3A_173, %parallel_loop3A_174] {strides = array<i32>} : memref<32x512xf32, #tpu.memory_space<vmem>>, vector<1x16xf32>,
      %parallel_loop3A_176 = vector.shape_cast %parallel_loop3A_175 : vector<1x16xf32> to vector<16xf32>
      %parallel_loop3A_177 = arith.mulf %parallel_loop3A_160, %parallel_loop3A_176 : vector<16xf32>
      %parallel_loop3A_178 = arith.subf %parallel_loop3A_168, %parallel_loop3A_177 : vector<16xf32>
      %parallel_loop3A_179 = arith.constant 0 : i32
      %parallel_loop3A_180 = arith.constant 0 : i32
      %parallel_loop3A_181 = tpu.memref_slice %arg8[%parallel_loop3A_132, %parallel_loop3A_179, %parallel_loop3A_180] : memref<2x32x512xf32, #tpu.memory_space<vmem>> -> memref<1x32x512xf32, #tpu.memory_space<vmem>>
      %parallel_loop3A_182 = tpu.memref_squeeze %parallel_loop3A_181 : memref<1x32x512xf32, #tpu.memory_space<vmem>> -> memref<32x512xf32, #tpu.memory_space<vmem>>
      %parallel_loop3A_183 = arith.index_cast %parallel_loop3A_143 : i32 to index
      %parallel_loop3A_184 = arith.constant 16 : index
      %parallel_loop3A_185 = tpu.vector_load %parallel_loop3A_182[%parallel_loop3A_183, %parallel_loop3A_184] {strides = array<i32>} : memref<32x512xf32, #tpu.memory_space<vmem>>, vector<1x16xf32>,
      %parallel_loop3A_186 = vector.shape_cast %parallel_loop3A_185 : vector<1x16xf32> to vector<16xf32>
      %parallel_loop3A_187 = arith.constant 0 : i32
      %parallel_loop3A_188 = arith.constant 0 : i32
      %parallel_loop3A_189 = tpu.memref_slice %arg9[%parallel_loop3A_133, %parallel_loop3A_187, %parallel_loop3A_188] : memref<2x32x512xf32, #tpu.memory_space<vmem>> -> memref<1x32x512xf32, #tpu.memory_space<vmem>>
      %parallel_loop3A_190 = tpu.memref_squeeze %parallel_loop3A_189 : memref<1x32x512xf32, #tpu.memory_space<vmem>> -> memref<32x512xf32, #tpu.memory_space<vmem>>
      %parallel_loop3A_191 = arith.index_cast %parallel_loop3A_143 : i32 to index
      %parallel_loop3A_192 = arith.constant 16 : index
      %parallel_loop3A_193 = tpu.vector_load %parallel_loop3A_190[%parallel_loop3A_191, %parallel_loop3A_192] {strides = array<i32>} : memref<32x512xf32, #tpu.memory_space<vmem>>, vector<1x16xf32>,
      %parallel_loop3A_194 = vector.shape_cast %parallel_loop3A_193 : vector<1x16xf32> to vector<16xf32>
      %parallel_loop3A_195 = arith.mulf %parallel_loop3A_160, %parallel_loop3A_194 : vector<16xf32>
      %parallel_loop3A_196 = arith.subf %parallel_loop3A_186, %parallel_loop3A_195 : vector<16xf32>
      %parallel_loop3A_197 = arith.constant 0 : i32
      %parallel_loop3A_198 = arith.constant 0 : i32
      %parallel_loop3A_199 = tpu.memref_slice %arg8[%parallel_loop3A_132, %parallel_loop3A_197, %parallel_loop3A_198] : memref<2x32x512xf32, #tpu.memory_space<vmem>> -> memref<1x32x512xf32, #tpu.memory_space<vmem>>
      %parallel_loop3A_200 = tpu.memref_squeeze %parallel_loop3A_199 : memref<1x32x512xf32, #tpu.memory_space<vmem>> -> memref<32x512xf32, #tpu.memory_space<vmem>>
      %parallel_loop3A_201 = arith.index_cast %parallel_loop3A_143 : i32 to index
      %parallel_loop3A_202 = arith.constant 32 : index
      %parallel_loop3A_203 = tpu.vector_load %parallel_loop3A_200[%parallel_loop3A_201, %parallel_loop3A_202] {strides = array<i32>} : memref<32x512xf32, #tpu.memory_space<vmem>>, vector<1x16xf32>,
      %parallel_loop3A_204 = vector.shape_cast %parallel_loop3A_203 : vector<1x16xf32> to vector<16xf32>
      %parallel_loop3A_205 = arith.constant 0 : i32
      %parallel_loop3A_206 = arith.constant 0 : i32
      %parallel_loop3A_207 = tpu.memref_slice %arg9[%parallel_loop3A_133, %parallel_loop3A_205, %parallel_loop3A_206] : memref<2x32x512xf32, #tpu.memory_space<vmem>> -> memref<1x32x512xf32, #tpu.memory_space<vmem>>
      %parallel_loop3A_208 = tpu.memref_squeeze %parallel_loop3A_207 : memref<1x32x512xf32, #tpu.memory_space<vmem>> -> memref<32x512xf32, #tpu.memory_space<vmem>>
      %parallel_loop3A_209 = arith.index_cast %parallel_loop3A_143 : i32 to index
      %parallel_loop3A_210 = arith.constant 32 : index
      %parallel_loop3A_211 = tpu.vector_load %parallel_loop3A_208[%parallel_loop3A_209, %parallel_loop3A_210] {strides = array<i32>} : memref<32x512xf32, #tpu.memory_space<vmem>>, vector<1x16xf32>,
      %parallel_loop3A_212 = vector.shape_cast %parallel_loop3A_211 : vector<1x16xf32> to vector<16xf32>
      %parallel_loop3A_213 = arith.mulf %parallel_loop3A_160, %parallel_loop3A_212 : vector<16xf32>
      %parallel_loop3A_214 = arith.subf %parallel_loop3A_204, %parallel_loop3A_213 : vector<16xf32>
      %parallel_loop3A_215 = arith.constant 0 : i32
      %parallel_loop3A_216 = arith.constant 0 : i32
      %parallel_loop3A_217 = tpu.memref_slice %arg8[%parallel_loop3A_132, %parallel_loop3A_215, %parallel_loop3A_216] : memref<2x32x512xf32, #tpu.memory_space<vmem>> -> memref<1x32x512xf32, #tpu.memory_space<vmem>>
      %parallel_loop3A_218 = tpu.memref_squeeze %parallel_loop3A_217 : memref<1x32x512xf32, #tpu.memory_space<vmem>> -> memref<32x512xf32, #tpu.memory_space<vmem>>
      %parallel_loop3A_219 = arith.index_cast %parallel_loop3A_143 : i32 to index
      %parallel_loop3A_220 = arith.constant 48 : index
      %parallel_loop3A_221 = tpu.vector_load %parallel_loop3A_218[%parallel_loop3A_219, %parallel_loop3A_220] {strides = array<i32>} : memref<32x512xf32, #tpu.memory_space<vmem>>, vector<1x16xf32>,
      %parallel_loop3A_222 = vector.shape_cast %parallel_loop3A_221 : vector<1x16xf32> to vector<16xf32>
      %parallel_loop3A_223 = arith.constant 0 : i32
      %parallel_loop3A_224 = arith.constant 0 : i32
      %parallel_loop3A_225 = tpu.memref_slice %arg9[%parallel_loop3A_133, %parallel_loop3A_223, %parallel_loop3A_224] : memref<2x32x512xf32, #tpu.memory_space<vmem>> -> memref<1x32x512xf32, #tpu.memory_space<vmem>>
      %parallel_loop3A_226 = tpu.memref_squeeze %parallel_loop3A_225 : memref<1x32x512xf32, #tpu.memory_space<vmem>> -> memref<32x512xf32, #tpu.memory_space<vmem>>
      %parallel_loop3A_227 = arith.index_cast %parallel_loop3A_143 : i32 to index
      %parallel_loop3A_228 = arith.constant 48 : index
      %parallel_loop3A_229 = tpu.vector_load %parallel_loop3A_226[%parallel_loop3A_227, %parallel_loop3A_228] {strides = array<i32>} : memref<32x512xf32, #tpu.memory_space<vmem>>, vector<1x16xf32>,
      %parallel_loop3A_230 = vector.shape_cast %parallel_loop3A_229 : vector<1x16xf32> to vector<16xf32>
      %parallel_loop3A_231 = arith.mulf %parallel_loop3A_160, %parallel_loop3A_230 : vector<16xf32>
      %parallel_loop3A_232 = arith.subf %parallel_loop3A_222, %parallel_loop3A_231 : vector<16xf32>
      %parallel_loop3A_233 = arith.mulf %parallel_loop3A_178, %parallel_loop3A_178 : vector<16xf32>
      %parallel_loop3A_234 = arith.addf %parallel_loop3A_144, %parallel_loop3A_233 : vector<16xf32>
      %parallel_loop3A_235 = arith.mulf %parallel_loop3A_196, %parallel_loop3A_196 : vector<16xf32>
      %parallel_loop3A_236 = arith.addf %parallel_loop3A_145, %parallel_loop3A_235 : vector<16xf32>
      %parallel_loop3A_237 = arith.mulf %parallel_loop3A_214, %parallel_loop3A_214 : vector<16xf32>
      %parallel_loop3A_238 = arith.addf %parallel_loop3A_146, %parallel_loop3A_237 : vector<16xf32>
      %parallel_loop3A_239 = arith.mulf %parallel_loop3A_232, %parallel_loop3A_232 : vector<16xf32>
      %parallel_loop3A_240 = arith.addf %parallel_loop3A_147, %parallel_loop3A_239 : vector<16xf32>
      %parallel_loop3A_241 = arith.constant 0 : i32
      %parallel_loop3A_242 = arith.constant 0 : i32
      %parallel_loop3A_243 = tpu.memref_slice %arg8[%parallel_loop3A_132, %parallel_loop3A_241, %parallel_loop3A_242] : memref<2x32x512xf32, #tpu.memory_space<vmem>> -> memref<1x32x512xf32, #tpu.memory_space<vmem>>
      %parallel_loop3A_244 = tpu.memref_squeeze %parallel_loop3A_243 : memref<1x32x512xf32, #tpu.memory_space<vmem>> -> memref<32x512xf32, #tpu.memory_space<vmem>>
      %parallel_loop3A_245 = arith.index_cast %parallel_loop3A_143 : i32 to index
      %parallel_loop3A_246 = arith.constant 64 : index
      %parallel_loop3A_247 = tpu.vector_load %parallel_loop3A_244[%parallel_loop3A_245, %parallel_loop3A_246] {strides = array<i32>} : memref<32x512xf32, #tpu.memory_space<vmem>>, vector<1x16xf32>,
      %parallel_loop3A_248 = vector.shape_cast %parallel_loop3A_247 : vector<1x16xf32> to vector<16xf32>
      %parallel_loop3A_249 = arith.constant 0 : i32
      %parallel_loop3A_250 = arith.constant 0 : i32
      %parallel_loop3A_251 = tpu.memref_slice %arg9[%parallel_loop3A_133, %parallel_loop3A_249, %parallel_loop3A_250] : memref<2x32x512xf32, #tpu.memory_space<vmem>> -> memref<1x32x512xf32, #tpu.memory_space<vmem>>
      %parallel_loop3A_252 = tpu.memref_squeeze %parallel_loop3A_251 : memref<1x32x512xf32, #tpu.memory_space<vmem>> -> memref<32x512xf32, #tpu.memory_space<vmem>>
      %parallel_loop3A_253 = arith.index_cast %parallel_loop3A_143 : i32 to index
      %parallel_loop3A_254 = arith.constant 64 : index
      %parallel_loop3A_255 = tpu.vector_load %parallel_loop3A_252[%parallel_loop3A_253, %parallel_loop3A_254] {strides = array<i32>} : memref<32x512xf32, #tpu.memory_space<vmem>>, vector<1x16xf32>,
      %parallel_loop3A_256 = vector.shape_cast %parallel_loop3A_255 : vector<1x16xf32> to vector<16xf32>
      %parallel_loop3A_257 = arith.mulf %parallel_loop3A_160, %parallel_loop3A_256 : vector<16xf32>
      %parallel_loop3A_258 = arith.subf %parallel_loop3A_248, %parallel_loop3A_257 : vector<16xf32>
      %parallel_loop3A_259 = arith.constant 0 : i32
      %parallel_loop3A_260 = arith.constant 0 : i32
      %parallel_loop3A_261 = tpu.memref_slice %arg8[%parallel_loop3A_132, %parallel_loop3A_259, %parallel_loop3A_260] : memref<2x32x512xf32, #tpu.memory_space<vmem>> -> memref<1x32x512xf32, #tpu.memory_space<vmem>>
      %parallel_loop3A_262 = tpu.memref_squeeze %parallel_loop3A_261 : memref<1x32x512xf32, #tpu.memory_space<vmem>> -> memref<32x512xf32, #tpu.memory_space<vmem>>
      %parallel_loop3A_263 = arith.index_cast %parallel_loop3A_143 : i32 to index
      %parallel_loop3A_264 = arith.constant 80 : index
      %parallel_loop3A_265 = tpu.vector_load %parallel_loop3A_262[%parallel_loop3A_263, %parallel_loop3A_264] {strides = array<i32>} : memref<32x512xf32, #tpu.memory_space<vmem>>, vector<1x16xf32>,
      %parallel_loop3A_266 = vector.shape_cast %parallel_loop3A_265 : vector<1x16xf32> to vector<16xf32>
      %parallel_loop3A_267 = arith.constant 0 : i32
      %parallel_loop3A_268 = arith.constant 0 : i32
      %parallel_loop3A_269 = tpu.memref_slice %arg9[%parallel_loop3A_133, %parallel_loop3A_267, %parallel_loop3A_268] : memref<2x32x512xf32, #tpu.memory_space<vmem>> -> memref<1x32x512xf32, #tpu.memory_space<vmem>>
      %parallel_loop3A_270 = tpu.memref_squeeze %parallel_loop3A_269 : memref<1x32x512xf32, #tpu.memory_space<vmem>> -> memref<32x512xf32, #tpu.memory_space<vmem>>
      %parallel_loop3A_271 = arith.index_cast %parallel_loop3A_143 : i32 to index
      %parallel_loop3A_272 = arith.constant 80 : index
      %parallel_loop3A_273 = tpu.vector_load %parallel_loop3A_270[%parallel_loop3A_271, %parallel_loop3A_272] {strides = array<i32>} : memref<32x512xf32, #tpu.memory_space<vmem>>, vector<1x16xf32>,
      %parallel_loop3A_274 = vector.shape_cast %parallel_loop3A_273 : vector<1x16xf32> to vector<16xf32>
      %parallel_loop3A_275 = arith.mulf %parallel_loop3A_160, %parallel_loop3A_274 : vector<16xf32>
      %parallel_loop3A_276 = arith.subf %parallel_loop3A_266, %parallel_loop3A_275 : vector<16xf32>
      %parallel_loop3A_277 = arith.constant 0 : i32
      %parallel_loop3A_278 = arith.constant 0 : i32
      %parallel_loop3A_279 = tpu.memref_slice %arg8[%parallel_loop3A_132, %parallel_loop3A_277, %parallel_loop3A_278] : memref<2x32x512xf32, #tpu.memory_space<vmem>> -> memref<1x32x512xf32, #tpu.memory_space<vmem>>
      %parallel_loop3A_280 = tpu.memref_squeeze %parallel_loop3A_279 : memref<1x32x512xf32, #tpu.memory_space<vmem>> -> memref<32x512xf32, #tpu.memory_space<vmem>>
      %parallel_loop3A_281 = arith.index_cast %parallel_loop3A_143 : i32 to index
      %parallel_loop3A_282 = arith.constant 96 : index
      %parallel_loop3A_283 = tpu.vector_load %parallel_loop3A_280[%parallel_loop3A_281, %parallel_loop3A_282] {strides = array<i32>} : memref<32x512xf32, #tpu.memory_space<vmem>>, vector<1x16xf32>,
      %parallel_loop3A_284 = vector.shape_cast %parallel_loop3A_283 : vector<1x16xf32> to vector<16xf32>
      %parallel_loop3A_285 = arith.constant 0 : i32
      %parallel_loop3A_286 = arith.constant 0 : i32
      %parallel_loop3A_287 = tpu.memref_slice %arg9[%parallel_loop3A_133, %parallel_loop3A_285, %parallel_loop3A_286] : memref<2x32x512xf32, #tpu.memory_space<vmem>> -> memref<1x32x512xf32, #tpu.memory_space<vmem>>
      %parallel_loop3A_288 = tpu.memref_squeeze %parallel_loop3A_287 : memref<1x32x512xf32, #tpu.memory_space<vmem>> -> memref<32x512xf32, #tpu.memory_space<vmem>>
      %parallel_loop3A_289 = arith.index_cast %parallel_loop3A_143 : i32 to index
      %parallel_loop3A_290 = arith.constant 96 : index
      %parallel_loop3A_291 = tpu.vector_load %parallel_loop3A_288[%parallel_loop3A_289, %parallel_loop3A_290] {strides = array<i32>} : memref<32x512xf32, #tpu.memory_space<vmem>>, vector<1x16xf32>,
      %parallel_loop3A_292 = vector.shape_cast %parallel_loop3A_291 : vector<1x16xf32> to vector<16xf32>
      %parallel_loop3A_293 = arith.mulf %parallel_loop3A_160, %parallel_loop3A_292 : vector<16xf32>
      %parallel_loop3A_294 = arith.subf %parallel_loop3A_284, %parallel_loop3A_293 : vector<16xf32>
      %parallel_loop3A_295 = arith.constant 0 : i32
      %parallel_loop3A_296 = arith.constant 0 : i32
      %parallel_loop3A_297 = tpu.memref_slice %arg8[%parallel_loop3A_132, %parallel_loop3A_295, %parallel_loop3A_296] : memref<2x32x512xf32, #tpu.memory_space<vmem>> -> memref<1x32x512xf32, #tpu.memory_space<vmem>>
      %parallel_loop3A_298 = tpu.memref_squeeze %parallel_loop3A_297 : memref<1x32x512xf32, #tpu.memory_space<vmem>> -> memref<32x512xf32, #tpu.memory_space<vmem>>
      %parallel_loop3A_299 = arith.index_cast %parallel_loop3A_143 : i32 to index
      %parallel_loop3A_300 = arith.constant 112 : index
      %parallel_loop3A_301 = tpu.vector_load %parallel_loop3A_298[%parallel_loop3A_299, %parallel_loop3A_300] {strides = array<i32>} : memref<32x512xf32, #tpu.memory_space<vmem>>, vector<1x16xf32>,
      %parallel_loop3A_302 = vector.shape_cast %parallel_loop3A_301 : vector<1x16xf32> to vector<16xf32>
      %parallel_loop3A_303 = arith.constant 0 : i32
      %parallel_loop3A_304 = arith.constant 0 : i32
      %parallel_loop3A_305 = tpu.memref_slice %arg9[%parallel_loop3A_133, %parallel_loop3A_303, %parallel_loop3A_304] : memref<2x32x512xf32, #tpu.memory_space<vmem>> -> memref<1x32x512xf32, #tpu.memory_space<vmem>>
      %parallel_loop3A_306 = tpu.memref_squeeze %parallel_loop3A_305 : memref<1x32x512xf32, #tpu.memory_space<vmem>> -> memref<32x512xf32, #tpu.memory_space<vmem>>
      %parallel_loop3A_307 = arith.index_cast %parallel_loop3A_143 : i32 to index
      %parallel_loop3A_308 = arith.constant 112 : index
      %parallel_loop3A_309 = tpu.vector_load %parallel_loop3A_306[%parallel_loop3A_307, %parallel_loop3A_308] {strides = array<i32>} : memref<32x512xf32, #tpu.memory_space<vmem>>, vector<1x16xf32>,
      %parallel_loop3A_310 = vector.shape_cast %parallel_loop3A_309 : vector<1x16xf32> to vector<16xf32>
      %parallel_loop3A_311 = arith.mulf %parallel_loop3A_160, %parallel_loop3A_310 : vector<16xf32>
      %parallel_loop3A_312 = arith.subf %parallel_loop3A_302, %parallel_loop3A_311 : vector<16xf32>
      %parallel_loop3A_313 = arith.mulf %parallel_loop3A_258, %parallel_loop3A_258 : vector<16xf32>
      %parallel_loop3A_314 = arith.addf %parallel_loop3A_234, %parallel_loop3A_313 : vector<16xf32>
      %parallel_loop3A_315 = arith.mulf %parallel_loop3A_276, %parallel_loop3A_276 : vector<16xf32>
      %parallel_loop3A_316 = arith.addf %parallel_loop3A_236, %parallel_loop3A_315 : vector<16xf32>
      %parallel_loop3A_317 = arith.mulf %parallel_loop3A_294, %parallel_loop3A_294 : vector<16xf32>
      %parallel_loop3A_318 = arith.addf %parallel_loop3A_238, %parallel_loop3A_317 : vector<16xf32>
      %parallel_loop3A_319 = arith.mulf %parallel_loop3A_312, %parallel_loop3A_312 : vector<16xf32>
      %parallel_loop3A_320 = arith.addf %parallel_loop3A_240, %parallel_loop3A_319 : vector<16xf32>
      %parallel_loop3A_321 = arith.constant 0 : i32
      %parallel_loop3A_322 = arith.constant 0 : i32
      %parallel_loop3A_323 = tpu.memref_slice %arg8[%parallel_loop3A_132, %parallel_loop3A_321, %parallel_loop3A_322] : memref<2x32x512xf32, #tpu.memory_space<vmem>> -> memref<1x32x512xf32, #tpu.memory_space<vmem>>
      %parallel_loop3A_324 = tpu.memref_squeeze %parallel_loop3A_323 : memref<1x32x512xf32, #tpu.memory_space<vmem>> -> memref<32x512xf32, #tpu.memory_space<vmem>>
      %parallel_loop3A_325 = arith.index_cast %parallel_loop3A_143 : i32 to index
      %parallel_loop3A_326 = arith.constant 128 : index
      %parallel_loop3A_327 = tpu.vector_load %parallel_loop3A_324[%parallel_loop3A_325, %parallel_loop3A_326] {strides = array<i32>} : memref<32x512xf32, #tpu.memory_space<vmem>>, vector<1x16xf32>,
      %parallel_loop3A_328 = vector.shape_cast %parallel_loop3A_327 : vector<1x16xf32> to vector<16xf32>
      %parallel_loop3A_329 = arith.constant 0 : i32
      %parallel_loop3A_330 = arith.constant 0 : i32
      %parallel_loop3A_331 = tpu.memref_slice %arg9[%parallel_loop3A_133, %parallel_loop3A_329, %parallel_loop3A_330] : memref<2x32x512xf32, #tpu.memory_space<vmem>> -> memref<1x32x512xf32, #tpu.memory_space<vmem>>
      %parallel_loop3A_332 = tpu.memref_squeeze %parallel_loop3A_331 : memref<1x32x512xf32, #tpu.memory_space<vmem>> -> memref<32x512xf32, #tpu.memory_space<vmem>>
      %parallel_loop3A_333 = arith.index_cast %parallel_loop3A_143 : i32 to index
      %parallel_loop3A_334 = arith.constant 128 : index
      %parallel_loop3A_335 = tpu.vector_load %parallel_loop3A_332[%parallel_loop3A_333, %parallel_loop3A_334] {strides = array<i32>} : memref<32x512xf32, #tpu.memory_space<vmem>>, vector<1x16xf32>,
      %parallel_loop3A_336 = vector.shape_cast %parallel_loop3A_335 : vector<1x16xf32> to vector<16xf32>
      %parallel_loop3A_337 = arith.mulf %parallel_loop3A_160, %parallel_loop3A_336 : vector<16xf32>
      %parallel_loop3A_338 = arith.subf %parallel_loop3A_328, %parallel_loop3A_337 : vector<16xf32>
      %parallel_loop3A_339 = arith.constant 0 : i32
      %parallel_loop3A_340 = arith.constant 0 : i32
      %parallel_loop3A_341 = tpu.memref_slice %arg8[%parallel_loop3A_132, %parallel_loop3A_339, %parallel_loop3A_340] : memref<2x32x512xf32, #tpu.memory_space<vmem>> -> memref<1x32x512xf32, #tpu.memory_space<vmem>>
      %parallel_loop3A_342 = tpu.memref_squeeze %parallel_loop3A_341 : memref<1x32x512xf32, #tpu.memory_space<vmem>> -> memref<32x512xf32, #tpu.memory_space<vmem>>
      %parallel_loop3A_343 = arith.index_cast %parallel_loop3A_143 : i32 to index
      %parallel_loop3A_344 = arith.constant 144 : index
      %parallel_loop3A_345 = tpu.vector_load %parallel_loop3A_342[%parallel_loop3A_343, %parallel_loop3A_344] {strides = array<i32>} : memref<32x512xf32, #tpu.memory_space<vmem>>, vector<1x16xf32>,
      %parallel_loop3A_346 = vector.shape_cast %parallel_loop3A_345 : vector<1x16xf32> to vector<16xf32>
      %parallel_loop3A_347 = arith.constant 0 : i32
      %parallel_loop3A_348 = arith.constant 0 : i32
      %parallel_loop3A_349 = tpu.memref_slice %arg9[%parallel_loop3A_133, %parallel_loop3A_347, %parallel_loop3A_348] : memref<2x32x512xf32, #tpu.memory_space<vmem>> -> memref<1x32x512xf32, #tpu.memory_space<vmem>>
      %parallel_loop3A_350 = tpu.memref_squeeze %parallel_loop3A_349 : memref<1x32x512xf32, #tpu.memory_space<vmem>> -> memref<32x512xf32, #tpu.memory_space<vmem>>
      %parallel_loop3A_351 = arith.index_cast %parallel_loop3A_143 : i32 to index
      %parallel_loop3A_352 = arith.constant 144 : index
      %parallel_loop3A_353 = tpu.vector_load %parallel_loop3A_350[%parallel_loop3A_351, %parallel_loop3A_352] {strides = array<i32>} : memref<32x512xf32, #tpu.memory_space<vmem>>, vector<1x16xf32>,
      %parallel_loop3A_354 = vector.shape_cast %parallel_loop3A_353 : vector<1x16xf32> to vector<16xf32>
      %parallel_loop3A_355 = arith.mulf %parallel_loop3A_160, %parallel_loop3A_354 : vector<16xf32>
      %parallel_loop3A_356 = arith.subf %parallel_loop3A_346, %parallel_loop3A_355 : vector<16xf32>
      %parallel_loop3A_357 = arith.constant 0 : i32
      %parallel_loop3A_358 = arith.constant 0 : i32
      %parallel_loop3A_359 = tpu.memref_slice %arg8[%parallel_loop3A_132, %parallel_loop3A_357, %parallel_loop3A_358] : memref<2x32x512xf32, #tpu.memory_space<vmem>> -> memref<1x32x512xf32, #tpu.memory_space<vmem>>
      %parallel_loop3A_360 = tpu.memref_squeeze %parallel_loop3A_359 : memref<1x32x512xf32, #tpu.memory_space<vmem>> -> memref<32x512xf32, #tpu.memory_space<vmem>>
      %parallel_loop3A_361 = arith.index_cast %parallel_loop3A_143 : i32 to index
      %parallel_loop3A_362 = arith.constant 160 : index
      %parallel_loop3A_363 = tpu.vector_load %parallel_loop3A_360[%parallel_loop3A_361, %parallel_loop3A_362] {strides = array<i32>} : memref<32x512xf32, #tpu.memory_space<vmem>>, vector<1x16xf32>,
      %parallel_loop3A_364 = vector.shape_cast %parallel_loop3A_363 : vector<1x16xf32> to vector<16xf32>
      %parallel_loop3A_365 = arith.constant 0 : i32
      %parallel_loop3A_366 = arith.constant 0 : i32
      %parallel_loop3A_367 = tpu.memref_slice %arg9[%parallel_loop3A_133, %parallel_loop3A_365, %parallel_loop3A_366] : memref<2x32x512xf32, #tpu.memory_space<vmem>> -> memref<1x32x512xf32, #tpu.memory_space<vmem>>
      %parallel_loop3A_368 = tpu.memref_squeeze %parallel_loop3A_367 : memref<1x32x512xf32, #tpu.memory_space<vmem>> -> memref<32x512xf32, #tpu.memory_space<vmem>>
      %parallel_loop3A_369 = arith.index_cast %parallel_loop3A_143 : i32 to index
      %parallel_loop3A_370 = arith.constant 160 : index
      %parallel_loop3A_371 = tpu.vector_load %parallel_loop3A_368[%parallel_loop3A_369, %parallel_loop3A_370] {strides = array<i32>} : memref<32x512xf32, #tpu.memory_space<vmem>>, vector<1x16xf32>,
      %parallel_loop3A_372 = vector.shape_cast %parallel_loop3A_371 : vector<1x16xf32> to vector<16xf32>
      %parallel_loop3A_373 = arith.mulf %parallel_loop3A_160, %parallel_loop3A_372 : vector<16xf32>
      %parallel_loop3A_374 = arith.subf %parallel_loop3A_364, %parallel_loop3A_373 : vector<16xf32>
      %parallel_loop3A_375 = arith.constant 0 : i32
      %parallel_loop3A_376 = arith.constant 0 : i32
      %parallel_loop3A_377 = tpu.memref_slice %arg8[%parallel_loop3A_132, %parallel_loop3A_375, %parallel_loop3A_376] : memref<2x32x512xf32, #tpu.memory_space<vmem>> -> memref<1x32x512xf32, #tpu.memory_space<vmem>>
      %parallel_loop3A_378 = tpu.memref_squeeze %parallel_loop3A_377 : memref<1x32x512xf32, #tpu.memory_space<vmem>> -> memref<32x512xf32, #tpu.memory_space<vmem>>
      %parallel_loop3A_379 = arith.index_cast %parallel_loop3A_143 : i32 to index
      %parallel_loop3A_380 = arith.constant 176 : index
      %parallel_loop3A_381 = tpu.vector_load %parallel_loop3A_378[%parallel_loop3A_379, %parallel_loop3A_380] {strides = array<i32>} : memref<32x512xf32, #tpu.memory_space<vmem>>, vector<1x16xf32>,
      %parallel_loop3A_382 = vector.shape_cast %parallel_loop3A_381 : vector<1x16xf32> to vector<16xf32>
      %parallel_loop3A_383 = arith.constant 0 : i32
      %parallel_loop3A_384 = arith.constant 0 : i32
      %parallel_loop3A_385 = tpu.memref_slice %arg9[%parallel_loop3A_133, %parallel_loop3A_383, %parallel_loop3A_384] : memref<2x32x512xf32, #tpu.memory_space<vmem>> -> memref<1x32x512xf32, #tpu.memory_space<vmem>>
      %parallel_loop3A_386 = tpu.memref_squeeze %parallel_loop3A_385 : memref<1x32x512xf32, #tpu.memory_space<vmem>> -> memref<32x512xf32, #tpu.memory_space<vmem>>
      %parallel_loop3A_387 = arith.index_cast %parallel_loop3A_143 : i32 to index
      %parallel_loop3A_388 = arith.constant 176 : index
      %parallel_loop3A_389 = tpu.vector_load %parallel_loop3A_386[%parallel_loop3A_387, %parallel_loop3A_388] {strides = array<i32>} : memref<32x512xf32, #tpu.memory_space<vmem>>, vector<1x16xf32>,
      %parallel_loop3A_390 = vector.shape_cast %parallel_loop3A_389 : vector<1x16xf32> to vector<16xf32>
      %parallel_loop3A_391 = arith.mulf %parallel_loop3A_160, %parallel_loop3A_390 : vector<16xf32>
      %parallel_loop3A_392 = arith.subf %parallel_loop3A_382, %parallel_loop3A_391 : vector<16xf32>
      %parallel_loop3A_393 = arith.mulf %parallel_loop3A_338, %parallel_loop3A_338 : vector<16xf32>
      %parallel_loop3A_394 = arith.addf %parallel_loop3A_314, %parallel_loop3A_393 : vector<16xf32>
      %parallel_loop3A_395 = arith.mulf %parallel_loop3A_356, %parallel_loop3A_356 : vector<16xf32>
      %parallel_loop3A_396 = arith.addf %parallel_loop3A_316, %parallel_loop3A_395 : vector<16xf32>
      %parallel_loop3A_397 = arith.mulf %parallel_loop3A_374, %parallel_loop3A_374 : vector<16xf32>
      %parallel_loop3A_398 = arith.addf %parallel_loop3A_318, %parallel_loop3A_397 : vector<16xf32>
      %parallel_loop3A_399 = arith.mulf %parallel_loop3A_392, %parallel_loop3A_392 : vector<16xf32>
      %parallel_loop3A_400 = arith.addf %parallel_loop3A_320, %parallel_loop3A_399 : vector<16xf32>
      %parallel_loop3A_401 = arith.constant 0 : i32
      %parallel_loop3A_402 = arith.constant 0 : i32
      %parallel_loop3A_403 = tpu.memref_slice %arg8[%parallel_loop3A_132, %parallel_loop3A_401, %parallel_loop3A_402] : memref<2x32x512xf32, #tpu.memory_space<vmem>> -> memref<1x32x512xf32, #tpu.memory_space<vmem>>
      %parallel_loop3A_404 = tpu.memref_squeeze %parallel_loop3A_403 : memref<1x32x512xf32, #tpu.memory_space<vmem>> -> memref<32x512xf32, #tpu.memory_space<vmem>>
      %parallel_loop3A_405 = arith.index_cast %parallel_loop3A_143 : i32 to index
      %parallel_loop3A_406 = arith.constant 192 : index
      %parallel_loop3A_407 = tpu.vector_load %parallel_loop3A_404[%parallel_loop3A_405, %parallel_loop3A_406] {strides = array<i32>} : memref<32x512xf32, #tpu.memory_space<vmem>>, vector<1x16xf32>,
      %parallel_loop3A_408 = vector.shape_cast %parallel_loop3A_407 : vector<1x16xf32> to vector<16xf32>
      %parallel_loop3A_409 = arith.constant 0 : i32
      %parallel_loop3A_410 = arith.constant 0 : i32
      %parallel_loop3A_411 = tpu.memref_slice %arg9[%parallel_loop3A_133, %parallel_loop3A_409, %parallel_loop3A_410] : memref<2x32x512xf32, #tpu.memory_space<vmem>> -> memref<1x32x512xf32, #tpu.memory_space<vmem>>
      %parallel_loop3A_412 = tpu.memref_squeeze %parallel_loop3A_411 : memref<1x32x512xf32, #tpu.memory_space<vmem>> -> memref<32x512xf32, #tpu.memory_space<vmem>>
      %parallel_loop3A_413 = arith.index_cast %parallel_loop3A_143 : i32 to index
      %parallel_loop3A_414 = arith.constant 192 : index
      %parallel_loop3A_415 = tpu.vector_load %parallel_loop3A_412[%parallel_loop3A_413, %parallel_loop3A_414] {strides = array<i32>} : memref<32x512xf32, #tpu.memory_space<vmem>>, vector<1x16xf32>,
      %parallel_loop3A_416 = vector.shape_cast %parallel_loop3A_415 : vector<1x16xf32> to vector<16xf32>
      %parallel_loop3A_417 = arith.mulf %parallel_loop3A_160, %parallel_loop3A_416 : vector<16xf32>
      %parallel_loop3A_418 = arith.subf %parallel_loop3A_408, %parallel_loop3A_417 : vector<16xf32>
      %parallel_loop3A_419 = arith.constant 0 : i32
      %parallel_loop3A_420 = arith.constant 0 : i32
      %parallel_loop3A_421 = tpu.memref_slice %arg8[%parallel_loop3A_132, %parallel_loop3A_419, %parallel_loop3A_420] : memref<2x32x512xf32, #tpu.memory_space<vmem>> -> memref<1x32x512xf32, #tpu.memory_space<vmem>>
      %parallel_loop3A_422 = tpu.memref_squeeze %parallel_loop3A_421 : memref<1x32x512xf32, #tpu.memory_space<vmem>> -> memref<32x512xf32, #tpu.memory_space<vmem>>
      %parallel_loop3A_423 = arith.index_cast %parallel_loop3A_143 : i32 to index
      %parallel_loop3A_424 = arith.constant 208 : index
      %parallel_loop3A_425 = tpu.vector_load %parallel_loop3A_422[%parallel_loop3A_423, %parallel_loop3A_424] {strides = array<i32>} : memref<32x512xf32, #tpu.memory_space<vmem>>, vector<1x16xf32>,
      %parallel_loop3A_426 = vector.shape_cast %parallel_loop3A_425 : vector<1x16xf32> to vector<16xf32>
      %parallel_loop3A_427 = arith.constant 0 : i32
      %parallel_loop3A_428 = arith.constant 0 : i32
      %parallel_loop3A_429 = tpu.memref_slice %arg9[%parallel_loop3A_133, %parallel_loop3A_427, %parallel_loop3A_428] : memref<2x32x512xf32, #tpu.memory_space<vmem>> -> memref<1x32x512xf32, #tpu.memory_space<vmem>>
      %parallel_loop3A_430 = tpu.memref_squeeze %parallel_loop3A_429 : memref<1x32x512xf32, #tpu.memory_space<vmem>> -> memref<32x512xf32, #tpu.memory_space<vmem>>
      %parallel_loop3A_431 = arith.index_cast %parallel_loop3A_143 : i32 to index
      %parallel_loop3A_432 = arith.constant 208 : index
      %parallel_loop3A_433 = tpu.vector_load %parallel_loop3A_430[%parallel_loop3A_431, %parallel_loop3A_432] {strides = array<i32>} : memref<32x512xf32, #tpu.memory_space<vmem>>, vector<1x16xf32>,
      %parallel_loop3A_434 = vector.shape_cast %parallel_loop3A_433 : vector<1x16xf32> to vector<16xf32>
      %parallel_loop3A_435 = arith.mulf %parallel_loop3A_160, %parallel_loop3A_434 : vector<16xf32>
      %parallel_loop3A_436 = arith.subf %parallel_loop3A_426, %parallel_loop3A_435 : vector<16xf32>
      %parallel_loop3A_437 = arith.constant 0 : i32
      %parallel_loop3A_438 = arith.constant 0 : i32
      %parallel_loop3A_439 = tpu.memref_slice %arg8[%parallel_loop3A_132, %parallel_loop3A_437, %parallel_loop3A_438] : memref<2x32x512xf32, #tpu.memory_space<vmem>> -> memref<1x32x512xf32, #tpu.memory_space<vmem>>
      %parallel_loop3A_440 = tpu.memref_squeeze %parallel_loop3A_439 : memref<1x32x512xf32, #tpu.memory_space<vmem>> -> memref<32x512xf32, #tpu.memory_space<vmem>>
      %parallel_loop3A_441 = arith.index_cast %parallel_loop3A_143 : i32 to index
      %parallel_loop3A_442 = arith.constant 224 : index
      %parallel_loop3A_443 = tpu.vector_load %parallel_loop3A_440[%parallel_loop3A_441, %parallel_loop3A_442] {strides = array<i32>} : memref<32x512xf32, #tpu.memory_space<vmem>>, vector<1x16xf32>,
      %parallel_loop3A_444 = vector.shape_cast %parallel_loop3A_443 : vector<1x16xf32> to vector<16xf32>
      %parallel_loop3A_445 = arith.constant 0 : i32
      %parallel_loop3A_446 = arith.constant 0 : i32
      %parallel_loop3A_447 = tpu.memref_slice %arg9[%parallel_loop3A_133, %parallel_loop3A_445, %parallel_loop3A_446] : memref<2x32x512xf32, #tpu.memory_space<vmem>> -> memref<1x32x512xf32, #tpu.memory_space<vmem>>
      %parallel_loop3A_448 = tpu.memref_squeeze %parallel_loop3A_447 : memref<1x32x512xf32, #tpu.memory_space<vmem>> -> memref<32x512xf32, #tpu.memory_space<vmem>>
      %parallel_loop3A_449 = arith.index_cast %parallel_loop3A_143 : i32 to index
      %parallel_loop3A_450 = arith.constant 224 : index
      %parallel_loop3A_451 = tpu.vector_load %parallel_loop3A_448[%parallel_loop3A_449, %parallel_loop3A_450] {strides = array<i32>} : memref<32x512xf32, #tpu.memory_space<vmem>>, vector<1x16xf32>,
      %parallel_loop3A_452 = vector.shape_cast %parallel_loop3A_451 : vector<1x16xf32> to vector<16xf32>
      %parallel_loop3A_453 = arith.mulf %parallel_loop3A_160, %parallel_loop3A_452 : vector<16xf32>
      %parallel_loop3A_454 = arith.subf %parallel_loop3A_444, %parallel_loop3A_453 : vector<16xf32>
      %parallel_loop3A_455 = arith.constant 0 : i32
      %parallel_loop3A_456 = arith.constant 0 : i32
      %parallel_loop3A_457 = tpu.memref_slice %arg8[%parallel_loop3A_132, %parallel_loop3A_455, %parallel_loop3A_456] : memref<2x32x512xf32, #tpu.memory_space<vmem>> -> memref<1x32x512xf32, #tpu.memory_space<vmem>>
      %parallel_loop3A_458 = tpu.memref_squeeze %parallel_loop3A_457 : memref<1x32x512xf32, #tpu.memory_space<vmem>> -> memref<32x512xf32, #tpu.memory_space<vmem>>
      %parallel_loop3A_459 = arith.index_cast %parallel_loop3A_143 : i32 to index
      %parallel_loop3A_460 = arith.constant 240 : index
      %parallel_loop3A_461 = tpu.vector_load %parallel_loop3A_458[%parallel_loop3A_459, %parallel_loop3A_460] {strides = array<i32>} : memref<32x512xf32, #tpu.memory_space<vmem>>, vector<1x16xf32>,
      %parallel_loop3A_462 = vector.shape_cast %parallel_loop3A_461 : vector<1x16xf32> to vector<16xf32>
      %parallel_loop3A_463 = arith.constant 0 : i32
      %parallel_loop3A_464 = arith.constant 0 : i32
      %parallel_loop3A_465 = tpu.memref_slice %arg9[%parallel_loop3A_133, %parallel_loop3A_463, %parallel_loop3A_464] : memref<2x32x512xf32, #tpu.memory_space<vmem>> -> memref<1x32x512xf32, #tpu.memory_space<vmem>>
      %parallel_loop3A_466 = tpu.memref_squeeze %parallel_loop3A_465 : memref<1x32x512xf32, #tpu.memory_space<vmem>> -> memref<32x512xf32, #tpu.memory_space<vmem>>
      %parallel_loop3A_467 = arith.index_cast %parallel_loop3A_143 : i32 to index
      %parallel_loop3A_468 = arith.constant 240 : index
      %parallel_loop3A_469 = tpu.vector_load %parallel_loop3A_466[%parallel_loop3A_467, %parallel_loop3A_468] {strides = array<i32>} : memref<32x512xf32, #tpu.memory_space<vmem>>, vector<1x16xf32>,
      %parallel_loop3A_470 = vector.shape_cast %parallel_loop3A_469 : vector<1x16xf32> to vector<16xf32>
      %parallel_loop3A_471 = arith.mulf %parallel_loop3A_160, %parallel_loop3A_470 : vector<16xf32>
      %parallel_loop3A_472 = arith.subf %parallel_loop3A_462, %parallel_loop3A_471 : vector<16xf32>
      %parallel_loop3A_473 = arith.mulf %parallel_loop3A_418, %parallel_loop3A_418 : vector<16xf32>
      %parallel_loop3A_474 = arith.addf %parallel_loop3A_394, %parallel_loop3A_473 : vector<16xf32>
      %parallel_loop3A_475 = arith.mulf %parallel_loop3A_436, %parallel_loop3A_436 : vector<16xf32>
      %parallel_loop3A_476 = arith.addf %parallel_loop3A_396, %parallel_loop3A_475 : vector<16xf32>
      %parallel_loop3A_477 = arith.mulf %parallel_loop3A_454, %parallel_loop3A_454 : vector<16xf32>
      %parallel_loop3A_478 = arith.addf %parallel_loop3A_398, %parallel_loop3A_477 : vector<16xf32>
      %parallel_loop3A_479 = arith.mulf %parallel_loop3A_472, %parallel_loop3A_472 : vector<16xf32>
      %parallel_loop3A_480 = arith.addf %parallel_loop3A_400, %parallel_loop3A_479 : vector<16xf32>
      %parallel_loop3A_481 = arith.constant 0 : i32
      %parallel_loop3A_482 = arith.constant 0 : i32
      %parallel_loop3A_483 = tpu.memref_slice %arg8[%parallel_loop3A_132, %parallel_loop3A_481, %parallel_loop3A_482] : memref<2x32x512xf32, #tpu.memory_space<vmem>> -> memref<1x32x512xf32, #tpu.memory_space<vmem>>
      %parallel_loop3A_484 = tpu.memref_squeeze %parallel_loop3A_483 : memref<1x32x512xf32, #tpu.memory_space<vmem>> -> memref<32x512xf32, #tpu.memory_space<vmem>>
      %parallel_loop3A_485 = arith.index_cast %parallel_loop3A_143 : i32 to index
      %parallel_loop3A_486 = arith.constant 256 : index
      %parallel_loop3A_487 = tpu.vector_load %parallel_loop3A_484[%parallel_loop3A_485, %parallel_loop3A_486] {strides = array<i32>} : memref<32x512xf32, #tpu.memory_space<vmem>>, vector<1x16xf32>,
      %parallel_loop3A_488 = vector.shape_cast %parallel_loop3A_487 : vector<1x16xf32> to vector<16xf32>
      %parallel_loop3A_489 = arith.constant 0 : i32
      %parallel_loop3A_490 = arith.constant 0 : i32
      %parallel_loop3A_491 = tpu.memref_slice %arg9[%parallel_loop3A_133, %parallel_loop3A_489, %parallel_loop3A_490] : memref<2x32x512xf32, #tpu.memory_space<vmem>> -> memref<1x32x512xf32, #tpu.memory_space<vmem>>
      %parallel_loop3A_492 = tpu.memref_squeeze %parallel_loop3A_491 : memref<1x32x512xf32, #tpu.memory_space<vmem>> -> memref<32x512xf32, #tpu.memory_space<vmem>>
      %parallel_loop3A_493 = arith.index_cast %parallel_loop3A_143 : i32 to index
      %parallel_loop3A_494 = arith.constant 256 : index
      %parallel_loop3A_495 = tpu.vector_load %parallel_loop3A_492[%parallel_loop3A_493, %parallel_loop3A_494] {strides = array<i32>} : memref<32x512xf32, #tpu.memory_space<vmem>>, vector<1x16xf32>,
      %parallel_loop3A_496 = vector.shape_cast %parallel_loop3A_495 : vector<1x16xf32> to vector<16xf32>
      %parallel_loop3A_497 = arith.mulf %parallel_loop3A_160, %parallel_loop3A_496 : vector<16xf32>
      %parallel_loop3A_498 = arith.subf %parallel_loop3A_488, %parallel_loop3A_497 : vector<16xf32>
      %parallel_loop3A_499 = arith.constant 0 : i32
      %parallel_loop3A_500 = arith.constant 0 : i32
      %parallel_loop3A_501 = tpu.memref_slice %arg8[%parallel_loop3A_132, %parallel_loop3A_499, %parallel_loop3A_500] : memref<2x32x512xf32, #tpu.memory_space<vmem>> -> memref<1x32x512xf32, #tpu.memory_space<vmem>>
      %parallel_loop3A_502 = tpu.memref_squeeze %parallel_loop3A_501 : memref<1x32x512xf32, #tpu.memory_space<vmem>> -> memref<32x512xf32, #tpu.memory_space<vmem>>
      %parallel_loop3A_503 = arith.index_cast %parallel_loop3A_143 : i32 to index
      %parallel_loop3A_504 = arith.constant 272 : index
      %parallel_loop3A_505 = tpu.vector_load %parallel_loop3A_502[%parallel_loop3A_503, %parallel_loop3A_504] {strides = array<i32>} : memref<32x512xf32, #tpu.memory_space<vmem>>, vector<1x16xf32>,
      %parallel_loop3A_506 = vector.shape_cast %parallel_loop3A_505 : vector<1x16xf32> to vector<16xf32>
      %parallel_loop3A_507 = arith.constant 0 : i32
      %parallel_loop3A_508 = arith.constant 0 : i32
      %parallel_loop3A_509 = tpu.memref_slice %arg9[%parallel_loop3A_133, %parallel_loop3A_507, %parallel_loop3A_508] : memref<2x32x512xf32, #tpu.memory_space<vmem>> -> memref<1x32x512xf32, #tpu.memory_space<vmem>>
      %parallel_loop3A_510 = tpu.memref_squeeze %parallel_loop3A_509 : memref<1x32x512xf32, #tpu.memory_space<vmem>> -> memref<32x512xf32, #tpu.memory_space<vmem>>
      %parallel_loop3A_511 = arith.index_cast %parallel_loop3A_143 : i32 to index
      %parallel_loop3A_512 = arith.constant 272 : index
      %parallel_loop3A_513 = tpu.vector_load %parallel_loop3A_510[%parallel_loop3A_511, %parallel_loop3A_512] {strides = array<i32>} : memref<32x512xf32, #tpu.memory_space<vmem>>, vector<1x16xf32>,
      %parallel_loop3A_514 = vector.shape_cast %parallel_loop3A_513 : vector<1x16xf32> to vector<16xf32>
      %parallel_loop3A_515 = arith.mulf %parallel_loop3A_160, %parallel_loop3A_514 : vector<16xf32>
      %parallel_loop3A_516 = arith.subf %parallel_loop3A_506, %parallel_loop3A_515 : vector<16xf32>
      %parallel_loop3A_517 = arith.constant 0 : i32
      %parallel_loop3A_518 = arith.constant 0 : i32
      %parallel_loop3A_519 = tpu.memref_slice %arg8[%parallel_loop3A_132, %parallel_loop3A_517, %parallel_loop3A_518] : memref<2x32x512xf32, #tpu.memory_space<vmem>> -> memref<1x32x512xf32, #tpu.memory_space<vmem>>
      %parallel_loop3A_520 = tpu.memref_squeeze %parallel_loop3A_519 : memref<1x32x512xf32, #tpu.memory_space<vmem>> -> memref<32x512xf32, #tpu.memory_space<vmem>>
      %parallel_loop3A_521 = arith.index_cast %parallel_loop3A_143 : i32 to index
      %parallel_loop3A_522 = arith.constant 288 : index
      %parallel_loop3A_523 = tpu.vector_load %parallel_loop3A_520[%parallel_loop3A_521, %parallel_loop3A_522] {strides = array<i32>} : memref<32x512xf32, #tpu.memory_space<vmem>>, vector<1x16xf32>,
      %parallel_loop3A_524 = vector.shape_cast %parallel_loop3A_523 : vector<1x16xf32> to vector<16xf32>
      %parallel_loop3A_525 = arith.constant 0 : i32
      %parallel_loop3A_526 = arith.constant 0 : i32
      %parallel_loop3A_527 = tpu.memref_slice %arg9[%parallel_loop3A_133, %parallel_loop3A_525, %parallel_loop3A_526] : memref<2x32x512xf32, #tpu.memory_space<vmem>> -> memref<1x32x512xf32, #tpu.memory_space<vmem>>
      %parallel_loop3A_528 = tpu.memref_squeeze %parallel_loop3A_527 : memref<1x32x512xf32, #tpu.memory_space<vmem>> -> memref<32x512xf32, #tpu.memory_space<vmem>>
      %parallel_loop3A_529 = arith.index_cast %parallel_loop3A_143 : i32 to index
      %parallel_loop3A_530 = arith.constant 288 : index
      %parallel_loop3A_531 = tpu.vector_load %parallel_loop3A_528[%parallel_loop3A_529, %parallel_loop3A_530] {strides = array<i32>} : memref<32x512xf32, #tpu.memory_space<vmem>>, vector<1x16xf32>,
      %parallel_loop3A_532 = vector.shape_cast %parallel_loop3A_531 : vector<1x16xf32> to vector<16xf32>
      %parallel_loop3A_533 = arith.mulf %parallel_loop3A_160, %parallel_loop3A_532 : vector<16xf32>
      %parallel_loop3A_534 = arith.subf %parallel_loop3A_524, %parallel_loop3A_533 : vector<16xf32>
      %parallel_loop3A_535 = arith.constant 0 : i32
      %parallel_loop3A_536 = arith.constant 0 : i32
      %parallel_loop3A_537 = tpu.memref_slice %arg8[%parallel_loop3A_132, %parallel_loop3A_535, %parallel_loop3A_536] : memref<2x32x512xf32, #tpu.memory_space<vmem>> -> memref<1x32x512xf32, #tpu.memory_space<vmem>>
      %parallel_loop3A_538 = tpu.memref_squeeze %parallel_loop3A_537 : memref<1x32x512xf32, #tpu.memory_space<vmem>> -> memref<32x512xf32, #tpu.memory_space<vmem>>
      %parallel_loop3A_539 = arith.index_cast %parallel_loop3A_143 : i32 to index
      %parallel_loop3A_540 = arith.constant 304 : index
      %parallel_loop3A_541 = tpu.vector_load %parallel_loop3A_538[%parallel_loop3A_539, %parallel_loop3A_540] {strides = array<i32>} : memref<32x512xf32, #tpu.memory_space<vmem>>, vector<1x16xf32>,
      %parallel_loop3A_542 = vector.shape_cast %parallel_loop3A_541 : vector<1x16xf32> to vector<16xf32>
      %parallel_loop3A_543 = arith.constant 0 : i32
      %parallel_loop3A_544 = arith.constant 0 : i32
      %parallel_loop3A_545 = tpu.memref_slice %arg9[%parallel_loop3A_133, %parallel_loop3A_543, %parallel_loop3A_544] : memref<2x32x512xf32, #tpu.memory_space<vmem>> -> memref<1x32x512xf32, #tpu.memory_space<vmem>>
      %parallel_loop3A_546 = tpu.memref_squeeze %parallel_loop3A_545 : memref<1x32x512xf32, #tpu.memory_space<vmem>> -> memref<32x512xf32, #tpu.memory_space<vmem>>
      %parallel_loop3A_547 = arith.index_cast %parallel_loop3A_143 : i32 to index
      %parallel_loop3A_548 = arith.constant 304 : index
      %parallel_loop3A_549 = tpu.vector_load %parallel_loop3A_546[%parallel_loop3A_547, %parallel_loop3A_548] {strides = array<i32>} : memref<32x512xf32, #tpu.memory_space<vmem>>, vector<1x16xf32>,
      %parallel_loop3A_550 = vector.shape_cast %parallel_loop3A_549 : vector<1x16xf32> to vector<16xf32>
      %parallel_loop3A_551 = arith.mulf %parallel_loop3A_160, %parallel_loop3A_550 : vector<16xf32>
      %parallel_loop3A_552 = arith.subf %parallel_loop3A_542, %parallel_loop3A_551 : vector<16xf32>
      %parallel_loop3A_553 = arith.mulf %parallel_loop3A_498, %parallel_loop3A_498 : vector<16xf32>
      %parallel_loop3A_554 = arith.addf %parallel_loop3A_474, %parallel_loop3A_553 : vector<16xf32>
      %parallel_loop3A_555 = arith.mulf %parallel_loop3A_516, %parallel_loop3A_516 : vector<16xf32>
      %parallel_loop3A_556 = arith.addf %parallel_loop3A_476, %parallel_loop3A_555 : vector<16xf32>
      %parallel_loop3A_557 = arith.mulf %parallel_loop3A_534, %parallel_loop3A_534 : vector<16xf32>
      %parallel_loop3A_558 = arith.addf %parallel_loop3A_478, %parallel_loop3A_557 : vector<16xf32>
      %parallel_loop3A_559 = arith.mulf %parallel_loop3A_552, %parallel_loop3A_552 : vector<16xf32>
      %parallel_loop3A_560 = arith.addf %parallel_loop3A_480, %parallel_loop3A_559 : vector<16xf32>
      %parallel_loop3A_561 = arith.constant 0 : i32
      %parallel_loop3A_562 = arith.constant 0 : i32
      %parallel_loop3A_563 = tpu.memref_slice %arg8[%parallel_loop3A_132, %parallel_loop3A_561, %parallel_loop3A_562] : memref<2x32x512xf32, #tpu.memory_space<vmem>> -> memref<1x32x512xf32, #tpu.memory_space<vmem>>
      %parallel_loop3A_564 = tpu.memref_squeeze %parallel_loop3A_563 : memref<1x32x512xf32, #tpu.memory_space<vmem>> -> memref<32x512xf32, #tpu.memory_space<vmem>>
      %parallel_loop3A_565 = arith.index_cast %parallel_loop3A_143 : i32 to index
      %parallel_loop3A_566 = arith.constant 320 : index
      %parallel_loop3A_567 = tpu.vector_load %parallel_loop3A_564[%parallel_loop3A_565, %parallel_loop3A_566] {strides = array<i32>} : memref<32x512xf32, #tpu.memory_space<vmem>>, vector<1x16xf32>,
      %parallel_loop3A_568 = vector.shape_cast %parallel_loop3A_567 : vector<1x16xf32> to vector<16xf32>
      %parallel_loop3A_569 = arith.constant 0 : i32
      %parallel_loop3A_570 = arith.constant 0 : i32
      %parallel_loop3A_571 = tpu.memref_slice %arg9[%parallel_loop3A_133, %parallel_loop3A_569, %parallel_loop3A_570] : memref<2x32x512xf32, #tpu.memory_space<vmem>> -> memref<1x32x512xf32, #tpu.memory_space<vmem>>
      %parallel_loop3A_572 = tpu.memref_squeeze %parallel_loop3A_571 : memref<1x32x512xf32, #tpu.memory_space<vmem>> -> memref<32x512xf32, #tpu.memory_space<vmem>>
      %parallel_loop3A_573 = arith.index_cast %parallel_loop3A_143 : i32 to index
      %parallel_loop3A_574 = arith.constant 320 : index
      %parallel_loop3A_575 = tpu.vector_load %parallel_loop3A_572[%parallel_loop3A_573, %parallel_loop3A_574] {strides = array<i32>} : memref<32x512xf32, #tpu.memory_space<vmem>>, vector<1x16xf32>,
      %parallel_loop3A_576 = vector.shape_cast %parallel_loop3A_575 : vector<1x16xf32> to vector<16xf32>
      %parallel_loop3A_577 = arith.mulf %parallel_loop3A_160, %parallel_loop3A_576 : vector<16xf32>
      %parallel_loop3A_578 = arith.subf %parallel_loop3A_568, %parallel_loop3A_577 : vector<16xf32>
      %parallel_loop3A_579 = arith.constant 0 : i32
      %parallel_loop3A_580 = arith.constant 0 : i32
      %parallel_loop3A_581 = tpu.memref_slice %arg8[%parallel_loop3A_132, %parallel_loop3A_579, %parallel_loop3A_580] : memref<2x32x512xf32, #tpu.memory_space<vmem>> -> memref<1x32x512xf32, #tpu.memory_space<vmem>>
      %parallel_loop3A_582 = tpu.memref_squeeze %parallel_loop3A_581 : memref<1x32x512xf32, #tpu.memory_space<vmem>> -> memref<32x512xf32, #tpu.memory_space<vmem>>
      %parallel_loop3A_583 = arith.index_cast %parallel_loop3A_143 : i32 to index
      %parallel_loop3A_584 = arith.constant 336 : index
      %parallel_loop3A_585 = tpu.vector_load %parallel_loop3A_582[%parallel_loop3A_583, %parallel_loop3A_584] {strides = array<i32>} : memref<32x512xf32, #tpu.memory_space<vmem>>, vector<1x16xf32>,
      %parallel_loop3A_586 = vector.shape_cast %parallel_loop3A_585 : vector<1x16xf32> to vector<16xf32>
      %parallel_loop3A_587 = arith.constant 0 : i32
      %parallel_loop3A_588 = arith.constant 0 : i32
      %parallel_loop3A_589 = tpu.memref_slice %arg9[%parallel_loop3A_133, %parallel_loop3A_587, %parallel_loop3A_588] : memref<2x32x512xf32, #tpu.memory_space<vmem>> -> memref<1x32x512xf32, #tpu.memory_space<vmem>>
      %parallel_loop3A_590 = tpu.memref_squeeze %parallel_loop3A_589 : memref<1x32x512xf32, #tpu.memory_space<vmem>> -> memref<32x512xf32, #tpu.memory_space<vmem>>
      %parallel_loop3A_591 = arith.index_cast %parallel_loop3A_143 : i32 to index
      %parallel_loop3A_592 = arith.constant 336 : index
      %parallel_loop3A_593 = tpu.vector_load %parallel_loop3A_590[%parallel_loop3A_591, %parallel_loop3A_592] {strides = array<i32>} : memref<32x512xf32, #tpu.memory_space<vmem>>, vector<1x16xf32>,
      %parallel_loop3A_594 = vector.shape_cast %parallel_loop3A_593 : vector<1x16xf32> to vector<16xf32>
      %parallel_loop3A_595 = arith.mulf %parallel_loop3A_160, %parallel_loop3A_594 : vector<16xf32>
      %parallel_loop3A_596 = arith.subf %parallel_loop3A_586, %parallel_loop3A_595 : vector<16xf32>
      %parallel_loop3A_597 = arith.constant 0 : i32
      %parallel_loop3A_598 = arith.constant 0 : i32
      %parallel_loop3A_599 = tpu.memref_slice %arg8[%parallel_loop3A_132, %parallel_loop3A_597, %parallel_loop3A_598] : memref<2x32x512xf32, #tpu.memory_space<vmem>> -> memref<1x32x512xf32, #tpu.memory_space<vmem>>
      %parallel_loop3A_600 = tpu.memref_squeeze %parallel_loop3A_599 : memref<1x32x512xf32, #tpu.memory_space<vmem>> -> memref<32x512xf32, #tpu.memory_space<vmem>>
      %parallel_loop3A_601 = arith.index_cast %parallel_loop3A_143 : i32 to index
      %parallel_loop3A_602 = arith.constant 352 : index
      %parallel_loop3A_603 = tpu.vector_load %parallel_loop3A_600[%parallel_loop3A_601, %parallel_loop3A_602] {strides = array<i32>} : memref<32x512xf32, #tpu.memory_space<vmem>>, vector<1x16xf32>,
      %parallel_loop3A_604 = vector.shape_cast %parallel_loop3A_603 : vector<1x16xf32> to vector<16xf32>
      %parallel_loop3A_605 = arith.constant 0 : i32
      %parallel_loop3A_606 = arith.constant 0 : i32
      %parallel_loop3A_607 = tpu.memref_slice %arg9[%parallel_loop3A_133, %parallel_loop3A_605, %parallel_loop3A_606] : memref<2x32x512xf32, #tpu.memory_space<vmem>> -> memref<1x32x512xf32, #tpu.memory_space<vmem>>
      %parallel_loop3A_608 = tpu.memref_squeeze %parallel_loop3A_607 : memref<1x32x512xf32, #tpu.memory_space<vmem>> -> memref<32x512xf32, #tpu.memory_space<vmem>>
      %parallel_loop3A_609 = arith.index_cast %parallel_loop3A_143 : i32 to index
      %parallel_loop3A_610 = arith.constant 352 : index
      %parallel_loop3A_611 = tpu.vector_load %parallel_loop3A_608[%parallel_loop3A_609, %parallel_loop3A_610] {strides = array<i32>} : memref<32x512xf32, #tpu.memory_space<vmem>>, vector<1x16xf32>,
      %parallel_loop3A_612 = vector.shape_cast %parallel_loop3A_611 : vector<1x16xf32> to vector<16xf32>
      %parallel_loop3A_613 = arith.mulf %parallel_loop3A_160, %parallel_loop3A_612 : vector<16xf32>
      %parallel_loop3A_614 = arith.subf %parallel_loop3A_604, %parallel_loop3A_613 : vector<16xf32>
      %parallel_loop3A_615 = arith.constant 0 : i32
      %parallel_loop3A_616 = arith.constant 0 : i32
      %parallel_loop3A_617 = tpu.memref_slice %arg8[%parallel_loop3A_132, %parallel_loop3A_615, %parallel_loop3A_616] : memref<2x32x512xf32, #tpu.memory_space<vmem>> -> memref<1x32x512xf32, #tpu.memory_space<vmem>>
      %parallel_loop3A_618 = tpu.memref_squeeze %parallel_loop3A_617 : memref<1x32x512xf32, #tpu.memory_space<vmem>> -> memref<32x512xf32, #tpu.memory_space<vmem>>
      %parallel_loop3A_619 = arith.index_cast %parallel_loop3A_143 : i32 to index
      %parallel_loop3A_620 = arith.constant 368 : index
      %parallel_loop3A_621 = tpu.vector_load %parallel_loop3A_618[%parallel_loop3A_619, %parallel_loop3A_620] {strides = array<i32>} : memref<32x512xf32, #tpu.memory_space<vmem>>, vector<1x16xf32>,
      %parallel_loop3A_622 = vector.shape_cast %parallel_loop3A_621 : vector<1x16xf32> to vector<16xf32>
      %parallel_loop3A_623 = arith.constant 0 : i32
      %parallel_loop3A_624 = arith.constant 0 : i32
      %parallel_loop3A_625 = tpu.memref_slice %arg9[%parallel_loop3A_133, %parallel_loop3A_623, %parallel_loop3A_624] : memref<2x32x512xf32, #tpu.memory_space<vmem>> -> memref<1x32x512xf32, #tpu.memory_space<vmem>>
      %parallel_loop3A_626 = tpu.memref_squeeze %parallel_loop3A_625 : memref<1x32x512xf32, #tpu.memory_space<vmem>> -> memref<32x512xf32, #tpu.memory_space<vmem>>
      %parallel_loop3A_627 = arith.index_cast %parallel_loop3A_143 : i32 to index
      %parallel_loop3A_628 = arith.constant 368 : index
      %parallel_loop3A_629 = tpu.vector_load %parallel_loop3A_626[%parallel_loop3A_627, %parallel_loop3A_628] {strides = array<i32>} : memref<32x512xf32, #tpu.memory_space<vmem>>, vector<1x16xf32>,
      %parallel_loop3A_630 = vector.shape_cast %parallel_loop3A_629 : vector<1x16xf32> to vector<16xf32>
      %parallel_loop3A_631 = arith.mulf %parallel_loop3A_160, %parallel_loop3A_630 : vector<16xf32>
      %parallel_loop3A_632 = arith.subf %parallel_loop3A_622, %parallel_loop3A_631 : vector<16xf32>
      %parallel_loop3A_633 = arith.mulf %parallel_loop3A_578, %parallel_loop3A_578 : vector<16xf32>
      %parallel_loop3A_634 = arith.addf %parallel_loop3A_554, %parallel_loop3A_633 : vector<16xf32>
      %parallel_loop3A_635 = arith.mulf %parallel_loop3A_596, %parallel_loop3A_596 : vector<16xf32>
      %parallel_loop3A_636 = arith.addf %parallel_loop3A_556, %parallel_loop3A_635 : vector<16xf32>
      %parallel_loop3A_637 = arith.mulf %parallel_loop3A_614, %parallel_loop3A_614 : vector<16xf32>
      %parallel_loop3A_638 = arith.addf %parallel_loop3A_558, %parallel_loop3A_637 : vector<16xf32>
      %parallel_loop3A_639 = arith.mulf %parallel_loop3A_632, %parallel_loop3A_632 : vector<16xf32>
      %parallel_loop3A_640 = arith.addf %parallel_loop3A_560, %parallel_loop3A_639 : vector<16xf32>
      %parallel_loop3A_641 = arith.constant 0 : i32
      %parallel_loop3A_642 = arith.constant 0 : i32
      %parallel_loop3A_643 = tpu.memref_slice %arg8[%parallel_loop3A_132, %parallel_loop3A_641, %parallel_loop3A_642] : memref<2x32x512xf32, #tpu.memory_space<vmem>> -> memref<1x32x512xf32, #tpu.memory_space<vmem>>
      %parallel_loop3A_644 = tpu.memref_squeeze %parallel_loop3A_643 : memref<1x32x512xf32, #tpu.memory_space<vmem>> -> memref<32x512xf32, #tpu.memory_space<vmem>>
      %parallel_loop3A_645 = arith.index_cast %parallel_loop3A_143 : i32 to index
      %parallel_loop3A_646 = arith.constant 384 : index
      %parallel_loop3A_647 = tpu.vector_load %parallel_loop3A_644[%parallel_loop3A_645, %parallel_loop3A_646] {strides = array<i32>} : memref<32x512xf32, #tpu.memory_space<vmem>>, vector<1x16xf32>,
      %parallel_loop3A_648 = vector.shape_cast %parallel_loop3A_647 : vector<1x16xf32> to vector<16xf32>
      %parallel_loop3A_649 = arith.constant 0 : i32
      %parallel_loop3A_650 = arith.constant 0 : i32
      %parallel_loop3A_651 = tpu.memref_slice %arg9[%parallel_loop3A_133, %parallel_loop3A_649, %parallel_loop3A_650] : memref<2x32x512xf32, #tpu.memory_space<vmem>> -> memref<1x32x512xf32, #tpu.memory_space<vmem>>
      %parallel_loop3A_652 = tpu.memref_squeeze %parallel_loop3A_651 : memref<1x32x512xf32, #tpu.memory_space<vmem>> -> memref<32x512xf32, #tpu.memory_space<vmem>>
      %parallel_loop3A_653 = arith.index_cast %parallel_loop3A_143 : i32 to index
      %parallel_loop3A_654 = arith.constant 384 : index
      %parallel_loop3A_655 = tpu.vector_load %parallel_loop3A_652[%parallel_loop3A_653, %parallel_loop3A_654] {strides = array<i32>} : memref<32x512xf32, #tpu.memory_space<vmem>>, vector<1x16xf32>,
      %parallel_loop3A_656 = vector.shape_cast %parallel_loop3A_655 : vector<1x16xf32> to vector<16xf32>
      %parallel_loop3A_657 = arith.mulf %parallel_loop3A_160, %parallel_loop3A_656 : vector<16xf32>
      %parallel_loop3A_658 = arith.subf %parallel_loop3A_648, %parallel_loop3A_657 : vector<16xf32>
      %parallel_loop3A_659 = arith.constant 0 : i32
      %parallel_loop3A_660 = arith.constant 0 : i32
      %parallel_loop3A_661 = tpu.memref_slice %arg8[%parallel_loop3A_132, %parallel_loop3A_659, %parallel_loop3A_660] : memref<2x32x512xf32, #tpu.memory_space<vmem>> -> memref<1x32x512xf32, #tpu.memory_space<vmem>>
      %parallel_loop3A_662 = tpu.memref_squeeze %parallel_loop3A_661 : memref<1x32x512xf32, #tpu.memory_space<vmem>> -> memref<32x512xf32, #tpu.memory_space<vmem>>
      %parallel_loop3A_663 = arith.index_cast %parallel_loop3A_143 : i32 to index
      %parallel_loop3A_664 = arith.constant 400 : index
      %parallel_loop3A_665 = tpu.vector_load %parallel_loop3A_662[%parallel_loop3A_663, %parallel_loop3A_664] {strides = array<i32>} : memref<32x512xf32, #tpu.memory_space<vmem>>, vector<1x16xf32>,
      %parallel_loop3A_666 = vector.shape_cast %parallel_loop3A_665 : vector<1x16xf32> to vector<16xf32>
      %parallel_loop3A_667 = arith.constant 0 : i32
      %parallel_loop3A_668 = arith.constant 0 : i32
      %parallel_loop3A_669 = tpu.memref_slice %arg9[%parallel_loop3A_133, %parallel_loop3A_667, %parallel_loop3A_668] : memref<2x32x512xf32, #tpu.memory_space<vmem>> -> memref<1x32x512xf32, #tpu.memory_space<vmem>>
      %parallel_loop3A_670 = tpu.memref_squeeze %parallel_loop3A_669 : memref<1x32x512xf32, #tpu.memory_space<vmem>> -> memref<32x512xf32, #tpu.memory_space<vmem>>
      %parallel_loop3A_671 = arith.index_cast %parallel_loop3A_143 : i32 to index
      %parallel_loop3A_672 = arith.constant 400 : index
      %parallel_loop3A_673 = tpu.vector_load %parallel_loop3A_670[%parallel_loop3A_671, %parallel_loop3A_672] {strides = array<i32>} : memref<32x512xf32, #tpu.memory_space<vmem>>, vector<1x16xf32>,
      %parallel_loop3A_674 = vector.shape_cast %parallel_loop3A_673 : vector<1x16xf32> to vector<16xf32>
      %parallel_loop3A_675 = arith.mulf %parallel_loop3A_160, %parallel_loop3A_674 : vector<16xf32>
      %parallel_loop3A_676 = arith.subf %parallel_loop3A_666, %parallel_loop3A_675 : vector<16xf32>
      %parallel_loop3A_677 = arith.constant 0 : i32
      %parallel_loop3A_678 = arith.constant 0 : i32
      %parallel_loop3A_679 = tpu.memref_slice %arg8[%parallel_loop3A_132, %parallel_loop3A_677, %parallel_loop3A_678] : memref<2x32x512xf32, #tpu.memory_space<vmem>> -> memref<1x32x512xf32, #tpu.memory_space<vmem>>
      %parallel_loop3A_680 = tpu.memref_squeeze %parallel_loop3A_679 : memref<1x32x512xf32, #tpu.memory_space<vmem>> -> memref<32x512xf32, #tpu.memory_space<vmem>>
      %parallel_loop3A_681 = arith.index_cast %parallel_loop3A_143 : i32 to index
      %parallel_loop3A_682 = arith.constant 416 : index
      %parallel_loop3A_683 = tpu.vector_load %parallel_loop3A_680[%parallel_loop3A_681, %parallel_loop3A_682] {strides = array<i32>} : memref<32x512xf32, #tpu.memory_space<vmem>>, vector<1x16xf32>,
      %parallel_loop3A_684 = vector.shape_cast %parallel_loop3A_683 : vector<1x16xf32> to vector<16xf32>
      %parallel_loop3A_685 = arith.constant 0 : i32
      %parallel_loop3A_686 = arith.constant 0 : i32
      %parallel_loop3A_687 = tpu.memref_slice %arg9[%parallel_loop3A_133, %parallel_loop3A_685, %parallel_loop3A_686] : memref<2x32x512xf32, #tpu.memory_space<vmem>> -> memref<1x32x512xf32, #tpu.memory_space<vmem>>
      %parallel_loop3A_688 = tpu.memref_squeeze %parallel_loop3A_687 : memref<1x32x512xf32, #tpu.memory_space<vmem>> -> memref<32x512xf32, #tpu.memory_space<vmem>>
      %parallel_loop3A_689 = arith.index_cast %parallel_loop3A_143 : i32 to index
      %parallel_loop3A_690 = arith.constant 416 : index
      %parallel_loop3A_691 = tpu.vector_load %parallel_loop3A_688[%parallel_loop3A_689, %parallel_loop3A_690] {strides = array<i32>} : memref<32x512xf32, #tpu.memory_space<vmem>>, vector<1x16xf32>,
      %parallel_loop3A_692 = vector.shape_cast %parallel_loop3A_691 : vector<1x16xf32> to vector<16xf32>
      %parallel_loop3A_693 = arith.mulf %parallel_loop3A_160, %parallel_loop3A_692 : vector<16xf32>
      %parallel_loop3A_694 = arith.subf %parallel_loop3A_684, %parallel_loop3A_693 : vector<16xf32>
      %parallel_loop3A_695 = arith.constant 0 : i32
      %parallel_loop3A_696 = arith.constant 0 : i32
      %parallel_loop3A_697 = tpu.memref_slice %arg8[%parallel_loop3A_132, %parallel_loop3A_695, %parallel_loop3A_696] : memref<2x32x512xf32, #tpu.memory_space<vmem>> -> memref<1x32x512xf32, #tpu.memory_space<vmem>>
      %parallel_loop3A_698 = tpu.memref_squeeze %parallel_loop3A_697 : memref<1x32x512xf32, #tpu.memory_space<vmem>> -> memref<32x512xf32, #tpu.memory_space<vmem>>
      %parallel_loop3A_699 = arith.index_cast %parallel_loop3A_143 : i32 to index
      %parallel_loop3A_700 = arith.constant 432 : index
      %parallel_loop3A_701 = tpu.vector_load %parallel_loop3A_698[%parallel_loop3A_699, %parallel_loop3A_700] {strides = array<i32>} : memref<32x512xf32, #tpu.memory_space<vmem>>, vector<1x16xf32>,
      %parallel_loop3A_702 = vector.shape_cast %parallel_loop3A_701 : vector<1x16xf32> to vector<16xf32>
      %parallel_loop3A_703 = arith.constant 0 : i32
      %parallel_loop3A_704 = arith.constant 0 : i32
      %parallel_loop3A_705 = tpu.memref_slice %arg9[%parallel_loop3A_133, %parallel_loop3A_703, %parallel_loop3A_704] : memref<2x32x512xf32, #tpu.memory_space<vmem>> -> memref<1x32x512xf32, #tpu.memory_space<vmem>>
      %parallel_loop3A_706 = tpu.memref_squeeze %parallel_loop3A_705 : memref<1x32x512xf32, #tpu.memory_space<vmem>> -> memref<32x512xf32, #tpu.memory_space<vmem>>
      %parallel_loop3A_707 = arith.index_cast %parallel_loop3A_143 : i32 to index
      %parallel_loop3A_708 = arith.constant 432 : index
      %parallel_loop3A_709 = tpu.vector_load %parallel_loop3A_706[%parallel_loop3A_707, %parallel_loop3A_708] {strides = array<i32>} : memref<32x512xf32, #tpu.memory_space<vmem>>, vector<1x16xf32>,
      %parallel_loop3A_710 = vector.shape_cast %parallel_loop3A_709 : vector<1x16xf32> to vector<16xf32>
      %parallel_loop3A_711 = arith.mulf %parallel_loop3A_160, %parallel_loop3A_710 : vector<16xf32>
      %parallel_loop3A_712 = arith.subf %parallel_loop3A_702, %parallel_loop3A_711 : vector<16xf32>
      %parallel_loop3A_713 = arith.mulf %parallel_loop3A_658, %parallel_loop3A_658 : vector<16xf32>
      %parallel_loop3A_714 = arith.addf %parallel_loop3A_634, %parallel_loop3A_713 : vector<16xf32>
      %parallel_loop3A_715 = arith.mulf %parallel_loop3A_676, %parallel_loop3A_676 : vector<16xf32>
      %parallel_loop3A_716 = arith.addf %parallel_loop3A_636, %parallel_loop3A_715 : vector<16xf32>
      %parallel_loop3A_717 = arith.mulf %parallel_loop3A_694, %parallel_loop3A_694 : vector<16xf32>
      %parallel_loop3A_718 = arith.addf %parallel_loop3A_638, %parallel_loop3A_717 : vector<16xf32>
      %parallel_loop3A_719 = arith.mulf %parallel_loop3A_712, %parallel_loop3A_712 : vector<16xf32>
      %parallel_loop3A_720 = arith.addf %parallel_loop3A_640, %parallel_loop3A_719 : vector<16xf32>
      %parallel_loop3A_721 = arith.constant 0 : i32
      %parallel_loop3A_722 = arith.constant 0 : i32
      %parallel_loop3A_723 = tpu.memref_slice %arg8[%parallel_loop3A_132, %parallel_loop3A_721, %parallel_loop3A_722] : memref<2x32x512xf32, #tpu.memory_space<vmem>> -> memref<1x32x512xf32, #tpu.memory_space<vmem>>
      %parallel_loop3A_724 = tpu.memref_squeeze %parallel_loop3A_723 : memref<1x32x512xf32, #tpu.memory_space<vmem>> -> memref<32x512xf32, #tpu.memory_space<vmem>>
      %parallel_loop3A_725 = arith.index_cast %parallel_loop3A_143 : i32 to index
      %parallel_loop3A_726 = arith.constant 448 : index
      %parallel_loop3A_727 = tpu.vector_load %parallel_loop3A_724[%parallel_loop3A_725, %parallel_loop3A_726] {strides = array<i32>} : memref<32x512xf32, #tpu.memory_space<vmem>>, vector<1x16xf32>,
      %parallel_loop3A_728 = vector.shape_cast %parallel_loop3A_727 : vector<1x16xf32> to vector<16xf32>
      %parallel_loop3A_729 = arith.constant 0 : i32
      %parallel_loop3A_730 = arith.constant 0 : i32
      %parallel_loop3A_731 = tpu.memref_slice %arg9[%parallel_loop3A_133, %parallel_loop3A_729, %parallel_loop3A_730] : memref<2x32x512xf32, #tpu.memory_space<vmem>> -> memref<1x32x512xf32, #tpu.memory_space<vmem>>
      %parallel_loop3A_732 = tpu.memref_squeeze %parallel_loop3A_731 : memref<1x32x512xf32, #tpu.memory_space<vmem>> -> memref<32x512xf32, #tpu.memory_space<vmem>>
      %parallel_loop3A_733 = arith.index_cast %parallel_loop3A_143 : i32 to index
      %parallel_loop3A_734 = arith.constant 448 : index
      %parallel_loop3A_735 = tpu.vector_load %parallel_loop3A_732[%parallel_loop3A_733, %parallel_loop3A_734] {strides = array<i32>} : memref<32x512xf32, #tpu.memory_space<vmem>>, vector<1x16xf32>,
      %parallel_loop3A_736 = vector.shape_cast %parallel_loop3A_735 : vector<1x16xf32> to vector<16xf32>
      %parallel_loop3A_737 = arith.mulf %parallel_loop3A_160, %parallel_loop3A_736 : vector<16xf32>
      %parallel_loop3A_738 = arith.subf %parallel_loop3A_728, %parallel_loop3A_737 : vector<16xf32>
      %parallel_loop3A_739 = arith.constant 0 : i32
      %parallel_loop3A_740 = arith.constant 0 : i32
      %parallel_loop3A_741 = tpu.memref_slice %arg8[%parallel_loop3A_132, %parallel_loop3A_739, %parallel_loop3A_740] : memref<2x32x512xf32, #tpu.memory_space<vmem>> -> memref<1x32x512xf32, #tpu.memory_space<vmem>>
      %parallel_loop3A_742 = tpu.memref_squeeze %parallel_loop3A_741 : memref<1x32x512xf32, #tpu.memory_space<vmem>> -> memref<32x512xf32, #tpu.memory_space<vmem>>
      %parallel_loop3A_743 = arith.index_cast %parallel_loop3A_143 : i32 to index
      %parallel_loop3A_744 = arith.constant 464 : index
      %parallel_loop3A_745 = tpu.vector_load %parallel_loop3A_742[%parallel_loop3A_743, %parallel_loop3A_744] {strides = array<i32>} : memref<32x512xf32, #tpu.memory_space<vmem>>, vector<1x16xf32>,
      %parallel_loop3A_746 = vector.shape_cast %parallel_loop3A_745 : vector<1x16xf32> to vector<16xf32>
      %parallel_loop3A_747 = arith.constant 0 : i32
      %parallel_loop3A_748 = arith.constant 0 : i32
      %parallel_loop3A_749 = tpu.memref_slice %arg9[%parallel_loop3A_133, %parallel_loop3A_747, %parallel_loop3A_748] : memref<2x32x512xf32, #tpu.memory_space<vmem>> -> memref<1x32x512xf32, #tpu.memory_space<vmem>>
      %parallel_loop3A_750 = tpu.memref_squeeze %parallel_loop3A_749 : memref<1x32x512xf32, #tpu.memory_space<vmem>> -> memref<32x512xf32, #tpu.memory_space<vmem>>
      %parallel_loop3A_751 = arith.index_cast %parallel_loop3A_143 : i32 to index
      %parallel_loop3A_752 = arith.constant 464 : index
      %parallel_loop3A_753 = tpu.vector_load %parallel_loop3A_750[%parallel_loop3A_751, %parallel_loop3A_752] {strides = array<i32>} : memref<32x512xf32, #tpu.memory_space<vmem>>, vector<1x16xf32>,
      %parallel_loop3A_754 = vector.shape_cast %parallel_loop3A_753 : vector<1x16xf32> to vector<16xf32>
      %parallel_loop3A_755 = arith.mulf %parallel_loop3A_160, %parallel_loop3A_754 : vector<16xf32>
      %parallel_loop3A_756 = arith.subf %parallel_loop3A_746, %parallel_loop3A_755 : vector<16xf32>
      %parallel_loop3A_757 = arith.constant 0 : i32
      %parallel_loop3A_758 = arith.constant 0 : i32
      %parallel_loop3A_759 = tpu.memref_slice %arg8[%parallel_loop3A_132, %parallel_loop3A_757, %parallel_loop3A_758] : memref<2x32x512xf32, #tpu.memory_space<vmem>> -> memref<1x32x512xf32, #tpu.memory_space<vmem>>
      %parallel_loop3A_760 = tpu.memref_squeeze %parallel_loop3A_759 : memref<1x32x512xf32, #tpu.memory_space<vmem>> -> memref<32x512xf32, #tpu.memory_space<vmem>>
      %parallel_loop3A_761 = arith.index_cast %parallel_loop3A_143 : i32 to index
      %parallel_loop3A_762 = arith.constant 480 : index
      %parallel_loop3A_763 = tpu.vector_load %parallel_loop3A_760[%parallel_loop3A_761, %parallel_loop3A_762] {strides = array<i32>} : memref<32x512xf32, #tpu.memory_space<vmem>>, vector<1x16xf32>,
      %parallel_loop3A_764 = vector.shape_cast %parallel_loop3A_763 : vector<1x16xf32> to vector<16xf32>
      %parallel_loop3A_765 = arith.constant 0 : i32
      %parallel_loop3A_766 = arith.constant 0 : i32
      %parallel_loop3A_767 = tpu.memref_slice %arg9[%parallel_loop3A_133, %parallel_loop3A_765, %parallel_loop3A_766] : memref<2x32x512xf32, #tpu.memory_space<vmem>> -> memref<1x32x512xf32, #tpu.memory_space<vmem>>
      %parallel_loop3A_768 = tpu.memref_squeeze %parallel_loop3A_767 : memref<1x32x512xf32, #tpu.memory_space<vmem>> -> memref<32x512xf32, #tpu.memory_space<vmem>>
      %parallel_loop3A_769 = arith.index_cast %parallel_loop3A_143 : i32 to index
      %parallel_loop3A_770 = arith.constant 480 : index
      %parallel_loop3A_771 = tpu.vector_load %parallel_loop3A_768[%parallel_loop3A_769, %parallel_loop3A_770] {strides = array<i32>} : memref<32x512xf32, #tpu.memory_space<vmem>>, vector<1x16xf32>,
      %parallel_loop3A_772 = vector.shape_cast %parallel_loop3A_771 : vector<1x16xf32> to vector<16xf32>
      %parallel_loop3A_773 = arith.mulf %parallel_loop3A_160, %parallel_loop3A_772 : vector<16xf32>
      %parallel_loop3A_774 = arith.subf %parallel_loop3A_764, %parallel_loop3A_773 : vector<16xf32>
      %parallel_loop3A_775 = arith.constant 0 : i32
      %parallel_loop3A_776 = arith.constant 0 : i32
      %parallel_loop3A_777 = tpu.memref_slice %arg8[%parallel_loop3A_132, %parallel_loop3A_775, %parallel_loop3A_776] : memref<2x32x512xf32, #tpu.memory_space<vmem>> -> memref<1x32x512xf32, #tpu.memory_space<vmem>>
      %parallel_loop3A_778 = tpu.memref_squeeze %parallel_loop3A_777 : memref<1x32x512xf32, #tpu.memory_space<vmem>> -> memref<32x512xf32, #tpu.memory_space<vmem>>
      %parallel_loop3A_779 = arith.index_cast %parallel_loop3A_143 : i32 to index
      %parallel_loop3A_780 = arith.constant 496 : index
      %parallel_loop3A_781 = tpu.vector_load %parallel_loop3A_778[%parallel_loop3A_779, %parallel_loop3A_780] {strides = array<i32>} : memref<32x512xf32, #tpu.memory_space<vmem>>, vector<1x16xf32>,
      %parallel_loop3A_782 = vector.shape_cast %parallel_loop3A_781 : vector<1x16xf32> to vector<16xf32>
      %parallel_loop3A_783 = arith.constant 0 : i32
      %parallel_loop3A_784 = arith.constant 0 : i32
      %parallel_loop3A_785 = tpu.memref_slice %arg9[%parallel_loop3A_133, %parallel_loop3A_783, %parallel_loop3A_784] : memref<2x32x512xf32, #tpu.memory_space<vmem>> -> memref<1x32x512xf32, #tpu.memory_space<vmem>>
      %parallel_loop3A_786 = tpu.memref_squeeze %parallel_loop3A_785 : memref<1x32x512xf32, #tpu.memory_space<vmem>> -> memref<32x512xf32, #tpu.memory_space<vmem>>
      %parallel_loop3A_787 = arith.index_cast %parallel_loop3A_143 : i32 to index
      %parallel_loop3A_788 = arith.constant 496 : index
      %parallel_loop3A_789 = tpu.vector_load %parallel_loop3A_786[%parallel_loop3A_787, %parallel_loop3A_788] {strides = array<i32>} : memref<32x512xf32, #tpu.memory_space<vmem>>, vector<1x16xf32>,
      %parallel_loop3A_790 = vector.shape_cast %parallel_loop3A_789 : vector<1x16xf32> to vector<16xf32>
      %parallel_loop3A_791 = arith.mulf %parallel_loop3A_160, %parallel_loop3A_790 : vector<16xf32>
      %parallel_loop3A_792 = arith.subf %parallel_loop3A_782, %parallel_loop3A_791 : vector<16xf32>
      %parallel_loop3A_793 = arith.mulf %parallel_loop3A_738, %parallel_loop3A_738 : vector<16xf32>
      %parallel_loop3A_794 = arith.addf %parallel_loop3A_714, %parallel_loop3A_793 : vector<16xf32>
      %parallel_loop3A_795 = arith.mulf %parallel_loop3A_756, %parallel_loop3A_756 : vector<16xf32>
      %parallel_loop3A_796 = arith.addf %parallel_loop3A_716, %parallel_loop3A_795 : vector<16xf32>
      %parallel_loop3A_797 = arith.mulf %parallel_loop3A_774, %parallel_loop3A_774 : vector<16xf32>
      %parallel_loop3A_798 = arith.addf %parallel_loop3A_718, %parallel_loop3A_797 : vector<16xf32>
      %parallel_loop3A_799 = arith.mulf %parallel_loop3A_792, %parallel_loop3A_792 : vector<16xf32>
      %parallel_loop3A_800 = arith.addf %parallel_loop3A_720, %parallel_loop3A_799 : vector<16xf32>
      scf.yield %parallel_loop3A_794, %parallel_loop3A_796, %parallel_loop3A_798, %parallel_loop3A_800 : vector<16xf32>, vector<16xf32>, vector<16xf32>, vector<16xf32>
    } {sc.loop_unroll_factor = 1 : i64, sc.parallel_access}
    %add3A_135 = arith.addf %parallel_loop3A_134#0, %parallel_loop3A_134#1 : vector<16xf32>
    %add3A_136 = arith.addf %parallel_loop3A_134#2, %parallel_loop3A_134#3 : vector<16xf32>
    %add3A_137 = arith.addf %add3A_135, %add3A_136 : vector<16xf32>
    %swap3A = arith.constant 0 : index
    %swap3A_138 = tpu.vector_load %arg11[%swap3A] {strides = array<i32>} : memref<16xf32, #tpu.memory_space<vmem>>, vector<16xf32>,
    %swap3A_139 = vector.shape_cast %swap3A_138 : vector<16xf32> to vector<16xf32>
    %swap3A_140 = vector.shape_cast %add3A_137 : vector<16xf32> to vector<16xf32>
    tpu.vector_store %arg11[%swap3A], %swap3A_140 {strides = array<i32>} : memref<16xf32, #tpu.memory_space<vmem>>, vector<16xf32>,
    %mul3A_141 = arith.constant 16 : i32
    %mul3A_142 = arith.muli %add3A, %mul3A_141 : i32
    "tpu.region"() ({
      %run_scoped3A = tpu.sem_alloc : memref<!tpu.dma_semaphore, #tpu.memory_space<semaphore_mem>>
      %dma_start3A_143 = tpu.memref_slice %arg6[%mul3A_142] : memref<512xf32, #tpu.memory_space<hbm>> -> memref<16xf32, #tpu.memory_space<hbm>>
      %dma_start3A_144 = tpu.memref_slice %arg6[%mul3A_142] : memref<512xf32, #tpu.memory_space<hbm>> -> memref<16xf32, #tpu.memory_space<hbm>>
      tpu.enqueue_dma source(%arg11 : memref<16xf32, #tpu.memory_space<vmem>>) target(%dma_start3A_144 : memref<16xf32, #tpu.memory_space<hbm>>) target_semaphore(%run_scoped3A : memref<!tpu.dma_semaphore, #tpu.memory_space<semaphore_mem>>)
      %dma_wait3A_145 = tpu.memref_slice %arg6[%mul3A_142] : memref<512xf32, #tpu.memory_space<hbm>> -> memref<16xf32, #tpu.memory_space<hbm>>
      %dma_wait3A_146 = tpu.memref_slice %arg6[%mul3A_142] : memref<512xf32, #tpu.memory_space<hbm>> -> memref<16xf32, #tpu.memory_space<hbm>>
      tpu.wait_dma2 semaphore(%run_scoped3A : memref<!tpu.dma_semaphore, #tpu.memory_space<semaphore_mem>>) src(%arg11 : memref<16xf32, #tpu.memory_space<vmem>>) dst(%dma_wait3A_146 : memref<16xf32, #tpu.memory_space<hbm>>)
      tpu.yield
    }) : () -> ()
    return
  }
}

module attributes {stable_mosaic.version = 14 : i64} {
  func.func @body(%arg0: i32, %arg1: memref<2048xi32, #tpu.memory_space<vmem>>, %arg2: memref<2048x512xf32, #tpu.memory_space<vmem>>, %arg3: memref<1000x512xf32, #tpu.memory_space<vmem>>, %arg4: memref<1000x1xf32, #tpu.memory_space<vmem>>, %arg5: memref<3x128xf32, #tpu.memory_space<vmem>>, %arg6: memref<1024x640xf32, #tpu.memory_space<vmem>>, %arg7: memref<1xf32, #tpu.memory_space<smem>>) attributes {dimension_semantics = [#tpu.dimension_semantics<arbitrary>], iteration_bounds = array<i64: 1>, scalar_prefetch = 0 : i64, scratch_operands = 2 : i64, tpu.core_type = #tpu.core_type<tc>, window_params = [{transform_indices = @transform_0, window_bounds = array<i64: 2048>}, {transform_indices = @transform_1, window_bounds = array<i64: 2048, 512>}, {pipeline_mode = #tpu.pipeline_mode<synchronous>, transform_indices = @transform_2, window_bounds = array<i64: 1000, 512>}, {pipeline_mode = #tpu.pipeline_mode<synchronous>, transform_indices = @transform_3, window_bounds = array<i64: 1000, 1>}, {pipeline_mode = #tpu.pipeline_mode<synchronous>, transform_indices = @transform_4, window_bounds = array<i64: 3, 128>}]} {
    %eq3A = arith.constant 0 : i32
    %eq3A_0 = arith.cmpi eq, %arg0, %eq3A : i32
    %convert_element_type3A = arith.extui %eq3A_0 : i1 to i32
    %cond3A = arith.constant 0 : i32
    %cond3A_1 = arith.cmpi ne, %convert_element_type3A, %cond3A : i32
    scf.if %cond3A_1 {
      %broadcast_in_dim3A_34 = arith.constant 0.000000e+00 : f32
      %broadcast_in_dim3A_35 = vector.broadcast %broadcast_in_dim3A_34 : f32 to vector<1024x640xf32>
      %swap3A_36 = arith.constant 0 : index
      %swap3A_37 = arith.constant 0 : index
      %swap3A_38 = vector.load %arg6[%swap3A_36, %swap3A_37] : memref<1024x640xf32, #tpu.memory_space<vmem>>, vector<1024x640xf32>
      tpu.vector_store %arg6[%swap3A_36, %swap3A_37], %broadcast_in_dim3A_35 {strides = array<i32>} : memref<1024x640xf32, #tpu.memory_space<vmem>>, vector<1024x640xf32>,
      %swap3A_39 = arith.constant 0.000000e+00 : f32
      %swap3A_40 = arith.constant 0 : index
      %swap3A_41 = memref.load %arg7[%swap3A_40] : memref<1xf32, #tpu.memory_space<smem>>
      memref.store %swap3A_39, %arg7[%swap3A_40] : memref<1xf32, #tpu.memory_space<smem>>
    } else {
    }
    %get3A = arith.constant 0 : index
    %get3A_2 = arith.constant 0 : index
    %get3A_3 = vector.load %arg2[%get3A, %get3A_2] : memref<2048x512xf32, #tpu.memory_space<vmem>>, vector<2048x512xf32>
    %get3A_4 = arith.constant 0 : index
    %get3A_5 = vector.load %arg1[%get3A_4] : memref<2048xi32, #tpu.memory_space<vmem>>, vector<2048xi32>
    %get3A_6 = arith.constant 0 : index
    %get3A_7 = memref.load %arg7[%get3A_6] : memref<1xf32, #tpu.memory_space<smem>>
    %mul3A = arith.mulf %get3A_3, %get3A_3 : vector<2048x512xf32>
    %reduce_sum3A = vector.shape_cast %mul3A : vector<2048x512xf32> to vector<1x2048x512xf32>
    %reduce_sum3A_8 = arith.constant dense<0.000000e+00> : vector<1xf32>
    %reduce_sum3A_9 = vector.multi_reduction <add>, %reduce_sum3A, %reduce_sum3A_8 [1, 2] : vector<1x2048x512xf32> to vector<1xf32>
    %reduce_sum3A_10 = vector.shape_cast %reduce_sum3A_9 : vector<1xf32> to vector<1x1x1xf32>
    %reduce_sum3A_11 = vector.extract %reduce_sum3A_10[0, 0, 0] : f32 from vector<1x1x1xf32>
    %add3A = arith.addf %get3A_7, %reduce_sum3A_11 : f32
    %swap3A = arith.constant 0 : index
    %swap3A_12 = memref.load %arg7[%swap3A] : memref<1xf32, #tpu.memory_space<smem>>
    memref.store %add3A, %arg7[%swap3A] : memref<1xf32, #tpu.memory_space<smem>>
    %iota3A = tpu.iota {dimensions = array<i32: 0>} : vector<1024x2048xi32>
    %broadcast_in_dim3A = vector.shape_cast %get3A_5 : vector<2048xi32> to vector<1x2048xi32>
    %eq3A_13 = vector.broadcast %broadcast_in_dim3A : vector<1x2048xi32> to vector<1024x2048xi32>
    %eq3A_14 = arith.cmpi eq, %iota3A, %eq3A_13 : vector<1024x2048xi32>
    %convert_element_type3A_15 = arith.extui %eq3A_14 : vector<1024x2048xi1> to vector<1024x2048xi32>
    %convert_element_type3A_16 = arith.sitofp %convert_element_type3A_15 : vector<1024x2048xi32> to vector<1024x2048xf32>
    %convert_element_type3A_17 = arith.truncf %convert_element_type3A_16 : vector<1024x2048xf32> to vector<1024x2048xbf16>
    %convert_element_type3A_18 = arith.truncf %get3A_3 : vector<2048x512xf32> to vector<2048x512xbf16>
    %broadcast_in_dim3A_19 = arith.constant 1.000000e+00 : bf16
    %broadcast_in_dim3A_20 = vector.broadcast %broadcast_in_dim3A_19 : bf16 to vector<2048x128xbf16>
    %concatenate3A = tpu.concatenate %convert_element_type3A_18, %broadcast_in_dim3A_20 in 1 : vector<2048x512xbf16>, vector<2048x128xbf16> -> vector<2048x640xbf16>
    %get3A_21 = arith.constant 0 : index
    %get3A_22 = arith.constant 0 : index
    %get3A_23 = vector.load %arg6[%get3A_21, %get3A_22] : memref<1024x640xf32, #tpu.memory_space<vmem>>, vector<1024x640xf32>
    %dot_general3A = arith.constant dense<0.000000e+00> : vector<1024x640xf32>
    %dot_general3A_24 = tpu.matmul %convert_element_type3A_17, %concatenate3A, %dot_general3A {dimension_numbers = #tpu.dot_dimension_numbers<[1], [0], [0], [1], [0, 0, 1, 1], [], []>, transpose_lhs_hint = false} : vector<1024x2048xbf16>, vector<2048x640xbf16>, vector<1024x640xf32> -> vector<1024x640xf32>
    %add3A_25 = arith.addf %get3A_23, %dot_general3A_24 : vector<1024x640xf32>
    %swap3A_26 = arith.constant 0 : index
    %swap3A_27 = arith.constant 0 : index
    %swap3A_28 = vector.load %arg6[%swap3A_26, %swap3A_27] : memref<1024x640xf32, #tpu.memory_space<vmem>>, vector<1024x640xf32>
    tpu.vector_store %arg6[%swap3A_26, %swap3A_27], %add3A_25 {strides = array<i32>} : memref<1024x640xf32, #tpu.memory_space<vmem>>, vector<1024x640xf32>,
    %eq3A_29 = arith.constant 0 : i32
    %eq3A_30 = arith.cmpi eq, %arg0, %eq3A_29 : i32
    %convert_element_type3A_31 = arith.extui %eq3A_30 : i1 to i32
    %cond3A_32 = arith.constant 0 : i32
    %cond3A_33 = arith.cmpi ne, %convert_element_type3A_31, %cond3A_32 : i32
    scf.if %cond3A_33 {
      %get3A_34 = arith.constant 0 : index
      %get3A_35 = arith.constant 0 : index
      %get3A_36 = vector.load %arg3[%get3A_34, %get3A_35] : memref<1000x512xf32, #tpu.memory_space<vmem>>, vector<1000x512xf32>
      %get3A_37 = arith.constant 0 : index
      %get3A_38 = arith.constant 0 : index
      %get3A_39 = vector.load %arg4[%get3A_37, %get3A_38] : memref<1000x1xf32, #tpu.memory_space<vmem>>, vector<1000x1xf32>
      %get3A_40 = arith.constant 0 : index
      %get3A_41 = arith.constant 0 : index
      %get3A_42 = vector.load %arg6[%get3A_40, %get3A_41] : memref<1024x640xf32, #tpu.memory_space<vmem>>, vector<1000x512xf32>
      %get3A_43 = arith.constant 0 : index
      %get3A_44 = arith.constant 512 : index
      %get3A_45 = vector.load %arg6[%get3A_43, %get3A_44] : memref<1024x640xf32, #tpu.memory_space<vmem>>, vector<1000x128xf32>
      %slice3A = vector.extract_strided_slice %get3A_45 {offsets = [0, 0], sizes = [1000, 1], strides = [1, 1]} : vector<1000x128xf32> to vector<1000x1xf32>
      %mul3A_46 = arith.mulf %get3A_42, %get3A_36 : vector<1000x512xf32>
      %mul3A_47 = vector.broadcast %get3A_39 : vector<1000x1xf32> to vector<1000x512xf32>
      %mul3A_48 = arith.mulf %mul3A_46, %mul3A_47 : vector<1000x512xf32>
      %reduce_sum3A_49 = vector.shape_cast %mul3A_48 : vector<1000x512xf32> to vector<1x1000x512xf32>
      %reduce_sum3A_50 = arith.constant dense<0.000000e+00> : vector<1xf32>
      %reduce_sum3A_51 = vector.multi_reduction <add>, %reduce_sum3A_49, %reduce_sum3A_50 [1, 2] : vector<1x1000x512xf32> to vector<1xf32>
      %reduce_sum3A_52 = vector.shape_cast %reduce_sum3A_51 : vector<1xf32> to vector<1x1x1xf32>
      %reduce_sum3A_53 = vector.extract %reduce_sum3A_52[0, 0, 0] : f32 from vector<1x1x1xf32>
      %mul3A_54 = arith.mulf %get3A_36, %get3A_36 : vector<1000x512xf32>
      %reduce_sum3A_55 = arith.constant dense<0.000000e+00> : vector<1000xf32>
      %reduce_sum3A_56 = vector.multi_reduction <add>, %mul3A_54, %reduce_sum3A_55 [1] : vector<1000x512xf32> to vector<1000xf32>
      %broadcast_in_dim3A_57 = vector.shape_cast %reduce_sum3A_56 : vector<1000xf32> to vector<1000x1xf32>
      %mul3A_58 = arith.mulf %slice3A, %get3A_39 : vector<1000x1xf32>
      %mul3A_59 = arith.mulf %mul3A_58, %get3A_39 : vector<1000x1xf32>
      %mul3A_60 = arith.mulf %mul3A_59, %broadcast_in_dim3A_57 : vector<1000x1xf32>
      %reduce_sum3A_61 = vector.shape_cast %mul3A_60 : vector<1000x1xf32> to vector<1x1000x1xf32>
      %reduce_sum3A_62 = arith.constant dense<0.000000e+00> : vector<1xf32>
      %reduce_sum3A_63 = vector.multi_reduction <add>, %reduce_sum3A_61, %reduce_sum3A_62 [1, 2] : vector<1x1000x1xf32> to vector<1xf32>
      %reduce_sum3A_64 = vector.shape_cast %reduce_sum3A_63 : vector<1xf32> to vector<1x1x1xf32>
      %reduce_sum3A_65 = vector.extract %reduce_sum3A_64[0, 0, 0] : f32 from vector<1x1x1xf32>
      %reduce_sum3A_66 = vector.shape_cast %get3A_39 : vector<1000x1xf32> to vector<1x1000x1xf32>
      %reduce_sum3A_67 = arith.constant dense<0.000000e+00> : vector<1xf32>
      %reduce_sum3A_68 = vector.multi_reduction <add>, %reduce_sum3A_66, %reduce_sum3A_67 [1, 2] : vector<1x1000x1xf32> to vector<1xf32>
      %reduce_sum3A_69 = vector.shape_cast %reduce_sum3A_68 : vector<1xf32> to vector<1x1x1xf32>
      %reduce_sum3A_70 = vector.extract %reduce_sum3A_69[0, 0, 0] : f32 from vector<1x1x1xf32>
      %mul3A_71 = arith.mulf %get3A_39, %get3A_39 : vector<1000x1xf32>
      %reduce_sum3A_72 = vector.shape_cast %mul3A_71 : vector<1000x1xf32> to vector<1x1000x1xf32>
      %reduce_sum3A_73 = arith.constant dense<0.000000e+00> : vector<1xf32>
      %reduce_sum3A_74 = vector.multi_reduction <add>, %reduce_sum3A_72, %reduce_sum3A_73 [1, 2] : vector<1x1000x1xf32> to vector<1xf32>
      %reduce_sum3A_75 = vector.shape_cast %reduce_sum3A_74 : vector<1xf32> to vector<1x1x1xf32>
      %reduce_sum3A_76 = vector.extract %reduce_sum3A_75[0, 0, 0] : f32 from vector<1x1x1xf32>
      %get3A_77 = arith.constant 0 : index
      %get3A_78 = memref.load %arg7[%get3A_77] : memref<1xf32, #tpu.memory_space<smem>>
      %mul3A_79 = arith.constant 2.000000e+00 : f32
      %mul3A_80 = arith.mulf %mul3A_79, %reduce_sum3A_53 : f32
      %sub3A = arith.subf %get3A_78, %mul3A_80 : f32
      %add3A_81 = arith.addf %sub3A, %reduce_sum3A_65 : f32
      %broadcast_in_dim3A_82 = vector.broadcast %add3A_81 : f32 to vector<1x128xf32>
      %broadcast_in_dim3A_83 = vector.broadcast %reduce_sum3A_70 : f32 to vector<1x128xf32>
      %broadcast_in_dim3A_84 = vector.broadcast %reduce_sum3A_76 : f32 to vector<1x128xf32>
      %concatenate3A_85 = tpu.concatenate %broadcast_in_dim3A_82, %broadcast_in_dim3A_83, %broadcast_in_dim3A_84 in 0 : vector<1x128xf32>, vector<1x128xf32>, vector<1x128xf32> -> vector<3x128xf32>
      %swap3A_86 = arith.constant 0 : index
      %swap3A_87 = arith.constant 0 : index
      %swap3A_88 = vector.load %arg5[%swap3A_86, %swap3A_87] : memref<3x128xf32, #tpu.memory_space<vmem>>, vector<3x128xf32>
      tpu.vector_store %arg5[%swap3A_86, %swap3A_87], %concatenate3A_85 {strides = array<i32>} : memref<3x128xf32, #tpu.memory_space<vmem>>, vector<3x128xf32>,
    } else {
    }
    return
  }
  func.func @transform_0(%arg0: i32) -> i32 {
    %add3A = arith.constant 0 : i32
    %add3A_0 = arith.addi %arg0, %add3A : i32
    %c0_i32 = arith.constant 0 : i32
    return %add3A_0 : i32
  }
  func.func @transform_1(%arg0: i32) -> (i32, i32) {
    %add3A = arith.constant 0 : i32
    %add3A_0 = arith.addi %arg0, %add3A : i32
    %c0_i32 = arith.constant 0 : i32
    %c0_i32_1 = arith.constant 0 : i32
    return %add3A_0, %c0_i32 : i32, i32
  }
  func.func @transform_2(%arg0: i32) -> (i32, i32) {
    %c0_i32 = arith.constant 0 : i32
    %c0_i32_0 = arith.constant 0 : i32
    %c0_i32_1 = arith.constant 0 : i32
    return %c0_i32, %c0_i32_0 : i32, i32
  }
  func.func @transform_3(%arg0: i32) -> (i32, i32) {
    %c0_i32 = arith.constant 0 : i32
    %c0_i32_0 = arith.constant 0 : i32
    %c0_i32_1 = arith.constant 0 : i32
    return %c0_i32, %c0_i32_0 : i32, i32
  }
  func.func @transform_4(%arg0: i32) -> (i32, i32) {
    %c0_i32 = arith.constant 0 : i32
    %c0_i32_0 = arith.constant 0 : i32
    %c0_i32_1 = arith.constant 0 : i32
    return %c0_i32, %c0_i32_0 : i32, i32
  }
}

</mosaic_0001>

<sc_bundles>
// kernel: kernel.4.cloned.1.call-start
scs
__scs_entry_jumppad:
0x0: {  	(pc) =	sbr.rel $0x88, $3  }
0x1: {  	(tag) =	ssettag $0x0;
	lr =	simm.s32 $0x1  }
0x2: {  	[smem:$0x3F9D] =	sst lr;
	_ =	strace $0xD0000000  }
0x3: {  	_ = 	snop  }
0x4: {  	_ = 	snop  }
0x5: {  	_ = 	snop  }
0x6: {  	_ = 	snop  }
0x7: {  	_ = 	snop  }
__scs_overlays_trampoline_lowered:
0x8: {  	[smem:$0x3FAC] =	sst s0  }
0x9: {  	[smem:$0x3FAD] =	sst s1  }
0xa: {  	[smem:$0x3FAE] =	sst s2  }
0xb: {  	[smem:$0x3FAF] =	sst s3  }
0xc: {  	[smem:$0x3FB0] =	sst s4  }
0xd: {  	[smem:$0x3FB1] =	sst s5  }
0xe: {  	[smem:$0x3FB2] =	sst s6  }
0xf: {  	[smem:$0x3FB3] =	sst s7  }
0x10: {  	[smem:$0x3FB4] =	sst s8  }
0x11: {  	[smem:$0x3FB5] =	sst s9;
	s0 =	simm.s32 @!p0 $0x0  }
0x12: {  	s1 =	sld [smem:$0x3F9B];
	s0 =	simm.s32 @p0 $0x1  }
0x13: {  	[smem:$0x3FB6] =	sst s0;
	s0 =	simm.s32 @!p1 $0x0  }
0x14: {  	s2 =	sld [smem:$0x3F9A];
	s0 =	simm.s32 @p1 $0x1  }
0x15: {  	[smem:$0x3FB7] =	sst s0;
	s0 =	simm.s32 @!p2 $0x0  }
0x16: {  	s3 =	sld [smem:$0x3FDB];
	s0 =	simm.s32 @p2 $0x1  }
0x17: {  	s4 =	simm.s32 $0x1BF5;
	[smem:$0x3FB9] =	sst s0  }
0x18: {  	s0 =	sld [smem:$0x3F9C];
	_ =	swait.ge [sflag:s4], $0x0  }
0x19: {  	s7 =	sld [smem:$0x3F9D]  }
0x1a: {  	s8 =	sadd.s32 $0xFFFFE003, lr  }
0x1b: {  	s9 =	sadd.s32 $0xFFFFFEF7, lr;
	s5 =	simm.s32 $0xFFFFFFFF;
	p2 =	slt.u32 s8, $0xFFFFF086  }
0x1c: {  	p1 =	slt.u32 s9, $0xF7A;
	s5 =	simm.s32 @!p2 $0x0  }
0x1d: {  	s5 =	simm.s32 @p1 $0x1;
	p0 =	seq.s32 s7, s2  }
0x1e: {  	s7 =	smul.u32 @!p0 $0xF7A, s2;
	p2 =	seq.s32 @!p0 s5, $0x0  }
0x1f: {  	s9 =	smul.u32 $0xF7A, s1;
	s8 =	simm.s32 @!p0 $0x1BF5;
	p2 =	por !p2, p0  }
0x20: {  	[sflag:s8] =	ssyncset.s32 @!p0 $0xFFFFF086;
	s6 =	sadd.s32 @!p0 s3, s7;
	s7 =	simm.s32 @!p0 $0x108  }
0x21: {  	s3 =	sadd.s32 s3, s9;
	s6 =	sadd.s32 @!p0 $0x88, s6;
	s7 =	simm.s32 @p2 $0x1082  }
0x22: {  	[simem:s7], [sflag:s8] =	dma.local @!p0 [hbm:s6], $0xF7A  }
0x23: {  	s9 =	sor.u32 $0xD0000000, s2;
	s6 =	simm.s32 $0x108;
	_ =	swait.ge @!p0 [sflag:s8], $0x0  }
0x24: {  	s3 =	sadd.s32 $0x88, s3;
	s6 =	simm.s32 @!p1 $0x1082;
	[sflag:s4] =	ssyncset.s32 $0xFFFFF086  }
0x25: {  	[simem:s6], [sflag:s4] =	dma.local [hbm:s3], $0xF7A  }
0x26: {  	[smem:$0x3F9D] =	sst s1;
	(tag) =	ssettag s2;
	_ =	strace s9  }
0x27: {  	s1 =	sld [smem:$0x3FAD]  }
0x28: {  	s2 =	sld [smem:$0x3FAE]  }
0x29: {  	s4 =	sld [smem:$0x3FB0]  }
0x2a: {  	p0 =	seq.s32 s5, $0x0;
	s5 =	sld [smem:$0x3FB1]  }
0x2b: {  	s6 =	sld [smem:$0x3FB2]  }
0x2c: {  	s7 =	sld [smem:$0x3FB3]  }
0x2d: {  	s3 =	simm.s32 $0x108;
	s8 =	sld [smem:$0x3FB4]  }
0x2e: {  	s3 =	simm.s32 @!p0 $0x1082;
	s9 =	sld [smem:$0x3FB5]  }
0x2f: {  	lr =	sadd.s32 s0, s3;
	s0 =	sld [smem:$0x3FAC]  }
0x30: {  	s3 =	sld [smem:$0x3FAF]  }
0x31: {  	[smem:$0x3FB8] =	sst s10  }
0x32: {  	s10 =	sld [smem:$0x3FB6];
	_ =	sdelay $0x3  }
0x33: {  	p0 =	seq.s32 s10, $0x1;
	s10 =	sld [smem:$0x3FB8];
	_ =	sdelay $0x3  }
0x34: {  	[smem:$0x3FB8] =	sst s10  }
0x35: {  	s10 =	sld [smem:$0x3FB7];
	_ =	sdelay $0x3  }
0x36: {  	p1 =	seq.s32 s10, $0x1;
	s10 =	sld [smem:$0x3FB8];
	_ =	sdelay $0x3  }
0x37: {  	[smem:$0x3FB8] =	sst s10  }
0x38: {  	s10 =	sld [smem:$0x3FB9]  }
0x39: {  	_ = 	snop;
	(pc) =	sbr.ind lr, $3  }
0x3a: {  	_ = 	snop  }
0x3b: {  	_ = 	snop  }
0x3c: {  	p2 =	seq.s32 s10, $0x1;
	s10 =	sld [smem:$0x3FB8]  }
0x3d: {  	_ =	shalt  }
0x3e: {  	_ =	shalt  }
0x3f: {  	_ =	shalt  }
0x40: {  	_ =	shalt  }
0x41: {  	_ =	shalt  }
0x42: {  	_ =	shalt  }
0x43: {  	_ =	shalt  }
0x44: {  	_ =	shalt  }
0x45: {  	_ =	shalt  }
0x46: {  	_ =	shalt  }
0x47: {  	_ =	shalt  }
0x48: {  	_ =	shalt  }
0x49: {  	_ =	shalt  }
0x4a: {  	_ =	shalt  }
0x4b: {  	_ =	shalt  }
0x4c: {  	_ =	shalt  }
0x4d: {  	_ =	shalt  }
0x4e: {  	_ =	shalt  }
0x4f: {  	_ =	shalt  }
0x50: {  	_ =	shalt  }
0x51: {  	_ =	shalt  }
0x52: {  	_ =	shalt  }
0x53: {  	_ =	shalt  }
0x54: {  	_ =	shalt  }
0x55: {  	_ =	shalt  }
0x56: {  	_ =	shalt  }
0x57: {  	_ =	shalt  }
0x58: {  	_ =	shalt  }
0x59: {  	_ =	shalt  }
0x5a: {  	_ =	shalt  }
0x5b: {  	_ =	shalt  }
0x5c: {  	_ =	shalt  }
0x5d: {  	_ =	shalt  }
0x5e: {  	_ =	shalt  }
0x5f: {  	_ =	shalt  }
0x60: {  	_ =	shalt  }
0x61: {  	_ =	shalt  }
0x62: {  	_ =	shalt  }
0x63: {  	_ =	shalt  }
0x64: {  	_ =	shalt  }
0x65: {  	_ =	shalt  }
0x66: {  	_ =	shalt  }
0x67: {  	_ =	shalt  }
0x68: {  	_ =	shalt  }
0x69: {  	_ =	shalt  }
0x6a: {  	_ =	shalt  }
0x6b: {  	_ =	shalt  }
0x6c: {  	_ =	shalt  }
0x6d: {  	_ =	shalt  }
0x6e: {  	_ =	shalt  }
0x6f: {  	_ =	shalt  }
0x70: {  	_ =	shalt  }
0x71: {  	_ =	shalt  }
0x72: {  	_ =	shalt  }
0x73: {  	_ =	shalt  }
0x74: {  	_ =	shalt  }
0x75: {  	_ =	shalt  }
0x76: {  	_ =	shalt  }
0x77: {  	_ =	shalt  }
0x78: {  	_ =	shalt  }
0x79: {  	_ =	shalt  }
0x7a: {  	_ =	shalt  }
0x7b: {  	_ =	shalt  }
0x7c: {  	_ =	shalt  }
0x7d: {  	_ =	shalt  }
0x7e: {  	_ =	shalt  }
0x7f: {  	_ =	shalt  }
0x80: {  	_ =	shalt  }
0x81: {  	_ =	shalt  }
0x82: {  	_ =	shalt  }
0x83: {  	_ =	shalt  }
0x84: {  	_ =	shalt  }
0x85: {  	_ =	shalt  }
0x86: {  	_ =	shalt  }
0x87: {  	_ =	shalt  }
.Lfunc_end0:
.L_simem_size_0:
called_computation_lowered:
.L_overlay_start_0:
0x88: {  	s2 =	sld [smem:$0x3FD9]  }
0x89: {  	s3 =	sld [smem:$0x3FFE];
	_ =	sdelay $0x1  }
0x8a: {  	s1 =	srdreg.scid  }
0x8b: {  	s0 =	sand.u32 $0x1, s1  }
0x8c: {  	s17 =	sshll.u32 s0, $0xA;
	s2 =	sadd.s32 s3, s2  }
0x8d: {  	s2 =	sadd.s32 s2, s17  }
0x8e: {  	[smem:$0x3FC4] =	sst s2  }
0x8f: {  	_ = 	snop  }
0x90: {  	s2 =	sld [smem:$0x3FC9]  }
0x91: {  	s18 =	sld [smem:$0x3FC8]  }
0x92: {  	s4 =	sld [smem:$0x3FC7]  }
0x93: {  	s5 =	sld [smem:$0x3FC6];
	(tm) =	ssettm $0x1  }
0x94: {  	s6 =	sld [smem:$0x3FFB];
	_ =	sdelay $0x3  }
0x95: {  	_ =	strace s6  }
0x96: {  	s6 =	sld [smem:$0x3FFC];
	_ =	sdelay $0x3  }
0x97: {  	_ =	strace s6  }
0x98: {  	s6 =	sld [smem:$0x3FFD];
	_ =	sdelay $0x3  }
0x99: {  	_ =	strace s6  }
0x9a: {  	_ =	strace $0x8FFFFFFF  }
0x9b: {  	s19 =	sld [smem:$0x3FDB];
	_ =	sdelay $0x1  }
0x9c: {  	s7 =	simm.s32 $_scs_section_size  }
0x9d: {  	s8 =	simm.s32 $_size__tile_overlayer_lowered;
	s9 =	simm.s32 $_tile_overlayer_lowered  }
0x9e: {  	s22 =	simm.s32 $0x1BFF;
	s21 =	sshll.u32 s9, $0x1;
	s6 =	sadd.s32 s7, s19  }
0x9f: {  	s10 =	simm.s32 $0x0;
	s20 =	sshll.u32 s8, $0x1;
	s8 =	sadd.s32 s21, s6  }
0xa0: {  	[timem:s10], [sflag:s22] =	dma.local [hbm:s8], s20  }
0xa1: {  	_ =	swait.ge [sflag:s22], s20  }
0xa2: {  	s7 =	ssub.s32 $0x0, s20;
	[sflag:s22] =	ssyncset.done $0x0  }
0xa3: {  	[sflag:s22] =	ssyncadd.s32 s7;
	_ =	sdelay $0x1  }
0xa4: {  	s23 =	simm.s32 $0x1B8B  }
0xa5: {  	_ =	swait.ge [sflag:s23], $0x1  }
0xa6: {  	[sflag:s23] =	ssyncset.done $0x0  }
0xa7: {  	s25 =	simm.s32 $0x1B8E;
	s24 =	sld [smem:$0x3FFE];
	[sflag:s23] =	ssyncadd.s32 $0xFFFFFFFF  }
0xa8: {  	s26 =	simm.s32 $execute0_lowered;
	[smem:$0x3FD2] =	sst s25  }
0xa9: {  	s8 =	sshll.u32 s26, $0x1;
	_ =	strace $0x80000046;
	[dreg:$0x1] =	wrdreg $0xFFFFFFFF  }
0xaa: {  	s28 =	simm.s32 $_size_execute0_lowered;
	s6 =	sadd.s32 s6, s8;
	[dreg:$0x0] =	wrdreg $0x0  }
0xab: {  	s8 =	sshll.u32 s28, $0x1;
	[dreg:$0x2] =	wrdreg s6  }
0xac: {  	[dreg:$0x3] =	wrdreg s8  }
0xad: {  	[dreg:$0x4] =	wrdreg $0xC0  }
0xae: {  	_ =	task [dreg:s10], $0x5FFFF  }
0xaf: {  	[dreg:$0x1] =	wrdreg $0xFFFFFFFF  }
0xb0: {  	[dreg:$0x0] =	wrdreg $0x60  }
0xb1: {  	[dreg:$0x2] =	wrdreg s2  }
0xb2: {  	[dreg:$0x3] =	wrdreg s18  }
0xb3: {  	[dreg:$0x4] =	wrdreg s4  }
0xb4: {  	[dreg:$0x5] =	wrdreg s5  }
0xb5: {  	[dreg:$0x6] =	wrdreg s24  }
0xb6: {  	[dreg:$0x7] =	wrdreg $0x9  }
0xb7: {  	_ =	task.clear_ibuf [dreg:s10], $0x8FFFF;
	_ =	strace $0x90000046  }
0xb8: {  	s29 =	simm.s32 $0x9;
	_ =	strace $0x80000048  }
0xb9: {  	_ =	swait.ge [sflag:s29], $0x1  }
0xba: {  	[sflag:s29] =	ssyncadd.s32 $0xFFFFFFFF  }
0xbb: {  	_ =	strace $0x90000048  }
0xbc: {  	_ =	sfence  }
0xbd: {  	s30 =	sld [smem:$0x0];
	_ =	sdelay $0x2  }
0xbe: {  	s31 =	sshll.u32 s1, $0xD;
	s1 =	sshrl.u32 s1, $0x2  }
0xbf: {  	s3 =	sand.u32 $0x4000, s31;
	s1 =	sadd.s32 s1, s30  }
0xc0: {  	s0 =	sor.u32 s3, s0;
	s1 =	sshll.u32 s1, $0x11  }
0xc1: {  	s0 =	sor.u32 s1, s0  }
0xc2: {  	s0 =	sadd.s32 $0x8F2B, s0  }
0xc3: {  	[sflag:s0] =	ssyncadd.remote.s32 $0x1  }
0xc4: {  	_ =	sfence.sel $0xFFFF  }
0xc5: {  	[dreg:$0x0] =	wrdreg $0xFFFFFFFF;
	(pc) =	sbr.abs _section_cstart, $3  }
0xc6: {  	[dreg:$0x1] =	wrdreg $0xFFFFFFFF  }
0xc7: {  	_ =	task.clear_ibuf [dreg:s10], $0x2FFFF;
	_ =	strace $0x9FFFFFFF  }
0xc8: {  	(tm) =	ssettm $0x7FFFFFFF  }
0xc9: {  	_ =	shalt  }
tec
execute0_lowered:
.L_overlay_start_1:
0x0: {  	(tag) =	ssettag $0x1  }
0x1: {  	s0 =	rddreg [dreg:$0x0]  }
0x2: {  	s2 =	rddreg [dreg:$0x1]  }
0x3: {  	s1 =	rddreg [dreg:$0x2]  }
0x4: {  	s3 =	rddreg [dreg:$0x4]  }
0x5: {  	s5 =	srdreg.scid;
	s6 =	stileid.u32  }
0x6: {  	s4 =	simm.s32 $0x0;
	s13 =	simm.s32 $0x5;
	s22 =	simm.s32 $0xC080  }
0x7: {  	s23 =	simm.s32 $0xC880;
	s28 =	simm.s32 $0xE880;
	s29 =	simm.s32 $0xF080  }
0x8: {  	s30 =	simm.s32 $0xF880;
	s31 =	simm.s32 $0x10080;
	s11 =	simm.s32 $0x4  }
0x9: {  	s12 =	simm.s32 $0x10480;
	s5 =	sand.u32 $0x1, s5;
	s6 =	sshll.u32 s6, $0x1  }
0xa: {  	s14 =	simm.s32 $0x0;
	[smem:$0x7FF] =	sst s4;
	s6 =	sor.u32 s5, s6  }
0xb: {  	_ =	strace $0x80000047;
	s5 =	ssub.s32 $0x2, s5;
	s7 =	sshll.u32 s6, $0x1  }
0xc: {  	s24 =	sshll.u32 s6, $0x6;
	s8 =	sshrl.u32 s5, $0x1;
	s6 =	sshll.u32 s6, $0xC  }
0xd: {  	s3 =	sadd.s32 s7, s3;
	s7 =	sor.u32 $0x800, s24;
	s10 =	ssub.s32 s5, s8  }
0xe: {  	v2 =	vlaneseq.u32;
	s6 =	sadd.s32 s6, s0;
	s8 =	sadd.s32 $0x100, s1;
	s24 =	simm.s32 $0xD080  }
0xf: {  	v0 =	vand.u32 $0x7, v2;
	v1 =	vshrl.u32 v2, $0x3;
	s25 =	sshll.u32 s7, $0x6;
	s6 =	sadd.s32 $0x20800, s6;
	s26 =	sshrl.u32 s7, $0x3  }
0x10: {  	v63 =	vor.u32 $0x8, v2;
	[tilespmem:$0x1FFD0] =	vst v0;
	v62 =	vmul.u32 $0x8, v1;
	s9 =	sadd.s32 $0xA00, s3;
	s10 =	smax.u32 s10, $0x1;
	s3 =	simm.s32 $0x2  }
0x11: {  	[tilespmem:$0x1FFF0] =	vst v63;
	s5 =	sadd.s32 s0, s25;
	s7 =	sadd.s32 s2, s26;
	s25 =	simm.s32 $0xD880  }
0x12: {  	vm0 =	vmmov $0xffff;
	[tilespmem:$0x1FFE0] =	vst v62;
	s26 =	simm.s32 $0xE080;
	s0 =	simm.s32 $0x1;
	s2 =	simm.s32 $0x3  }
.LBB2_1:
0x13: {  	s15 =	simm.s32 $0x80  }
0x14: {  	[tilespmem:s15], [sflag:$0x1] =	stream.linear.gather [hbm4b:s5+s4], $0x4000, $0x38;
	[tilespmem:$0x10500] =	vst v63  }
0x15: {  	s16 =	simm.s32 $0x4080  }
0x16: {  	[tilespmem:s16], [sflag:$0x2] =	stream.linear.gather [hbm4b:s6+s4], $0x4000, $0x38;
	[tilespmem:$0x10500] =	vst v63  }
0x17: {  	_ = 	snop  }
0x18: {  	[tilespmem:s4], [sflag:$0x5] =	stream.linear.gather [hbm4b:s7+s4], $0x40, $0x38;
	[tilespmem:$0x10500] =	vst v63  }
0x19: {  	_ =	swait.ge [sflag:s13], $0x40  }
0x1a: {  	[sflag:s13] =	ssyncset.done $0x0  }
0x1b: {  	[sflag:s13] =	ssyncadd.s32 $0xFFFFFFC0  }
0x1c: {  	v3 =	vld [tilespmem:$0x0];
	_ =	sdelay $0x2  }
0x1d: {  	v0 =	vld [tilespmem:$0x1FFD0];
	_ =	sdelay $0x1  }
0x1e: {  	v1 =	vld [tilespmem:$0x1FFE0];
	v4 =	vshll.u32 v3, $0x2  }
0x1f: {  	v3 =	vand.u32 $0x7, v3;
	v4 =	vand.u32 $0xFFFFFFE0, v4  }
0x20: {  	v2 =	vld [tilespmem:$0x1FFF0];
	v3 =	vor.u32 v3, v4  }
0x21: {  	v4 =	vperm.xlane v3, v0;
	_ =	sdelay $0x1  }
0x22: {  	v4 =	vadd.s32 v1, v4;
	_ =	sdelay $0x1  }
0x23: {  	v3 =	vperm.xlane v3, v2;
	_ =	sdelay $0x1  }
0x24: {  	s17 =	simm.s32 $0x8080;
	v3 =	vadd.s32 v1, v3  }
0x25: {  	[tilespmem:s17], [sflag:$0x3] =	stream.indirect_vreg.gather [hbm4b:s1+s4], $0x80, v4, vm0, $0xb8;
	[tilespmem:$0x10500] =	vst v63  }
0x26: {  	s18 =	simm.s32 $0x8880  }
0x27: {  	[tilespmem:s18], [sflag:$0x3] =	stream.indirect_vreg.gather [hbm4b:s8+s4], $0x80, v4, vm0, $0xb8;
	[tilespmem:$0x10500] =	vst v63  }
0x28: {  	s19 =	simm.s32 $0x9080  }
0x29: {  	[tilespmem:s19], [sflag:$0x3] =	stream.indirect_vreg.gather [hbm4b:s1+s4], $0x80, v3, vm0, $0xb8;
	[tilespmem:$0x10500] =	vst v63  }
0x2a: {  	s20 =	simm.s32 $0x9880  }
0x2b: {  	[tilespmem:s20], [sflag:$0x3] =	stream.indirect_vreg.gather [hbm4b:s8+s4], $0x80, v3, vm0, $0xb8;
	[tilespmem:$0x10500] =	vst v63  }
0x2c: {  	v3 =	vld [tilespmem:$0x10];
	_ =	sdelay $0x4  }
0x2d: {  	v4 =	vshll.u32 v3, $0x2  }
0x2e: {  	v3 =	vand.u32 $0x7, v3;
	v4 =	vand.u32 $0xFFFFFFE0, v4  }
0x2f: {  	v3 =	vor.u32 v3, v4  }
0x30: {  	v4 =	vperm.xlane v3, v0;
	_ =	sdelay $0x1  }
0x31: {  	v4 =	vadd.s32 v1, v4;
	_ =	sdelay $0x1  }
0x32: {  	v3 =	vperm.xlane v3, v2;
	_ =	sdelay $0x1  }
0x33: {  	s21 =	simm.s32 $0xA080;
	v3 =	vadd.s32 v1, v3  }
0x34: {  	[tilespmem:s21], [sflag:$0x3] =	stream.indirect_vreg.gather [hbm4b:s1+s4], $0x80, v4, vm0, $0xb8;
	[tilespmem:$0x10500] =	vst v63  }
0x35: {  	s16 =	simm.s32 $0xA880  }
0x36: {  	[tilespmem:s16], [sflag:$0x3] =	stream.indirect_vreg.gather [hbm4b:s8+s4], $0x80, v4, vm0, $0xb8;
	[tilespmem:$0x10500] =	vst v63  }
0x37: {  	s17 =	simm.s32 $0xB080  }
0x38: {  	[tilespmem:s17], [sflag:$0x3] =	stream.indirect_vreg.gather [hbm4b:s1+s4], $0x80, v3, vm0, $0xb8;
	[tilespmem:$0x10500] =	vst v63  }
0x39: {  	s18 =	simm.s32 $0xB880  }
0x3a: {  	[tilespmem:s18], [sflag:$0x3] =	stream.indirect_vreg.gather [hbm4b:s8+s4], $0x80, v3, vm0, $0xb8;
	[tilespmem:$0x10500] =	vst v63  }
0x3b: {  	v3 =	vld [tilespmem:$0x20];
	_ =	sdelay $0x4  }
0x3c: {  	v4 =	vshll.u32 v3, $0x2  }
0x3d: {  	v3 =	vand.u32 $0x7, v3;
	v4 =	vand.u32 $0xFFFFFFE0, v4  }
0x3e: {  	v3 =	vor.u32 v3, v4  }
0x3f: {  	v4 =	vperm.xlane v3, v0;
	_ =	sdelay $0x1  }
0x40: {  	v4 =	vadd.s32 v1, v4;
	_ =	sdelay $0x1  }
0x41: {  	v3 =	vperm.xlane v3, v2;
	_ =	sdelay $0x1  }
0x42: {  	v3 =	vadd.s32 v1, v3  }
0x43: {  	[tilespmem:s22], [sflag:$0x4] =	stream.indirect_vreg.gather [hbm4b:s1+s4], $0x80, v4, vm0, $0xb8;
	[tilespmem:$0x10500] =	vst v63  }
0x44: {  	_ = 	snop  }
0x45: {  	[tilespmem:s23], [sflag:$0x4] =	stream.indirect_vreg.gather [hbm4b:s8+s4], $0x80, v4, vm0, $0xb8;
	[tilespmem:$0x10500] =	vst v63  }
0x46: {  	_ = 	snop  }
0x47: {  	[tilespmem:s24], [sflag:$0x4] =	stream.indirect_vreg.gather [hbm4b:s1+s4], $0x80, v3, vm0, $0xb8;
	[tilespmem:$0x10500] =	vst v63  }
0x48: {  	_ = 	snop  }
0x49: {  	[tilespmem:s25], [sflag:$0x4] =	stream.indirect_vreg.gather [hbm4b:s8+s4], $0x80, v3, vm0, $0xb8;
	[tilespmem:$0x10500] =	vst v63  }
0x4a: {  	v3 =	vld [tilespmem:$0x30];
	_ =	sdelay $0x4  }
0x4b: {  	v4 =	vshll.u32 v3, $0x2  }
0x4c: {  	v3 =	vand.u32 $0x7, v3;
	v4 =	vand.u32 $0xFFFFFFE0, v4  }
0x4d: {  	v3 =	vor.u32 v3, v4  }
0x4e: {  	v4 =	vperm.xlane v3, v0;
	_ =	sdelay $0x1  }
0x4f: {  	v4 =	vadd.s32 v1, v4;
	_ =	sdelay $0x1  }
0x50: {  	v3 =	vperm.xlane v3, v2;
	_ =	sdelay $0x1  }
0x51: {  	v3 =	vadd.s32 v1, v3  }
0x52: {  	[tilespmem:s26], [sflag:$0x4] =	stream.indirect_vreg.gather [hbm4b:s1+s4], $0x80, v4, vm0, $0xb8;
	[tilespmem:$0x10500] =	vst v63  }
0x53: {  	_ = 	snop  }
0x54: {  	[tilespmem:s28], [sflag:$0x4] =	stream.indirect_vreg.gather [hbm4b:s8+s4], $0x80, v4, vm0, $0xb8;
	[tilespmem:$0x10500] =	vst v63  }
0x55: {  	_ = 	snop  }
0x56: {  	[tilespmem:s29], [sflag:$0x4] =	stream.indirect_vreg.gather [hbm4b:s1+s4], $0x80, v3, vm0, $0xb8;
	[tilespmem:$0x10500] =	vst v63  }
0x57: {  	_ = 	snop  }
0x58: {  	[tilespmem:s30], [sflag:$0x4] =	stream.indirect_vreg.gather [hbm4b:s8+s4], $0x80, v3, vm0, $0xb8;
	[tilespmem:$0x10500] =	vst v63  }
0x59: {  	s19 =	rddreg [dreg:$0x3]  }
0x5a: {  	[tilespmem:s31], [sflag:$0x5] =	stream.linear.gather [hbm4b:s19+s4], $0x3E8, $0x38;
	[tilespmem:$0x10500] =	vst v63  }
0x5b: {  	_ =	swait.ge [sflag:s13], $0x3E8  }
0x5c: {  	[sflag:s13] =	ssyncset.done $0x0  }
0x5d: {  	[sflag:s13] =	ssyncadd.s32 $0xFFFFFC18  }
0x5e: {  	_ =	swait.ge [sflag:s0], $0x4000  }
0x5f: {  	[sflag:s0] =	ssyncset.done $0x0  }
0x60: {  	[sflag:s0] =	ssyncadd.s32 $0xFFFFC000  }
0x61: {  	_ =	swait.ge [sflag:s2], $0x4000  }
0x62: {  	s20 =	sand.u32 $0x3000, s4;
	s16 =	sand.u32 $0x380, s4;
	[sflag:s2] =	ssyncset.done $0x0  }
0x63: {  	s15 =	sor.u32 s16, s20;
	[sflag:s2] =	ssyncadd.s32 $0xFFFFC000  }
0x64: {  	v3 =	vld [tilespmem:s15+$0x8080]  }
0x65: {  	v5 =	vld [tilespmem:s15+$0x8090]  }
0x66: {  	v4 =	vld [tilespmem:s15+$0xC90]  }
0x67: {  	v6 =	vld [tilespmem:s15+$0xCF0]  }
0x68: {  	v8 =	vld [tilespmem:s15+$0x8CF0]  }
0x69: {  	v12 =	vld [tilespmem:s15+$0x8CB0]  }
0x6a: {  	v9 =	vld [tilespmem:s15+$0x88D0]  }
0x6b: {  	v13 =	vld [tilespmem:s15+$0x8F0]  }
0x6c: {  	v15 =	vld [tilespmem:s15+$0x88F0]  }
0x6d: {  	v16 =	vld [tilespmem:s15+$0xCC0]  }
0x6e: {  	v17 =	vld [tilespmem:s15+$0x8CC0]  }
0x6f: {  	v21 =	vld [tilespmem:s15+$0x8E0]  }
0x70: {  	v7 =	vld [tilespmem:s4+$0x0]  }
0x71: {  	v23 =	vld [tilespmem:s15+$0x8A0]  }
0x72: {  	v25 =	vld [tilespmem:s15+$0x80E0]  }
0x73: {  	v18 =	vld [tilespmem:s15+$0x8C80]  }
0x74: {  	v26 =	vld [tilespmem:s15+$0x4C0]  }
0x75: {  	v20 =	vld [tilespmem:s15+$0x8490];
	(v2sf) =	vpush v7, $0x0  }
0x76: {  	v24 =	vld [tilespmem:s15+$0x4D0]  }
0x77: {  	v28 =	vld [tilespmem:s15+$0x84C0]  }
0x78: {  	v27 =	vld [tilespmem:s15+$0x88A0]  }
0x79: {  	v29 =	vld [tilespmem:s15+$0x84A0]  }
0x7a: {  	v30 =	vld [tilespmem:s15+$0x8C0]  }
0x7b: {  	v11 =	vld [tilespmem:s15+$0x8B0]  }
0x7c: {  	v19 =	vld [tilespmem:s15+$0x8C90]  }
0x7d: {  	v31 =	vld [tilespmem:s15+$0x88C0]  }
0x7e: {  	v33 =	vld [tilespmem:s15+$0x88B0]  }
0x7f: {  	v37 =	vld [tilespmem:s15+$0x84E0]  }
0x80: {  	v22 =	vld [tilespmem:s15+$0xD0]  }
0x81: {  	v39 =	vld [tilespmem:s15+$0x8890]  }
0x82: {  	v36 =	vld [tilespmem:s15+$0x84B0]  }
0x83: {  	v32 =	vld [tilespmem:s15+$0x80D0]  }
0x84: {  	v35 =	vld [tilespmem:s15+$0x88E0];
	s21 =	spop (v2sf)  }
0x85: {  	v7 =	vld.msk [tilespmem:s21+$0x10080 ss:$0x0], $0xffff  }
0x86: {  	v14 =	vld [tilespmem:s15+$0x80A0]  }
0x87: {  	v38 =	vld [tilespmem:s15+$0x84F0]  }
0x88: {  	v34 =	vld [tilespmem:s15+$0x90]  }
0x89: {  	v40 =	vld [tilespmem:s15+$0xA0]  }
0x8a: {  	v41 =	vld [tilespmem:s15+$0x80];
	v5 =	vmul.f32 v5, v7;
	v8 =	vmul.f32 v8, v7  }
0x8b: {  	v44 =	vld [tilespmem:s15+$0x8480];
	v42 =	vmul.f32 v14, v7;
	v12 =	vmul.f32 v12, v7  }
0x8c: {  	v45 =	vld [tilespmem:s15+$0x80F0];
	v32 =	vmul.f32 v32, v7;
	v3 =	vmul.f32 v3, v7  }
0x8d: {  	v60 =	vld [tilespmem:s15+$0x84D0];
	v15 =	vmul.f32 v15, v7;
	v17 =	vmul.f32 v17, v7  }
0x8e: {  	v61 =	vld [tilespmem:s15+$0x80B0];
	v19 =	vmul.f32 v19, v7;
	v63 =	vmul.f32 v31, v7  }
0x8f: {  	v62 =	vld [tilespmem:s15+$0xC0];
	v50 =	vmul.f32 v35, v7;
	v38 =	vmul.f32 v38, v7  }
0x90: {  	v10 =	vimm.f32 $0.0e+00;
	v47 =	vld [tilespmem:s15+$0x480];
	v51 =	vmul.f32 v27, v7;
	v28 =	vmul.f32 v28, v7  }
0x91: {  	v46 =	vld [tilespmem:s15+$0xB0];
	v31 =	vmul.f32 v20, v7;
	v49 =	vmul.f32 v39, v7;
	v34 =	vsub.f32 v34, v5  }
0x92: {  	v48 =	vld [tilespmem:s15+$0x4F0];
	v39 =	vmul.f32 v37, v7;
	v5 =	vsub.f32 v6, v8;
	v8 =	vsub.f32 v40, v42  }
0x93: {  	v6 =	vld [tilespmem:s15+$0x80C0];
	v32 =	vsub.f32 v22, v32;
	v3 =	vsub.f32 v41, v3;
	v22 =	vmul.f32 v18, v7  }
0x94: {  	v14 =	vld [tilespmem:s15+$0x4E0];
	v43 =	vsub.f32 v16, v17;
	v40 =	vmul.f32 v60, v7;
	v41 =	vmul.f32 v61, v7  }
0x95: {  	v27 =	vld [tilespmem:s15+$0x490];
	v30 =	vsub.f32 v30, v63;
	v23 =	vsub.f32 v23, v51;
	v51 =	vmul.f32 v29, v7  }
0x96: {  	v35 =	vld [tilespmem:s15+$0xE0];
	v15 =	vsub.f32 v13, v15;
	v34 =	vmul.f32 v34, v34;
	v8 =	vmul.f32 v8, v8  }
0x97: {  	v18 =	vld [tilespmem:s15+$0xF0];
	v32 =	vmul.f32 v32, v32;
	v3 =	vmul.f32 v3, v3;
	v40 =	vsub.f32 v24, v40  }
0x98: {  	v42 =	vld [tilespmem:s15+$0x8880];
	v13 =	vmul.f32 v30, v30;
	v30 =	vsub.f32 v46, v41;
	v6 =	vmul.f32 v6, v7  }
0x99: {  	v46 =	vld [tilespmem:s15+$0xC80];
	v34 =	vadd.f32 v34, v10;
	v16 =	vadd.f32 v8, v10;
	v8 =	vmul.f32 v43, v43  }
0x9a: {  	v43 =	vmul.f32 v36, v7;
	v36 =	vmul.f32 v45, v7;
	v45 =	vld [tilespmem:s15+$0x890];
	v6 =	vsub.f32 v62, v6  }
0x9b: {  	v24 =	vmul.f32 v33, v7;
	v33 =	vsub.f32 v26, v28;
	v17 =	vadd.f32 v32, v34;
	v34 =	vld [tilespmem:s15+$0x4B0]  }
0x9c: {  	v26 =	vmul.f32 v44, v7;
	v3 =	vadd.f32 v3, v10;
	v32 =	vld [tilespmem:s15+$0x4A0];
	v6 =	vmul.f32 v6, v6  }
0x9d: {  	v41 =	vmul.f32 v25, v7;
	v44 =	vld [tilespmem:s15+$0x8D0];
	v25 =	vsub.f32 v21, v50;
	v21 =	vmul.f32 v23, v23  }
0x9e: {  	s16 =	simm.s32 $0x80;
	s17 =	simm.s32 $0x1;
	s18 =	simm.s32 $0x200;
	v20 =	vmul.f32 v40, v40;
	v50 =	vsub.f32 v47, v26;
	v47 =	vld [tilespmem:s15+$0x880];
	v40 =	vadd.f32 v6, v3  }
.LBB2_2:
0x9f: {  	s19 =	smov.u32 s18  }
0xa0: {  	s20 =	sand.u32 $0x3000, s18;
	s21 =	sand.u32 $0x380, s16;
	v6 =	vsub.f32 v34, v43;
	v23 =	vsub.f32 v48, v38;
	v26 =	vmul.f32 v42, v7;
	s19 =	sadd.s32 $0x200, s18  }
0xa1: {  	p0 =	sne.s32 s18, $0x3E00;
	v28 =	vsub.f32 v32, v51;
	v9 =	vmul.f32 v9, v7;
	s20 =	sor.u32 s21, s20;
	v29 =	vsub.f32 v45, v49;
	v32 =	vld [tilespmem:s15+$0x8CA0]  }
0xa2: {  	v34 =	vmul.f32 v50, v50;
	v23 =	vmul.f32 v23, v23;
	v37 =	vsub.f32 v46, v22;
	v3 =	vld [tilespmem:s20+$0x8080]  }
0xa3: {  	v35 =	vsub.f32 v35, v41;
	v29 =	vmul.f32 v29, v29;
	v9 =	vsub.f32 v44, v9;
	v22 =	vld [tilespmem:s20+$0x8090]  }
0xa4: {  	v33 =	vmul.f32 v33, v33;
	v28 =	vmul.f32 v28, v28;
	v26 =	vsub.f32 v47, v26;
	v38 =	vld [tilespmem:s20+$0xC90]  }
0xa5: {  	v18 =	vsub.f32 v18, v36;
	v4 =	vsub.f32 v4, v19;
	v36 =	vmul.f32 v9, v9;
	v9 =	vld [tilespmem:s15+$0xCB0]  }
0xa6: {  	v19 =	vsub.f32 v27, v31;
	v14 =	vsub.f32 v14, v39;
	v26 =	vmul.f32 v26, v26  }
0xa7: {  	v11 =	vsub.f32 v11, v24;
	v24 =	vmul.f32 v4, v4;
	v27 =	vadd.f32 v34, v40;
	v31 =	vld [tilespmem:s15+$0xCE0]  }
0xa8: {  	v19 =	vmul.f32 v19, v19;
	v32 =	vmul.f32 v32, v7;
	v34 =	vld [tilespmem:s15+$0x8CD0]  }
0xa9: {  	v30 =	vmul.f32 v30, v30;
	v35 =	vmul.f32 v35, v35;
	v27 =	vadd.f32 v33, v27;
	v33 =	vld [tilespmem:s15+$0xCA0];
	v4 =	vmovc v38  }
0xaa: {  	v17 =	vadd.f32 v19, v17;
	v19 =	vmul.f32 v25, v25;
	v12 =	vsub.f32 v9, v12;
	v25 =	vld [tilespmem:s15+$0x8CE0]  }
0xab: {  	v9 =	vadd.f32 v30, v10;
	v10 =	vadd.f32 v35, v16;
	v16 =	vmul.f32 v37, v37;
	v30 =	vld [tilespmem:s15+$0xCD0];
	s15 =	smov.u32 s20  }
0xac: {  	v18 =	vmul.f32 v18, v18;
	v11 =	vmul.f32 v11, v11;
	v17 =	vadd.f32 v20, v17;
	v35 =	vld [tilespmem:s15+$0xCF0]  }
0xad: {  	v6 =	vmul.f32 v6, v6;
	v14 =	vmul.f32 v14, v14;
	v10 =	vadd.f32 v28, v10;
	v20 =	vld [tilespmem:s15+$0x8CF0]  }
0xae: {  	v18 =	vadd.f32 v18, v9;
	v28 =	vld [tilespmem:s15+$0x8CB0];
	v32 =	vsub.f32 v33, v32;
	v33 =	vmul.f32 v34, v7  }
0xaf: {  	v10 =	vadd.f32 v14, v10;
	v14 =	vadd.f32 v29, v17;
	v17 =	vmul.f32 v15, v15;
	v9 =	vld [tilespmem:s15+$0x88D0]  }
0xb0: {  	v6 =	vadd.f32 v6, v18;
	v15 =	vld [tilespmem:s15+$0x8F0];
	v18 =	vmul.f32 v32, v32;
	v29 =	vsub.f32 v30, v33  }
0xb1: {  	v7 =	vmul.f32 v25, v7;
	v10 =	vadd.f32 v21, v10;
	v14 =	vadd.f32 v36, v14;
	v30 =	vld [tilespmem:s15+$0x88F0]  }
0xb2: {  	v12 =	vmul.f32 v12, v12;
	v21 =	vadd.f32 v23, v6;
	v23 =	vadd.f32 v26, v27;
	v25 =	vld [tilespmem:s15+$0xCC0]  }
0xb3: {  	v10 =	vadd.f32 v19, v10;
	v14 =	vadd.f32 v24, v14;
	v19 =	vmul.f32 v29, v29;
	v26 =	vld [tilespmem:s15+$0x8CC0]  }
0xb4: {  	v7 =	vsub.f32 v31, v7;
	v11 =	vadd.f32 v11, v21;
	v6 =	vld [tilespmem:s15+$0x8E0]  }
0xb5: {  	v10 =	vadd.f32 v18, v10;
	v18 =	vadd.f32 v19, v14;
	v24 =	vld [tilespmem:s17+$0x0]  }
0xb6: {  	v13 =	vadd.f32 v13, v23;
	v7 =	vmul.f32 v7, v7;
	v11 =	vadd.f32 v17, v11;
	v21 =	vld [tilespmem:s15+$0x8A0]  }
0xb7: {  	v23 =	vld [tilespmem:s15+$0x80E0]  }
0xb8: {  	v5 =	vmul.f32 v5, v5;
	v11 =	vadd.f32 v12, v11;
	v19 =	vadd.f32 v7, v10;
	v17 =	vld [tilespmem:s15+$0x8C80]  }
0xb9: {  	v7 =	vadd.f32 v16, v13;
	v29 =	vld [tilespmem:s15+$0x4C0]  }
0xba: {  	v10 =	vadd.f32 v5, v11;
	v13 =	vld [tilespmem:s15+$0x8490];
	(v2sf) =	vpush v24, $0x0  }
0xbb: {  	v27 =	vadd.f32 v8, v7;
	v24 =	vld [tilespmem:s15+$0x4D0]  }
0xbc: {  	v31 =	vld [tilespmem:s15+$0x84C0]  }
0xbd: {  	v33 =	vld [tilespmem:s15+$0x88A0]  }
0xbe: {  	v37 =	vld [tilespmem:s15+$0x84A0]  }
0xbf: {  	v36 =	vld [tilespmem:s15+$0x8C0]  }
0xc0: {  	v11 =	vld [tilespmem:s15+$0x8B0]  }
0xc1: {  	v8 =	vld [tilespmem:s15+$0x8C90]  }
0xc2: {  	v34 =	vld [tilespmem:s15+$0x88C0]  }
0xc3: {  	v39 =	vld [tilespmem:s15+$0x88B0]  }
0xc4: {  	v40 =	vld [tilespmem:s15+$0x84E0]  }
0xc5: {  	v16 =	vld [tilespmem:s15+$0xD0]  }
0xc6: {  	v44 =	vld [tilespmem:s15+$0x8890]  }
0xc7: {  	v41 =	vld [tilespmem:s15+$0x84B0]  }
0xc8: {  	v5 =	vld [tilespmem:s15+$0x80D0]  }
0xc9: {  	v38 =	vld [tilespmem:s15+$0x88E0];
	s18 =	spop (v2sf)  }
0xca: {  	v7 =	vld.msk [tilespmem:s18+$0x10080 ss:$0x0], $0xffff  }
0xcb: {  	v12 =	vld [tilespmem:s15+$0x80A0]  }
0xcc: {  	v42 =	vld [tilespmem:s15+$0x84F0]  }
0xcd: {  	v14 =	vld [tilespmem:s15+$0x90]  }
0xce: {  	v32 =	vld [tilespmem:s15+$0xA0]  }
0xcf: {  	v43 =	vld [tilespmem:s15+$0x80]  }
0xd0: {  	v22 =	vmul.f32 v22, v7;
	v20 =	vmul.f32 v20, v7;
	v46 =	vld [tilespmem:s15+$0x8480]  }
0xd1: {  	v45 =	vmul.f32 v12, v7;
	v12 =	vmul.f32 v28, v7;
	v47 =	vld [tilespmem:s15+$0x80F0]  }
0xd2: {  	v28 =	vmul.f32 v5, v7;
	v5 =	vsub.f32 v35, v20;
	v22 =	vsub.f32 v14, v22;
	v14 =	vld [tilespmem:s15+$0x4E0]  }
0xd3: {  	v3 =	vmul.f32 v3, v7;
	v30 =	vmul.f32 v30, v7;
	v20 =	vsub.f32 v32, v45;
	v32 =	vld [tilespmem:s15+$0x80C0]  }
0xd4: {  	v26 =	vmul.f32 v26, v7;
	v16 =	vsub.f32 v16, v28;
	v35 =	vmul.f32 v22, v22;
	v28 =	vld [tilespmem:s15+$0x84D0]  }
0xd5: {  	v3 =	vsub.f32 v43, v3;
	v22 =	vmul.f32 v17, v7;
	v43 =	vld [tilespmem:s15+$0x80B0];
	v20 =	vmul.f32 v20, v20  }
0xd6: {  	v25 =	vsub.f32 v25, v26;
	v45 =	vmul.f32 v16, v16;
	v17 =	vadd.f32 v35, v18;
	v35 =	vld [tilespmem:s15+$0xC0]  }
0xd7: {  	v3 =	vmul.f32 v3, v3;
	v16 =	vadd.f32 v20, v19;
	v18 =	vld [tilespmem:s15+$0xF0];
	v19 =	vmul.f32 v8, v7  }
0xd8: {  	v8 =	vmul.f32 v25, v25;
	v20 =	vmul.f32 v32, v7;
	v17 =	vadd.f32 v45, v17;
	v26 =	vld [tilespmem:s15+$0x480]  }
0xd9: {  	v3 =	vadd.f32 v3, v27;
	v32 =	vld [tilespmem:s15+$0x4A0];
	v25 =	vmul.f32 v28, v7;
	v28 =	vmul.f32 v34, v7  }
0xda: {  	v50 =	vmul.f32 v38, v7;
	v45 =	vmul.f32 v43, v7;
	v34 =	vld [tilespmem:s15+$0x4B0]  }
0xdb: {  	v52 =	vmul.f32 v33, v7;
	v38 =	vmul.f32 v42, v7;
	v49 =	vld [tilespmem:s15+$0xB0];
	v51 =	vsub.f32 v35, v20  }
0xdc: {  	v20 =	vmul.f32 v31, v7;
	v25 =	vsub.f32 v24, v25;
	v24 =	vmul.f32 v39, v7;
	v27 =	vld [tilespmem:s15+$0x490]  }
0xdd: {  	v15 =	vsub.f32 v15, v30;
	v31 =	vmul.f32 v13, v7;
	v13 =	vsub.f32 v36, v28;
	v35 =	vld [tilespmem:s15+$0xE0]  }
0xde: {  	v43 =	vmul.f32 v41, v7;
	v33 =	vsub.f32 v29, v20;
	v20 =	vmul.f32 v25, v25;
	v42 =	vld [tilespmem:s15+$0x8880]  }
.Ltmp0:
0xdf: {  	v36 =	vmul.f32 v47, v7;
	v13 =	vmul.f32 v13, v13;
	v48 =	vld [tilespmem:s15+$0x4F0];
	(pc) =	sbr.rel @p0 .LBB2_2-.Ltmp0, $4  }
0xe0: {  	v41 =	vmul.f32 v23, v7;
	v30 =	vsub.f32 v49, v45;
	v45 =	vld [tilespmem:s15+$0x890];
	v49 =	vmul.f32 v44, v7  }
0xe1: {  	v21 =	vsub.f32 v21, v52;
	v28 =	vmul.f32 v46, v7;
	v23 =	vmul.f32 v51, v51;
	v46 =	vld [tilespmem:s15+$0xC80]  }
0xe2: {  	v39 =	vmul.f32 v40, v7;
	v51 =	vmul.f32 v37, v7;
	v25 =	vsub.f32 v6, v50;
	v44 =	vld [tilespmem:s15+$0x8D0]  }
0xe3: {  	s16 =	sadd.s32 $0x80, s16;
	s17 =	sadd.s32 $0x1, s17;
	s18 =	smov.u32 s19;
	v21 =	vmul.f32 v21, v21;
	v50 =	vsub.f32 v26, v28;
	v40 =	vadd.f32 v23, v3;
	v47 =	vld [tilespmem:s15+$0x880]  }
0xe4: {  	v52 =	vld [tilespmem:s15+$0x8CA0]  }
0xe5: {  	v53 =	vld [tilespmem:s15+$0xCB0]  }
0xe6: {  	v54 =	vld [tilespmem:s15+$0xCE0]  }
0xe7: {  	v55 =	vld [tilespmem:s15+$0x8CD0]  }
0xe8: {  	v56 =	vld [tilespmem:s15+$0xCA0]  }
0xe9: {  	v57 =	vld [tilespmem:s15+$0x8CE0]  }
0xea: {  	v58 =	vld [tilespmem:s15+$0xCD0];
	_ =	swait.ge [sflag:s3], $0x4000  }
0xeb: {  	[sflag:s3] =	ssyncset.done $0x0  }
0xec: {  	[sflag:s3] =	ssyncadd.s32 $0xFFFFC000  }
0xed: {  	s19 =	simm.s32 $0x0;
	_ =	swait.ge [sflag:s11], $0x4000  }
0xee: {  	s16 =	sand.u32 $0x3000, s19;
	s15 =	sand.u32 $0x380, s19;
	[sflag:s11] =	ssyncset.done $0x0  }
0xef: {  	s15 =	sor.u32 s15, s16;
	[sflag:s11] =	ssyncadd.s32 $0xFFFFC000  }
0xf0: {  	v59 =	vld [tilespmem:s15+$0xC080]  }
0xf1: {  	v60 =	vld [tilespmem:s15+$0xC090]  }
0xf2: {  	v3 =	vld [tilespmem:s15+$0x4C90]  }
0xf3: {  	v61 =	vld [tilespmem:s15+$0x4CF0]  }
0xf4: {  	v62 =	vld [tilespmem:s15+$0xCCF0]  }
0xf5: {  	v63 =	vld [tilespmem:s15+$0xCCB0]  }
0xf6: {  	v6 =	vld [tilespmem:s15+$0xC8D0]  }
0xf7: {  	v29 =	vld [tilespmem:s15+$0x48F0]  }
0xf8: {  	v0 =	vld [tilespmem:s15+$0xC8F0]  }
0xf9: {  	v37 =	vld [tilespmem:s15+$0x4CC0]  }
0xfa: {  	s20 =	simm.s32 $0x20;
	v2 =	vld [tilespmem:s15+$0xCCC0]  }
0xfb: {  	v1 =	vld [tilespmem:s20+$0x0]  }
0xfc: {  	v23 =	vld [tilespmem:s15+$0x48E0]  }
0xfd: {  	v43 =	vsub.f32 v34, v43;
	v26 =	vld [tilespmem:s15+$0x48A0]  }
0xfe: {  	v38 =	vsub.f32 v48, v38;
	v51 =	vsub.f32 v32, v51;
	v9 =	vmul.f32 v9, v7;
	v28 =	vld [tilespmem:s15+$0xC0E0]  }
0xff: {  	v18 =	vsub.f32 v18, v36;
	v4 =	vsub.f32 v4, v19;
	v19 =	vmul.f32 v33, v33;
	v48 =	vld [tilespmem:s15+$0xCC80]  }
0x100: {  	v46 =	vsub.f32 v46, v22;
	v22 =	vmul.f32 v42, v7;
	v32 =	vld [tilespmem:s15+$0x44C0];
	(v2sf) =	vpush v1, $0x0  }
0x101: {  	v14 =	vsub.f32 v14, v39;
	v11 =	vsub.f32 v11, v24;
	v24 =	vmul.f32 v30, v30;
	v34 =	vld [tilespmem:s15+$0xC490]  }
0x102: {  	v25 =	vmul.f32 v25, v25;
	v42 =	vsub.f32 v47, v22;
	v22 =	vsub.f32 v27, v31;
	v27 =	vld [tilespmem:s15+$0xC4C0]  }
0x103: {  	v45 =	vsub.f32 v45, v49;
	v10 =	vadd.f32 v24, v10;
	v18 =	vmul.f32 v18, v18;
	v31 =	vld [tilespmem:s15+$0xC8A0]  }
0x104: {  	v49 =	vsub.f32 v44, v9;
	v9 =	vmul.f32 v50, v50;
	v50 =	vmul.f32 v22, v22;
	v22 =	vld [tilespmem:s15+$0xC4A0]  }
0x105: {  	v15 =	vmul.f32 v15, v15;
	v30 =	vmul.f32 v51, v51;
	v39 =	vld [tilespmem:s15+$0x48C0];
	v1 =	vsub.f32 v35, v41  }
0x106: {  	v14 =	vmul.f32 v14, v14;
	v10 =	vadd.f32 v18, v10;
	v9 =	vadd.f32 v9, v40;
	v24 =	vld [tilespmem:s15+$0xC8C0]  }
0x107: {  	v12 =	vsub.f32 v53, v12;
	v44 =	vld [tilespmem:s15+$0xC4E0];
	v17 =	vadd.f32 v50, v17;
	v1 =	vmul.f32 v1, v1  }
0x108: {  	v53 =	vmul.f32 v43, v43;
	v47 =	vmul.f32 v42, v42;
	v51 =	vld [tilespmem:s15+$0xC8E0];
	v19 =	vadd.f32 v19, v9  }
0x109: {  	v33 =	vld [tilespmem:s15+$0x44B0];
	v17 =	vadd.f32 v20, v17;
	v20 =	vmul.f32 v52, v7;
	v1 =	vadd.f32 v1, v16  }
0x10a: {  	v40 =	vld [tilespmem:s15+$0x44F0];
	v10 =	vadd.f32 v53, v10;
	v52 =	vmul.f32 v45, v45;
	v45 =	vmul.f32 v38, v38  }
0x10b: {  	v11 =	vmul.f32 v11, v11;
	v9 =	vld [tilespmem:s15+$0x48B0];
	v19 =	vadd.f32 v47, v19;
	v1 =	vadd.f32 v30, v1  }
0x10c: {  	v12 =	vmul.f32 v12, v12;
	v53 =	vld [tilespmem:s15+$0xC0F0];
	v50 =	vmul.f32 v4, v4;
	v10 =	vadd.f32 v45, v10  }
0x10d: {  	v38 =	vld [tilespmem:s15+$0xC480];
	v13 =	vadd.f32 v13, v19;
	v19 =	vmul.f32 v46, v46;
	v1 =	vadd.f32 v14, v1  }
0x10e: {  	v35 =	vld [tilespmem:s15+$0x44D0];
	v18 =	vsub.f32 v56, v20;
	v20 =	vmul.f32 v55, v7;
	v10 =	vadd.f32 v11, v10  }
0x10f: {  	v41 =	vld [tilespmem:s15+$0xC890];
	v17 =	vadd.f32 v52, v17;
	v7 =	vmul.f32 v57, v7;
	v1 =	vadd.f32 v21, v1;
	s21 =	spop (v2sf)  }
0x110: {  	v56 =	vmul.f32 v49, v49;
	v20 =	vsub.f32 v58, v20;
	v10 =	vadd.f32 v15, v10;
	v4 =	vld.msk [tilespmem:s21+$0x10080 ss:$0x0], $0xffff  }
0x111: {  	v11 =	vld [tilespmem:s15+$0xC0A0];
	v7 =	vsub.f32 v54, v7;
	v18 =	vmul.f32 v18, v18;
	v1 =	vadd.f32 v25, v1  }
0x112: {  	v49 =	vld [tilespmem:s15+$0xC0D0];
	v17 =	vadd.f32 v56, v17;
	v10 =	vadd.f32 v12, v10  }
0x113: {  	v56 =	vld [tilespmem:s15+$0xC0B0];
	v7 =	vmul.f32 v7, v7;
	v12 =	vadd.f32 v19, v13;
	v1 =	vadd.f32 v18, v1  }
0x114: {  	v5 =	vmul.f32 v5, v5;
	v17 =	vadd.f32 v50, v17;
	v20 =	vmul.f32 v20, v20;
	v25 =	vld [tilespmem:s15+$0xC4F0]  }
0x115: {  	v55 =	vld [tilespmem:s15+$0xC4D0];
	v52 =	vadd.f32 v8, v12;
	v1 =	vadd.f32 v7, v1;
	v19 =	vmul.f32 v60, v4  }
0x116: {  	v21 =	vld [tilespmem:s15+$0xC4B0];
	v7 =	vadd.f32 v5, v10;
	v5 =	vmul.f32 v62, v4;
	v8 =	vmul.f32 v11, v4  }
0x117: {  	v54 =	vld [tilespmem:s15+$0xC0C0];
	v10 =	vmul.f32 v63, v4;
	v0 =	vmul.f32 v0, v4  }
0x118: {  	v15 =	vld [tilespmem:s15+$0x4090];
	v17 =	vadd.f32 v20, v17;
	v2 =	vmul.f32 v2, v4;
	v20 =	vmul.f32 v48, v4  }
0x119: {  	v18 =	vld [tilespmem:s15+$0x40A0];
	v60 =	vmul.f32 v56, v4;
	v36 =	vmul.f32 v25, v4  }
0x11a: {  	v13 =	vld [tilespmem:s15+$0x4080];
	v63 =	vmul.f32 v31, v4;
	v31 =	vmul.f32 v27, v4  }
0x11b: {  	v14 =	vld [tilespmem:s15+$0x40D0];
	v27 =	vmul.f32 v34, v4;
	v34 =	vmul.f32 v21, v4  }
0x11c: {  	v58 =	vld [tilespmem:s15+$0x4480];
	v28 =	vmul.f32 v28, v4;
	v42 =	vmul.f32 v41, v4  }
0x11d: {  	v16 =	vld [tilespmem:s15+$0xCC90];
	v43 =	vmul.f32 v22, v4;
	v11 =	vsub.f32 v15, v19;
	v15 =	vmul.f32 v49, v4  }
0x11e: {  	v30 =	vld [tilespmem:s15+$0xC8B0];
	v5 =	vsub.f32 v61, v5;
	v19 =	vmul.f32 v59, v4;
	v8 =	vsub.f32 v18, v8  }
0x11f: {  	v12 =	vld [tilespmem:s15+$0x44E0];
	v2 =	vsub.f32 v37, v2;
	v31 =	vsub.f32 v32, v31;
	v11 =	vmul.f32 v11, v11  }
0x120: {  	v62 =	vld [tilespmem:s15+$0x40B0];
	v61 =	vmul.f32 v51, v4;
	v14 =	vsub.f32 v14, v15;
	v13 =	vsub.f32 v13, v19  }
0x121: {  	v32 =	vmul.f32 v53, v4;
	v8 =	vmul.f32 v8, v8;
	v11 =	vadd.f32 v11, v17;
	v17 =	vld [tilespmem:s15+$0x40C0]  }
0x122: {  	v25 =	vld [tilespmem:s15+$0x4490];
	v14 =	vmul.f32 v14, v14;
	v57 =	vmul.f32 v13, v13  }
0x123: {  	v41 =	vld [tilespmem:s15+$0x4880];
	v13 =	vadd.f32 v8, v1;
	v8 =	vmul.f32 v2, v2;
	v2 =	vmul.f32 v55, v4  }
0x124: {  	v18 =	vld [tilespmem:s15+$0x40F0];
	v19 =	vmul.f32 v16, v4;
	v22 =	vsub.f32 v23, v61;
	v1 =	vmul.f32 v54, v4  }
0x125: {  	v37 =	vld [tilespmem:s15+$0x48D0];
	v15 =	vadd.f32 v14, v11;
	v11 =	vmul.f32 v24, v4;
	v2 =	vsub.f32 v35, v2  }
0x126: {  	v16 =	vld [tilespmem:s15+$0x44A0];
	v59 =	vadd.f32 v57, v52;
	v24 =	vmul.f32 v30, v4;
	v1 =	vsub.f32 v17, v1  }
0x127: {  	v14 =	vsub.f32 v29, v0;
	v35 =	vld [tilespmem:s15+$0xC880];
	v11 =	vsub.f32 v39, v11;
	v17 =	vmul.f32 v2, v2  }
0x128: {  	v39 =	vld [tilespmem:s15+$0x4890];
	v2 =	vsub.f32 v26, v63;
	v0 =	vmul.f32 v1, v1;
	v1 =	vmul.f32 v38, v4  }
0x129: {  	v29 =	vsub.f32 v62, v60;
	v26 =	vmul.f32 v44, v4;
	v11 =	vmul.f32 v11, v11;
	v38 =	vld [tilespmem:s15+$0x4C80]  }
0x12a: {  	s17 =	simm.s32 $0x21;
	s19 =	simm.s32 $0x200;
	s16 =	simm.s32 $0x80;
	v30 =	vld [tilespmem:s15+$0x40E0];
	v21 =	vmul.f32 v2, v2;
	v23 =	vadd.f32 v0, v59;
	v44 =	vsub.f32 v58, v1  }
.LBB2_4:
0x12b: {  	s18 =	smov.u32 s19  }
0x12c: {  	s20 =	sand.u32 $0x3000, s19;
	s21 =	sand.u32 $0x380, s16;
	v0 =	vsub.f32 v33, v34;
	v1 =	vsub.f32 v40, v36;
	v2 =	vmul.f32 v35, v4;
	s18 =	sadd.s32 $0x200, s19  }
0x12d: {  	p0 =	sne.s32 s19, $0x3E00;
	v33 =	vsub.f32 v16, v43;
	v6 =	vmul.f32 v6, v4;
	s20 =	sor.u32 s21, s20;
	v34 =	vsub.f32 v39, v42;
	v35 =	vld [tilespmem:s15+$0xCCA0]  }
0x12e: {  	v36 =	vmul.f32 v44, v44;
	v1 =	vmul.f32 v1, v1;
	v38 =	vsub.f32 v38, v20;
	v16 =	vld [tilespmem:s20+$0xC080]  }
0x12f: {  	v28 =	vsub.f32 v30, v28;
	v30 =	vmul.f32 v34, v34;
	v6 =	vsub.f32 v37, v6;
	v20 =	vld [tilespmem:s20+$0xC090]  }
0x130: {  	v31 =	vmul.f32 v31, v31;
	v33 =	vmul.f32 v33, v33;
	v2 =	vsub.f32 v41, v2;
	v34 =	vld [tilespmem:s20+$0x4C90]  }
0x131: {  	v18 =	vsub.f32 v18, v32;
	v3 =	vsub.f32 v3, v19;
	v32 =	vmul.f32 v6, v6;
	v6 =	vld [tilespmem:s15+$0x4CB0]  }
0x132: {  	v19 =	vsub.f32 v25, v27;
	v12 =	vsub.f32 v12, v26;
	v2 =	vmul.f32 v2, v2  }
0x133: {  	v9 =	vsub.f32 v9, v24;
	v24 =	vmul.f32 v3, v3;
	v23 =	vadd.f32 v36, v23;
	v25 =	vld [tilespmem:s15+$0x4CE0]  }
0x134: {  	v19 =	vmul.f32 v19, v19;
	v26 =	vmul.f32 v35, v4;
	v27 =	vld [tilespmem:s15+$0xCCD0]  }
0x135: {  	v29 =	vmul.f32 v29, v29;
	v28 =	vmul.f32 v28, v28;
	v23 =	vadd.f32 v31, v23;
	v31 =	vld [tilespmem:s15+$0x4CA0];
	v3 =	vmovc v34  }
0x136: {  	v15 =	vadd.f32 v19, v15;
	v19 =	vmul.f32 v22, v22;
	v10 =	vsub.f32 v6, v10;
	v22 =	vld [tilespmem:s15+$0xCCE0]  }
0x137: {  	v6 =	vadd.f32 v29, v7;
	v7 =	vadd.f32 v28, v13;
	v13 =	vmul.f32 v38, v38;
	v28 =	vld [tilespmem:s15+$0x4CD0];
	s15 =	smov.u32 s20  }
0x138: {  	v18 =	vmul.f32 v18, v18;
	v9 =	vmul.f32 v9, v9;
	v15 =	vadd.f32 v17, v15;
	v29 =	vld [tilespmem:s15+$0x4CF0]  }
0x139: {  	v0 =	vmul.f32 v0, v0;
	v12 =	vmul.f32 v12, v12;
	v7 =	vadd.f32 v33, v7;
	v17 =	vld [tilespmem:s15+$0xCCF0]  }
0x13a: {  	v18 =	vadd.f32 v18, v6;
	v27 =	vmul.f32 v27, v4;
	v33 =	vld [tilespmem:s15+$0xCCB0];
	v26 =	vsub.f32 v31, v26  }
0x13b: {  	v7 =	vadd.f32 v12, v7;
	v12 =	vadd.f32 v30, v15;
	v15 =	vmul.f32 v14, v14;
	v6 =	vld [tilespmem:s15+$0xC8D0]  }
0x13c: {  	v0 =	vadd.f32 v0, v18;
	v14 =	vld [tilespmem:s15+$0x48F0];
	v18 =	vmul.f32 v26, v26;
	v26 =	vsub.f32 v28, v27  }
0x13d: {  	v4 =	vmul.f32 v22, v4;
	v7 =	vadd.f32 v21, v7;
	v12 =	vadd.f32 v32, v12;
	v27 =	vld [tilespmem:s15+$0xC8F0]  }
0x13e: {  	v0 =	vadd.f32 v1, v0;
	v1 =	vadd.f32 v2, v23;
	v2 =	vmul.f32 v10, v10;
	v28 =	vld [tilespmem:s15+$0x4CC0]  }
0x13f: {  	v7 =	vadd.f32 v19, v7;
	v10 =	vadd.f32 v24, v12;
	v12 =	vmul.f32 v26, v26;
	v30 =	vld [tilespmem:s15+$0xCCC0]  }
0x140: {  	v4 =	vsub.f32 v25, v4;
	v0 =	vadd.f32 v9, v0;
	v21 =	vld [tilespmem:s15+$0x48E0]  }
0x141: {  	v7 =	vadd.f32 v18, v7;
	v18 =	vadd.f32 v12, v10;
	v9 =	vld [tilespmem:s17+$0x0]  }
0x142: {  	v1 =	vadd.f32 v11, v1;
	v4 =	vmul.f32 v4, v4;
	v0 =	vadd.f32 v15, v0;
	v22 =	vld [tilespmem:s15+$0x48A0]  }
0x143: {  	v23 =	vld [tilespmem:s15+$0xC0E0]  }
0x144: {  	v0 =	vadd.f32 v2, v0;
	v2 =	vadd.f32 v4, v7;
	v4 =	vmul.f32 v5, v5;
	v11 =	vld [tilespmem:s15+$0xCC80]  }
0x145: {  	v1 =	vadd.f32 v13, v1;
	v26 =	vld [tilespmem:s15+$0x44C0]  }
0x146: {  	v7 =	vadd.f32 v4, v0;
	v31 =	vld [tilespmem:s15+$0xC490];
	(v2sf) =	vpush v9, $0x0  }
0x147: {  	v1 =	vadd.f32 v8, v1;
	v0 =	vld [tilespmem:s15+$0x44D0]  }
0x148: {  	v24 =	vld [tilespmem:s15+$0xC4C0]  }
0x149: {  	v25 =	vld [tilespmem:s15+$0xC8A0]  }
0x14a: {  	v37 =	vld [tilespmem:s15+$0xC4A0]  }
0x14b: {  	v32 =	vld [tilespmem:s15+$0x48C0]  }
0x14c: {  	v9 =	vld [tilespmem:s15+$0x48B0]  }
0x14d: {  	v8 =	vld [tilespmem:s15+$0xCC90]  }
0x14e: {  	v34 =	vld [tilespmem:s15+$0xC8C0]  }
0x14f: {  	v35 =	vld [tilespmem:s15+$0xC8B0]  }
0x150: {  	v41 =	vld [tilespmem:s15+$0xC4E0]  }
0x151: {  	v13 =	vld [tilespmem:s15+$0x40D0]  }
0x152: {  	v38 =	vld [tilespmem:s15+$0xC890]  }
0x153: {  	v39 =	vld [tilespmem:s15+$0xC4B0]  }
0x154: {  	v5 =	vld [tilespmem:s15+$0xC0D0]  }
0x155: {  	v36 =	vld [tilespmem:s15+$0xC8E0];
	s19 =	spop (v2sf)  }
0x156: {  	v4 =	vld.msk [tilespmem:s19+$0x10080 ss:$0x0], $0xffff  }
0x157: {  	v10 =	vld [tilespmem:s15+$0xC0A0]  }
0x158: {  	v40 =	vld [tilespmem:s15+$0xC4F0]  }
0x159: {  	v12 =	vld [tilespmem:s15+$0x4090]  }
0x15a: {  	v15 =	vld [tilespmem:s15+$0x40A0]  }
0x15b: {  	v19 =	vld [tilespmem:s15+$0x4080]  }
0x15c: {  	v20 =	vmul.f32 v20, v4;
	v17 =	vmul.f32 v17, v4;
	v43 =	vld [tilespmem:s15+$0xC480]  }
0x15d: {  	v42 =	vmul.f32 v10, v4;
	v10 =	vmul.f32 v33, v4;
	v44 =	vld [tilespmem:s15+$0xC0F0]  }
0x15e: {  	v33 =	vmul.f32 v5, v4;
	v5 =	vsub.f32 v29, v17;
	v20 =	vsub.f32 v12, v20;
	v12 =	vld [tilespmem:s15+$0x44E0]  }
0x15f: {  	v16 =	vmul.f32 v16, v4;
	v29 =	vmul.f32 v27, v4;
	v15 =	vsub.f32 v15, v42;
	v17 =	vld [tilespmem:s15+$0xC0C0]  }
0x160: {  	v30 =	vmul.f32 v30, v4;
	v13 =	vsub.f32 v13, v33;
	v27 =	vmul.f32 v20, v20;
	v33 =	vld [tilespmem:s15+$0xC4D0]  }
0x161: {  	v16 =	vsub.f32 v19, v16;
	v20 =	vmul.f32 v11, v4;
	v42 =	vld [tilespmem:s15+$0xC0B0];
	v15 =	vmul.f32 v15, v15  }
0x162: {  	v28 =	vsub.f32 v28, v30;
	v45 =	vmul.f32 v13, v13;
	v11 =	vadd.f32 v27, v18;
	v27 =	vld [tilespmem:s15+$0x40C0]  }
0x163: {  	v19 =	vmul.f32 v8, v4;
	v16 =	vmul.f32 v16, v16;
	v13 =	vadd.f32 v15, v2;
	v18 =	vld [tilespmem:s15+$0x40F0]  }
0x164: {  	v8 =	vmul.f32 v28, v28;
	v2 =	vmul.f32 v17, v4;
	v15 =	vadd.f32 v45, v11;
	v45 =	vld [tilespmem:s15+$0x4480]  }
0x165: {  	v1 =	vadd.f32 v16, v1;
	v17 =	vmul.f32 v34, v4;
	v16 =	vld [tilespmem:s15+$0x44A0];
	v11 =	vmul.f32 v33, v4  }
0x166: {  	v46 =	vmul.f32 v36, v4;
	v28 =	vmul.f32 v42, v4;
	v33 =	vld [tilespmem:s15+$0x44B0]  }
0x167: {  	v47 =	vmul.f32 v25, v4;
	v36 =	vmul.f32 v40, v4;
	v42 =	vld [tilespmem:s15+$0x40B0];
	v2 =	vsub.f32 v27, v2  }
0x168: {  	v40 =	vmul.f32 v24, v4;
	v24 =	vmul.f32 v35, v4;
	v0 =	vsub.f32 v0, v11;
	v25 =	vld [tilespmem:s15+$0x4490]  }
0x169: {  	v14 =	vsub.f32 v14, v29;
	v27 =	vmul.f32 v31, v4;
	v11 =	vsub.f32 v32, v17;
	v30 =	vld [tilespmem:s15+$0x40E0]  }
0x16a: {  	v34 =	vmul.f32 v39, v4;
	v31 =	vsub.f32 v26, v40;
	v17 =	vmul.f32 v0, v0;
	v35 =	vld [tilespmem:s15+$0xC880]  }
.Ltmp1:
0x16b: {  	v32 =	vmul.f32 v44, v4;
	v11 =	vmul.f32 v11, v11;
	v40 =	vld [tilespmem:s15+$0x44F0];
	(pc) =	sbr.rel @p0 .LBB2_4-.Ltmp1, $4  }
0x16c: {  	v29 =	vsub.f32 v42, v28;
	v28 =	vmul.f32 v23, v4;
	v39 =	vld [tilespmem:s15+$0x4890];
	v42 =	vmul.f32 v38, v4  }
0x16d: {  	v47 =	vsub.f32 v22, v47;
	v0 =	vmul.f32 v2, v2;
	v2 =	vmul.f32 v43, v4;
	v38 =	vld [tilespmem:s15+$0x4C80]  }
0x16e: {  	v22 =	vsub.f32 v21, v46;
	v26 =	vmul.f32 v41, v4;
	v43 =	vmul.f32 v37, v4;
	v37 =	vld [tilespmem:s15+$0x48D0]  }
0x16f: {  	s16 =	sadd.s32 $0x80, s16;
	s17 =	sadd.s32 $0x1, s17;
	s19 =	smov.u32 s18;
	v21 =	vmul.f32 v47, v47;
	v44 =	vsub.f32 v45, v2;
	v23 =	vadd.f32 v0, v1;
	v41 =	vld [tilespmem:s15+$0x4880]  }
0x170: {  	v0 =	vsub.f32 v33, v34;
	v1 =	vsub.f32 v40, v36  }
0x171: {  	v2 =	vmul.f32 v35, v4;
	v6 =	vmul.f32 v6, v4;
	v16 =	vsub.f32 v16, v43  }
0x172: {  	v28 =	vsub.f32 v30, v28;
	v31 =	vmul.f32 v31, v31;
	v18 =	vsub.f32 v18, v32  }
0x173: {  	v3 =	vsub.f32 v3, v19;
	v25 =	vsub.f32 v25, v27;
	v45 =	vmul.f32 v29, v29  }
0x174: {  	v12 =	vsub.f32 v12, v26;
	v22 =	vmul.f32 v22, v22;
	v58 =	vmul.f32 v14, v14  }
0x175: {  	v40 =	vld [tilespmem:s15+$0xCCA0];
	v9 =	vsub.f32 v9, v24;
	v36 =	vmul.f32 v44, v44;
	v1 =	vmul.f32 v1, v1  }
0x176: {  	v46 =	vld [tilespmem:s15+$0x4CA0];
	v63 =	vsub.f32 v39, v42;
	v16 =	vmul.f32 v16, v16;
	v43 =	vmul.f32 v28, v28  }
0x177: {  	v49 =	vld [tilespmem:s15+$0xCCE0];
	v20 =	vsub.f32 v38, v20;
	v44 =	vmul.f32 v25, v25;
	v3 =	vmul.f32 v3, v3  }
0x178: {  	v52 =	vld [tilespmem:s15+$0x4CE0];
	v7 =	vadd.f32 v45, v7;
	v18 =	vmul.f32 v18, v18;
	v6 =	vsub.f32 v37, v6  }
0x179: {  	v42 =	vld [tilespmem:s15+$0xCCD0];
	v0 =	vmul.f32 v0, v0;
	v23 =	vadd.f32 v36, v23;
	v2 =	vsub.f32 v41, v2  }
0x17a: {  	v12 =	vmul.f32 v12, v12;
	v13 =	vadd.f32 v43, v13;
	v15 =	vadd.f32 v44, v15  }
0x17b: {  	v47 =	vld [tilespmem:s15+$0x4CD0];
	v9 =	vmul.f32 v9, v9;
	v7 =	vadd.f32 v18, v7;
	v23 =	vadd.f32 v31, v23  }
0x17c: {  	v41 =	vld [tilespmem:s15+$0x4CB0];
	v48 =	vmul.f32 v40, v4;
	v57 =	vmul.f32 v49, v4;
	v13 =	vadd.f32 v16, v13  }
0x17d: {  	v39 =	vmul.f32 v63, v63;
	v15 =	vadd.f32 v17, v15;
	v0 =	vadd.f32 v0, v7  }
0x17e: {  	v51 =	vmul.f32 v42, v4;
	v50 =	vsub.f32 v46, v48;
	v60 =	vsub.f32 v52, v57  }
0x17f: {  	v2 =	vmul.f32 v2, v2;
	v12 =	vadd.f32 v12, v13;
	v54 =	vadd.f32 v39, v15  }
0x180: {  	v63 =	vmul.f32 v5, v5;
	v55 =	vsub.f32 v47, v51;
	v0 =	vadd.f32 v1, v0  }
0x181: {  	v6 =	vmul.f32 v6, v6;
	v2 =	vadd.f32 v2, v23;
	v10 =	vsub.f32 v41, v10  }
0x182: {  	v53 =	vmul.f32 v20, v20;
	v12 =	vadd.f32 v21, v12;
	v0 =	vadd.f32 v9, v0  }
0x183: {  	v59 =	vmul.f32 v50, v50;
	v56 =	vadd.f32 v6, v54;
	v2 =	vadd.f32 v11, v2  }
0x184: {  	v61 =	vmul.f32 v10, v10;
	v12 =	vadd.f32 v22, v12;
	v0 =	vadd.f32 v58, v0  }
0x185: {  	v62 =	vmul.f32 v55, v55;
	v1 =	vadd.f32 v3, v56;
	v2 =	vadd.f32 v53, v2  }
0x186: {  	v3 =	vmul.f32 v60, v60;
	v9 =	vadd.f32 v59, v12;
	v0 =	vadd.f32 v61, v0  }
0x187: {  	v1 =	vadd.f32 v62, v1;
	v2 =	vadd.f32 v8, v2  }
0x188: {  	v3 =	vadd.f32 v3, v9;
	v0 =	vadd.f32 v63, v0;
	_ =	sdelay $0x1  }
0x189: {  	v1 =	vadd.f32 v1, v2;
	v0 =	vadd.f32 v0, v3;
	_ =	sdelay $0x1  }
0x18a: {  	s14 =	sadd.s32 $0x1, s14;
	v0 =	vadd.f32 v0, v1  }
0x18b: {  	p0 =	sne.s32 s14, s10  }
.Ltmp2:
0x18c: {  	[tilespmem:$0x10480] =	vst v0;
	(pc) =	sbr.rel @p0 .LBB2_1-.Ltmp2, $4  }
0x18d: {  	[hbm4b:s9+s4] =	stream.linear.scatter [tilespmem:s12], [sflag:$0x5], $0x10, $0x38;
	[tilespmem:$0x10500] =	vst v63  }
0x18e: {  	_ =	swait.ge [sflag:s13], $0x10  }
0x18f: {  	[sflag:s13] =	ssyncset.done $0x0  }
0x190: {  	[sflag:s13] =	ssyncadd.s32 $0xFFFFFFF0  }
0x191: {  	_ =	sfence.sel $0x180000  }
0x192: {  	[bflag:$0x0] =	sbarrier.arrive $0xFFFF  }
0x193: {  	_ =	strace $0x90000047  }
0x194: {  	s0 =	stileid.u32;
	[bflag:$0x2] =	sbarrier.arrive $0xFFFF  }
0x195: {  	p0 =	sne.s32 s0, $0x0;
	s0 =	rddreg [dreg:$0x5]  }
0x196: {  	s0 =	sadd.s32 @!p0 $0x100000, s0  }
0x197: {  	[sflag:s0] =	ssyncadd.tile.s32 @!p0 $0x1;
	_ =	shalt  }
.Lfunc_end2:
_tile_overlayer_lowered:
.L_overlay_start_2:
0x198: {  	(tag) =	ssettag $0x2  }
0x199: {  	s0 =	rddreg [dreg:$0x0];
	s2 =	stileid.u32  }
0x19a: {  	s1 =	rddreg [dreg:$0x1];
	p0 =	sne.s32 s2, $0x0  }
0x19b: {  	s3 =	rddreg [dreg:$0x2];
	[bflag:$0x3] =	sbarrier.arrive $0xFFFF;
	s2 =	simm.s32 @!p0 $0x1C05  }
0x19c: {  	[timem:s3], [sflag:s2] =	dma.local @!p0 [hbm:s0], s1  }
0x19d: {  	s0 =	simm.s32 @!p0 $0x5  }
0x19e: {  	_ =	swait.ge @!p0 [sflag:s0], s1  }
0x19f: {  	s1 =	ssub.s32 @!p0 $0x0, s1;
	[sflag:s0] =	ssyncset.done @!p0 $0x0  }
0x1a0: {  	[sflag:s0] =	ssyncadd.s32 @!p0 s1  }
0x1a1: {  	[bflag:$0x3] =	sbarrier.arrive $0xFFFF  }
0x1a2: {  	_ =	shalt  }

</sc_bundles>
